<compile_context>
chip_gen: v7x
topology: tpu7x:2x2x1
jax: 0.10.2.dev20260603
libtpu: 0.0.44.dev20260713+nightly
codegen_flags: <defaults>
</compile_context>

<pallas_src>
import dataclasses
import functools

import jax
import jax.numpy as jnp
from jax import lax
from jax.experimental import pallas as pl
from jax.experimental.pallas import tpu as pltpu
from jax.experimental.pallas import tpu_sc as plsc

H, W = 480, 640
PLANE = H * W
LANES = 16
LANE_TILE = 128
WTILES = W // LANE_TILE
NUM_WORKERS = 32
NUM_CORES = 2


def _build_gather(B, N):
    ntiles_b = (N + LANE_TILE - 1) // LANE_TILE
    n_pad = ntiles_b * LANE_TILE
    slots = B * ntiles_b * 2 * LANE_TILE
    wpb = NUM_WORKERS // B

    tq, rem = divmod(ntiles_b, wpb)
    CT = 28
    NCH = -(-(tq + 1) // CT)
    OUT_WORDS = CT * 2 * LANE_TILE

    mesh = plsc.VectorSubcoreMesh(core_axis_name="c", subcore_axis_name="s")
    cp = pltpu.CompilerParams()
    if "needs_layout_passes" in pltpu.CompilerParams.__dataclass_fields__:
        cp = dataclasses.replace(cp, needs_layout_passes=False)

    @functools.partial(
        pl.kernel,
        out_type=jax.ShapeDtypeStruct((slots,), jnp.float32),
        mesh=mesh,
        compiler_params=cp,
        scratch_types=[
            pltpu.VMEM((CT, 2, LANE_TILE), jnp.int32),
            pltpu.VMEM((CT, 2, LANE_TILE), jnp.int32),
            pltpu.VMEM((OUT_WORDS,), jnp.int32),
            pltpu.VMEM((OUT_WORDS,), jnp.int32),
            pltpu.VMEM((OUT_WORDS,), jnp.float32),
            pltpu.VMEM((OUT_WORDS,), jnp.float32),
            pltpu.SemaphoreType.DMA,
            pltpu.SemaphoreType.DMA,
            pltpu.SemaphoreType.DMA,
            pltpu.SemaphoreType.DMA,
            pltpu.SemaphoreType.DMA,
            pltpu.SemaphoreType.DMA,
        ],
    )
    def gather_kernel(flow_hbm, ev_hbm, out_hbm,
                      yx0, yx1, idx0, idx1, ob0, ob1,
                      isem0, isem1, gsem0, gsem1, osem0, osem1):
        yxs, idxs, obufs = (yx0, yx1), (idx0, idx1), (ob0, ob1)
        isems, gsems, osems = (isem0, isem1), (gsem0, gsem1), (osem0, osem1)

        cid = lax.axis_index("c")
        sid = lax.axis_index("s")
        wid = sid * NUM_CORES + cid
        b = wid // wpb
        j = wid % wpb
        nt0 = j * tq + jnp.minimum(j, rem)
        nt1 = nt0 + tq + jnp.where(j < rem, 1, 0)
        plane0 = b * (2 * PLANE)
        obase = b * (ntiles_b * 2 * LANE_TILE)

        def chunk_start(i):
            return jnp.minimum(nt0 + i * CT, nt1 - CT)

        def start_in(i):
            s = i % 2
            ntS = chunk_start(i)
            return pltpu.async_copy(
                ev_hbm.at[b, pl.ds(ntS, CT), pl.ds(1, 2), :],
                yxs[s], isems[s])

        def compute(i):
            s = i % 2
            yx, idxbuf = yxs[s], idxs[s]

            @pl.loop(0, CT)
            def _tile(t):
                toff = t * (2 * LANE_TILE)

                @pl.loop(0, LANE_TILE, step=LANES)
                def _vec(j2):
                    yv = yx[t, 0, pl.ds(j2, LANES)]
                    xv = yx[t, 1, pl.ds(j2, LANES)]
                    pidx = (
                        ((yv >> 3) * WTILES + (xv >> 7)) * 1024
                        + ((yv & 7) << 7)
                        + (xv & 127)
                    )
                    idxbuf[pl.ds(toff + j2, LANES)] = pidx + (plane0 + PLANE)
                    idxbuf[pl.ds(toff + LANE_TILE + j2, LANES)] = pidx + plane0

        def start_gather(i):
            s = i % 2
            return pltpu.async_copy(flow_hbm.at[idxs[s]], obufs[s], gsems[s])

        def start_out(i):
            s = i % 2
            ntS = chunk_start(i)
            return pltpu.async_copy(
                obufs[s],
                out_hbm.at[pl.ds(obase + ntS * (2 * LANE_TILE), OUT_WORDS)],
                osems[s])

        h_in = {0: start_in(0), 1: start_in(1)}
        h_g, h_out = {}, {}
        for i in range(NCH):
            h_in[i].wait()
            compute(i)
            if i >= 2:
                h_out[i - 2].wait()
            h_g[i] = start_gather(i)
            if i >= 1:
                h_g[i - 1].wait()
                h_out[i - 1] = start_out(i - 1)
            if i + 2 < NCH:
                h_in[i + 2] = start_in(i + 2)
        h_g[NCH - 1].wait()
        h_out[NCH - 1] = start_out(NCH - 1)
        h_out[NCH - 2].wait()
        h_out[NCH - 1].wait()

    return gather_kernel, ntiles_b, n_pad, slots


def kernel(flow, event_list, pol_mask, event_mask):
    B, _, h, w = flow.shape
    N = event_list.shape[1]
    gk, ntiles_b, n_pad, slots = _build_gather(B, N)

    flow_view = (
        flow.reshape(B, 2, H // 8, 8, W // LANE_TILE, LANE_TILE)
        .transpose(0, 1, 2, 4, 3, 5)
        .reshape(-1)
    )

    evp = jnp.pad(event_list, ((0, 0), (0, n_pad - N), (0, 0)))
    ev_native = evp.reshape(B, ntiles_b, LANE_TILE, 4).transpose(0, 1, 3, 2)

    out1d = gk(flow_view, ev_native)

    out = (
        out1d.reshape(B, ntiles_b, 2, LANE_TILE)
        .transpose(0, 1, 3, 2)
        .reshape(B, n_pad, 2)[:, :N, :]
    )
    return out

# --- scband reference (transcript-rebuilt; emitter-appended) ---
"""Pipeline reference for scband-base-validation-loss-57690000720629 (READ-ONLY COPY).

The authoritative reference and input builder live on the scoring server;
editing this copy changes nothing except your own understanding.
"""

import jax, jax.numpy as jnp
import numpy as np

RES = (480, 640)


def setup_inputs(seed: int = 0) -> dict:
    key = jax.random.key(seed)
    k1, k2, k3, k4 = jax.random.split(key, 4)
    B, N = 4, 200000
    flow = jax.random.normal(k1, (B, 2, RES[0], RES[1]), dtype=jnp.float32)
    # event_list columns: (timestamp, y, x, polarity); values in [0, 480) so that
    # flow_idx = y * RES[1] + x < RES[0] * RES[1] is always a valid flat index.
    event_list = jax.random.randint(k2, (B, N, 4), 0, 480, dtype=jnp.int32)
    pol_mask = jax.random.uniform(k3, (B, N, 2), dtype=jnp.float32)
    event_mask = jax.random.uniform(k4, (B, 1, RES[0], RES[1]), dtype=jnp.float32)
    return {"flow": flow, "event_list": event_list, "pol_mask": pol_mask, "event_mask": event_mask}


def reference(flow, event_list, pol_mask, event_mask):
    # Faithful translation of BaseValidationLoss.event_flow_association core math:
    # flat gather of per-event flow vectors from the last flow map in flow_list.
    B = flow.shape[0]
    flow_idx = event_list[:, :, 1].astype(jnp.int32) * RES[1] + event_list[:, :, 2].astype(jnp.int32)
    flow_flat = flow.reshape(B, 2, -1)  # [B, 2, H*W]
    event_flowy = jnp.take_along_axis(flow_flat[:, 1, :], flow_idx, axis=1)  # [B, N]
    event_flowx = jnp.take_along_axis(flow_flat[:, 0, :], flow_idx, axis=1)  # [B, N]
    event_flow = jnp.concatenate(
        [event_flowy[:, :, None], event_flowx[:, :, None]], axis=2
    )  # [B, N, 2] == self._flow_list after first pass
    # _flow_map entry (reshape back), _event_mask passthrough are stateful stores;
    # the returned tensor is the computed association.
    return event_flow

if __name__ == "__main__":
    import jax
    _d = setup_inputs()
    print(jax.jit(kernel)(*tuple(_d.values())))

</pallas_src>

<mosaic_0001>
#map = affine_map<(d0, d1) -> (0)>
#map1 = affine_map<(d0, d1) -> (0, 0, 0, 0)>
module attributes {stable_mosaic.version = 14 : i64} {
  func.func @gather_kernel(%arg0: i32, %arg1: i32, %arg2: memref<2457600xf32, #tpu.memory_space<hbm>>, %arg3: memref<4x1563x4x128xi32, #tpu.memory_space<hbm>>, %arg4: memref<1600512xf32, #tpu.memory_space<hbm>>, %arg5: memref<28x2x128xi32, #tpu.memory_space<vmem>>, %arg6: memref<28x2x128xi32, #tpu.memory_space<vmem>>, %arg7: memref<7168xi32, #tpu.memory_space<vmem>>, %arg8: memref<7168xi32, #tpu.memory_space<vmem>>, %arg9: memref<7168xf32, #tpu.memory_space<vmem>>, %arg10: memref<7168xf32, #tpu.memory_space<vmem>>, %arg11: memref<!tpu.dma_semaphore, #tpu.memory_space<semaphore_mem>>, %arg12: memref<!tpu.dma_semaphore, #tpu.memory_space<semaphore_mem>>, %arg13: memref<!tpu.dma_semaphore, #tpu.memory_space<semaphore_mem>>, %arg14: memref<!tpu.dma_semaphore, #tpu.memory_space<semaphore_mem>>, %arg15: memref<!tpu.dma_semaphore, #tpu.memory_space<semaphore_mem>>, %arg16: memref<!tpu.dma_semaphore, #tpu.memory_space<semaphore_mem>>) attributes {dimension_semantics = [#tpu.dimension_semantics<core_parallel>, #tpu.dimension_semantics<subcore_parallel>], iteration_bounds = array<i64: 2, 16>, scalar_prefetch = 0 : i64, scratch_operands = 12 : i64, tpu.core_type = #tpu.core_type<sc_vector_subcore>, window_params = [{transform_indices = #map}, {transform_indices = #map1}, {transform_indices = #map}]} {
    %mul3A = arith.constant 2 : i32
    %mul3A_0 = arith.muli %arg1, %mul3A : i32
    %add3A = arith.addi %mul3A_0, %arg0 : i32
    %jit3A = arith.constant 8 : i32
    %div3A = arith.divsi %add3A, %jit3A : i32
    %sign3A = arith.constant 0 : i32
    %sign3A_1 = arith.cmpi sgt, %add3A, %sign3A : i32
    %sign3A_2 = arith.extui %sign3A_1 : i1 to i32
    %sign3A_3 = arith.constant 0 : i32
    %sign3A_4 = arith.cmpi slt, %add3A, %sign3A_3 : i32
    %sign3A_5 = arith.extui %sign3A_4 : i1 to i32
    %sign3A_6 = arith.subi %sign3A_2, %sign3A_5 : i32
    %sign3A_7 = arith.constant 0 : i32
    %sign3A_8 = arith.cmpi sgt, %jit3A, %sign3A_7 : i32
    %sign3A_9 = arith.extui %sign3A_8 : i1 to i32
    %sign3A_10 = arith.constant 0 : i32
    %sign3A_11 = arith.cmpi slt, %jit3A, %sign3A_10 : i32
    %sign3A_12 = arith.extui %sign3A_11 : i1 to i32
    %sign3A_13 = arith.subi %sign3A_9, %sign3A_12 : i32
    %ne3A = arith.cmpi ne, %sign3A_6, %sign3A_13 : i32
    %rem3A = arith.remsi %add3A, %jit3A : i32
    %ne3A_14 = arith.constant 0 : i32
    %ne3A_15 = arith.cmpi ne, %rem3A, %ne3A_14 : i32
    %and3A = arith.andi %ne3A, %ne3A_15 : i1
    %sub3A = arith.constant 1 : i32
    %sub3A_16 = arith.subi %div3A, %sub3A : i32
    %select_n3A = arith.select %and3A, %sub3A_16, %div3A : i32
    %jit3A_17 = arith.constant 8 : i32
    %eq3A = arith.constant 0 : i32
    %eq3A_18 = arith.cmpi eq, %jit3A_17, %eq3A : i32
    %jit3A_19 = arith.constant 1 : i32
    %select_n3A_20 = arith.select %eq3A_18, %jit3A_19, %jit3A_17 : i32
    %rem3A_21 = arith.remsi %add3A, %select_n3A_20 : i32
    %ne3A_22 = arith.constant 0 : i32
    %ne3A_23 = arith.cmpi ne, %rem3A_21, %ne3A_22 : i32
    %lt3A = arith.constant 0 : i32
    %lt3A_24 = arith.cmpi slt, %rem3A_21, %lt3A : i32
    %lt3A_25 = arith.constant 0 : i32
    %lt3A_26 = arith.cmpi slt, %select_n3A_20, %lt3A_25 : i32
    %ne3A_27 = arith.xori %lt3A_24, %lt3A_26 : i1
    %and3A_28 = arith.andi %ne3A_27, %ne3A_23 : i1
    %add3A_29 = arith.addi %rem3A_21, %select_n3A_20 : i32
    %select_n3A_30 = arith.select %and3A_28, %add3A_29, %rem3A_21 : i32
    %mul3A_31 = arith.constant 195 : i32
    %mul3A_32 = arith.muli %select_n3A_30, %mul3A_31 : i32
    %min3A = arith.constant 3 : i32
    %min3A_33 = arith.minsi %select_n3A_30, %min3A : i32
    %add3A_34 = arith.addi %mul3A_32, %min3A_33 : i32
    %add3A_35 = arith.constant 195 : i32
    %add3A_36 = arith.addi %add3A_34, %add3A_35 : i32
    %lt3A_37 = arith.constant 3 : i32
    %lt3A_38 = arith.cmpi slt, %select_n3A_30, %lt3A_37 : i32
    %jit3A_39 = arith.constant 1 : i32
    %jit3A_40 = arith.constant 0 : i32
    %select_n3A_41 = arith.select %lt3A_38, %jit3A_39, %jit3A_40 : i32
    %add3A_42 = arith.addi %add3A_36, %select_n3A_41 : i32
    %mul3A_43 = arith.constant 614400 : i32
    %mul3A_44 = arith.muli %select_n3A, %mul3A_43 : i32
    %mul3A_45 = arith.constant 400128 : i32
    %mul3A_46 = arith.muli %select_n3A, %mul3A_45 : i32
    %add3A_47 = arith.constant 0 : i32
    %add3A_48 = arith.addi %add3A_34, %add3A_47 : i32
    %sub3A_49 = arith.constant 28 : i32
    %sub3A_50 = arith.subi %add3A_42, %sub3A_49 : i32
    %min3A_51 = arith.minsi %add3A_48, %sub3A_50 : i32
    %dma_start3A = arith.constant 1 : i32
    %dma_start3A_52 = arith.constant 0 : i32
    %dma_start3A_53 = tpu.memref_slice %arg3[%select_n3A, %min3A_51, %dma_start3A, %dma_start3A_52] : memref<4x1563x4x128xi32, #tpu.memory_space<hbm>> -> memref<1x28x2x128xi32, #tpu.memory_space<hbm>>
    %dma_start3A_54 = tpu.memref_squeeze %dma_start3A_53 : memref<1x28x2x128xi32, #tpu.memory_space<hbm>> -> memref<28x2x128xi32, #tpu.memory_space<hbm>>
    %dma_start3A_55 = arith.constant 1 : i32
    %dma_start3A_56 = arith.constant 0 : i32
    %dma_start3A_57 = tpu.memref_slice %arg3[%select_n3A, %min3A_51, %dma_start3A_55, %dma_start3A_56] : memref<4x1563x4x128xi32, #tpu.memory_space<hbm>> -> memref<1x28x2x128xi32, #tpu.memory_space<hbm>>
    %dma_start3A_58 = tpu.memref_squeeze %dma_start3A_57 : memref<1x28x2x128xi32, #tpu.memory_space<hbm>> -> memref<28x2x128xi32, #tpu.memory_space<hbm>>
    tpu.enqueue_dma source(%dma_start3A_58 : memref<28x2x128xi32, #tpu.memory_space<hbm>>) target(%arg5 : memref<28x2x128xi32, #tpu.memory_space<vmem>>) target_semaphore(%arg11 : memref<!tpu.dma_semaphore, #tpu.memory_space<semaphore_mem>>)
    %add3A_59 = arith.constant 28 : i32
    %add3A_60 = arith.addi %add3A_34, %add3A_59 : i32
    %sub3A_61 = arith.constant 28 : i32
    %sub3A_62 = arith.subi %add3A_42, %sub3A_61 : i32
    %min3A_63 = arith.minsi %add3A_60, %sub3A_62 : i32
    %dma_start3A_64 = arith.constant 1 : i32
    %dma_start3A_65 = arith.constant 0 : i32
    %dma_start3A_66 = tpu.memref_slice %arg3[%select_n3A, %min3A_63, %dma_start3A_64, %dma_start3A_65] : memref<4x1563x4x128xi32, #tpu.memory_space<hbm>> -> memref<1x28x2x128xi32, #tpu.memory_space<hbm>>
    %dma_start3A_67 = tpu.memref_squeeze %dma_start3A_66 : memref<1x28x2x128xi32, #tpu.memory_space<hbm>> -> memref<28x2x128xi32, #tpu.memory_space<hbm>>
    %dma_start3A_68 = arith.constant 1 : i32
    %dma_start3A_69 = arith.constant 0 : i32
    %dma_start3A_70 = tpu.memref_slice %arg3[%select_n3A, %min3A_63, %dma_start3A_68, %dma_start3A_69] : memref<4x1563x4x128xi32, #tpu.memory_space<hbm>> -> memref<1x28x2x128xi32, #tpu.memory_space<hbm>>
    %dma_start3A_71 = tpu.memref_squeeze %dma_start3A_70 : memref<1x28x2x128xi32, #tpu.memory_space<hbm>> -> memref<28x2x128xi32, #tpu.memory_space<hbm>>
    tpu.enqueue_dma source(%dma_start3A_71 : memref<28x2x128xi32, #tpu.memory_space<hbm>>) target(%arg6 : memref<28x2x128xi32, #tpu.memory_space<vmem>>) target_semaphore(%arg12 : memref<!tpu.dma_semaphore, #tpu.memory_space<semaphore_mem>>)
    %dma_wait3A = arith.constant 1 : i32
    %dma_wait3A_72 = arith.constant 0 : i32
    %dma_wait3A_73 = tpu.memref_slice %arg3[%select_n3A, %min3A_51, %dma_wait3A, %dma_wait3A_72] : memref<4x1563x4x128xi32, #tpu.memory_space<hbm>> -> memref<1x28x2x128xi32, #tpu.memory_space<hbm>>
    %dma_wait3A_74 = tpu.memref_squeeze %dma_wait3A_73 : memref<1x28x2x128xi32, #tpu.memory_space<hbm>> -> memref<28x2x128xi32, #tpu.memory_space<hbm>>
    %dma_wait3A_75 = arith.constant 1 : i32
    %dma_wait3A_76 = arith.constant 0 : i32
    %dma_wait3A_77 = tpu.memref_slice %arg3[%select_n3A, %min3A_51, %dma_wait3A_75, %dma_wait3A_76] : memref<4x1563x4x128xi32, #tpu.memory_space<hbm>> -> memref<1x28x2x128xi32, #tpu.memory_space<hbm>>
    %dma_wait3A_78 = tpu.memref_squeeze %dma_wait3A_77 : memref<1x28x2x128xi32, #tpu.memory_space<hbm>> -> memref<28x2x128xi32, #tpu.memory_space<hbm>>
    tpu.wait_dma2 semaphore(%arg11 : memref<!tpu.dma_semaphore, #tpu.memory_space<semaphore_mem>>) src(%dma_wait3A_78 : memref<28x2x128xi32, #tpu.memory_space<hbm>>) dst(%arg5 : memref<28x2x128xi32, #tpu.memory_space<vmem>>)
    %scan3A = arith.constant 0 : i32
    %scan3A_79 = arith.constant 28 : i32
    %scan3A_80 = arith.addi %scan3A, %scan3A_79 : i32
    %scan3A_81 = arith.constant 1 : i32
    scf.for %scan3A_338 = %scan3A to %scan3A_80 step %scan3A_81  : i32 {
      %mul3A_339 = arith.constant 1 : i32
      %mul3A_340 = arith.muli %scan3A_338, %mul3A_339 : i32
      %add3A_341 = arith.constant 0 : i32
      %add3A_342 = arith.addi %add3A_341, %mul3A_340 : i32
      %mul3A_343 = arith.constant 256 : i32
      %mul3A_344 = arith.muli %add3A_342, %mul3A_343 : i32
      %scan3A_345 = arith.constant 0 : i32
      %scan3A_346 = arith.constant 8 : i32
      %scan3A_347 = arith.addi %scan3A_345, %scan3A_346 : i32
      %scan3A_348 = arith.constant 1 : i32
      scf.for %scan3A_350 = %scan3A_345 to %scan3A_347 step %scan3A_348  : i32 {
        %mul3A_351 = arith.constant 16 : i32
        %mul3A_352 = arith.muli %scan3A_350, %mul3A_351 : i32
        %add3A_353 = arith.constant 0 : i32
        %add3A_354 = arith.addi %add3A_353, %mul3A_352 : i32
        %get3A = arith.constant 0 : i32
        %get3A_355 = arith.index_cast %add3A_342 : i32 to index
        %get3A_356 = arith.index_cast %get3A : i32 to index
        %get3A_357 = arith.index_cast %add3A_354 : i32 to index
        %get3A_358 = tpu.vector_load %arg5[%get3A_355, %get3A_356, %get3A_357] {strides = array<i32>} : memref<28x2x128xi32, #tpu.memory_space<vmem>>, vector<16xi32>,
        %get3A_359 = arith.constant 1 : i32
        %get3A_360 = arith.index_cast %add3A_342 : i32 to index
        %get3A_361 = arith.index_cast %get3A_359 : i32 to index
        %get3A_362 = arith.index_cast %add3A_354 : i32 to index
        %get3A_363 = tpu.vector_load %arg5[%get3A_360, %get3A_361, %get3A_362] {strides = array<i32>} : memref<28x2x128xi32, #tpu.memory_space<vmem>>, vector<16xi32>,
        %shift_right_arithmetic3A = arith.constant 3 : i32
        %shift_right_arithmetic3A_364 = vector.broadcast %shift_right_arithmetic3A : i32 to vector<16xi32>
        %shift_right_arithmetic3A_365 = arith.shrsi %get3A_358, %shift_right_arithmetic3A_364 : vector<16xi32>
        %mul3A_366 = arith.constant 5 : i32
        %mul3A_367 = vector.broadcast %mul3A_366 : i32 to vector<16xi32>
        %mul3A_368 = arith.muli %shift_right_arithmetic3A_365, %mul3A_367 : vector<16xi32>
        %shift_right_arithmetic3A_369 = arith.constant 7 : i32
        %shift_right_arithmetic3A_370 = vector.broadcast %shift_right_arithmetic3A_369 : i32 to vector<16xi32>
        %shift_right_arithmetic3A_371 = arith.shrsi %get3A_363, %shift_right_arithmetic3A_370 : vector<16xi32>
        %add3A_372 = arith.addi %mul3A_368, %shift_right_arithmetic3A_371 : vector<16xi32>
        %mul3A_373 = arith.constant 1024 : i32
        %mul3A_374 = vector.broadcast %mul3A_373 : i32 to vector<16xi32>
        %mul3A_375 = arith.muli %add3A_372, %mul3A_374 : vector<16xi32>
        %and3A_376 = arith.constant 7 : i32
        %and3A_377 = vector.broadcast %and3A_376 : i32 to vector<16xi32>
        %and3A_378 = arith.andi %get3A_358, %and3A_377 : vector<16xi32>
        %shift_left3A = arith.constant 7 : i32
        %shift_left3A_379 = vector.broadcast %shift_left3A : i32 to vector<16xi32>
        %shift_left3A_380 = arith.shli %and3A_378, %shift_left3A_379 : vector<16xi32>
        %add3A_381 = arith.addi %mul3A_375, %shift_left3A_380 : vector<16xi32>
        %and3A_382 = arith.constant 127 : i32
        %and3A_383 = vector.broadcast %and3A_382 : i32 to vector<16xi32>
        %and3A_384 = arith.andi %get3A_363, %and3A_383 : vector<16xi32>
        %add3A_385 = arith.addi %add3A_381, %and3A_384 : vector<16xi32>
        %add3A_386 = arith.constant 307200 : i32
        %add3A_387 = arith.addi %mul3A_44, %add3A_386 : i32
        %add3A_388 = vector.broadcast %add3A_387 : i32 to vector<16xi32>
        %add3A_389 = arith.addi %add3A_385, %add3A_388 : vector<16xi32>
        %add3A_390 = arith.addi %mul3A_344, %add3A_354 : i32
        %swap3A = arith.index_cast %add3A_390 : i32 to index
        %swap3A_391 = tpu.vector_load %arg7[%swap3A] {strides = array<i32>} : memref<7168xi32, #tpu.memory_space<vmem>>, vector<16xi32>,
        tpu.vector_store %arg7[%swap3A], %add3A_389 {strides = array<i32>} : memref<7168xi32, #tpu.memory_space<vmem>>, vector<16xi32>,
        %add3A_392 = vector.broadcast %mul3A_44 : i32 to vector<16xi32>
        %add3A_393 = arith.addi %add3A_385, %add3A_392 : vector<16xi32>
        %add3A_394 = arith.constant 128 : i32
        %add3A_395 = arith.addi %mul3A_344, %add3A_394 : i32
        %add3A_396 = arith.addi %add3A_395, %add3A_354 : i32
        %swap3A_397 = arith.index_cast %add3A_396 : i32 to index
        %swap3A_398 = tpu.vector_load %arg7[%swap3A_397] {strides = array<i32>} : memref<7168xi32, #tpu.memory_space<vmem>>, vector<16xi32>,
        tpu.vector_store %arg7[%swap3A_397], %add3A_393 {strides = array<i32>} : memref<7168xi32, #tpu.memory_space<vmem>>, vector<16xi32>,
      }
      %scan3A_349 = arith.constant 8 : i32
    }
    %scan3A_82 = arith.constant 28 : i32
    %dma_start3A_83 = arith.constant 0 : i32
    %dma_start3A_84 = tpu.memref_slice %arg2[%dma_start3A_83] : memref<2457600xf32, #tpu.memory_space<hbm>> -> memref<2457600xf32, #tpu.memory_space<hbm>>
    tpu.enqueue_indirect_dma source(%dma_start3A_84 : memref<2457600xf32, #tpu.memory_space<hbm>>) target(%arg9 : memref<7168xf32, #tpu.memory_space<vmem>>) offsets(%arg7 : memref<7168xi32, #tpu.memory_space<vmem>>) semaphore(%arg13 : memref<!tpu.dma_semaphore, #tpu.memory_space<semaphore_mem>>)
    %add3A_85 = arith.constant 56 : i32
    %add3A_86 = arith.addi %add3A_34, %add3A_85 : i32
    %sub3A_87 = arith.constant 28 : i32
    %sub3A_88 = arith.subi %add3A_42, %sub3A_87 : i32
    %min3A_89 = arith.minsi %add3A_86, %sub3A_88 : i32
    %dma_start3A_90 = arith.constant 1 : i32
    %dma_start3A_91 = arith.constant 0 : i32
    %dma_start3A_92 = tpu.memref_slice %arg3[%select_n3A, %min3A_89, %dma_start3A_90, %dma_start3A_91] : memref<4x1563x4x128xi32, #tpu.memory_space<hbm>> -> memref<1x28x2x128xi32, #tpu.memory_space<hbm>>
    %dma_start3A_93 = tpu.memref_squeeze %dma_start3A_92 : memref<1x28x2x128xi32, #tpu.memory_space<hbm>> -> memref<28x2x128xi32, #tpu.memory_space<hbm>>
    %dma_start3A_94 = arith.constant 1 : i32
    %dma_start3A_95 = arith.constant 0 : i32
    %dma_start3A_96 = tpu.memref_slice %arg3[%select_n3A, %min3A_89, %dma_start3A_94, %dma_start3A_95] : memref<4x1563x4x128xi32, #tpu.memory_space<hbm>> -> memref<1x28x2x128xi32, #tpu.memory_space<hbm>>
    %dma_start3A_97 = tpu.memref_squeeze %dma_start3A_96 : memref<1x28x2x128xi32, #tpu.memory_space<hbm>> -> memref<28x2x128xi32, #tpu.memory_space<hbm>>
    tpu.enqueue_dma source(%dma_start3A_97 : memref<28x2x128xi32, #tpu.memory_space<hbm>>) target(%arg5 : memref<28x2x128xi32, #tpu.memory_space<vmem>>) target_semaphore(%arg11 : memref<!tpu.dma_semaphore, #tpu.memory_space<semaphore_mem>>)
    %dma_wait3A_98 = arith.constant 1 : i32
    %dma_wait3A_99 = arith.constant 0 : i32
    %dma_wait3A_100 = tpu.memref_slice %arg3[%select_n3A, %min3A_63, %dma_wait3A_98, %dma_wait3A_99] : memref<4x1563x4x128xi32, #tpu.memory_space<hbm>> -> memref<1x28x2x128xi32, #tpu.memory_space<hbm>>
    %dma_wait3A_101 = tpu.memref_squeeze %dma_wait3A_100 : memref<1x28x2x128xi32, #tpu.memory_space<hbm>> -> memref<28x2x128xi32, #tpu.memory_space<hbm>>
    %dma_wait3A_102 = arith.constant 1 : i32
    %dma_wait3A_103 = arith.constant 0 : i32
    %dma_wait3A_104 = tpu.memref_slice %arg3[%select_n3A, %min3A_63, %dma_wait3A_102, %dma_wait3A_103] : memref<4x1563x4x128xi32, #tpu.memory_space<hbm>> -> memref<1x28x2x128xi32, #tpu.memory_space<hbm>>
    %dma_wait3A_105 = tpu.memref_squeeze %dma_wait3A_104 : memref<1x28x2x128xi32, #tpu.memory_space<hbm>> -> memref<28x2x128xi32, #tpu.memory_space<hbm>>
    tpu.wait_dma2 semaphore(%arg12 : memref<!tpu.dma_semaphore, #tpu.memory_space<semaphore_mem>>) src(%dma_wait3A_105 : memref<28x2x128xi32, #tpu.memory_space<hbm>>) dst(%arg6 : memref<28x2x128xi32, #tpu.memory_space<vmem>>)
    %scan3A_106 = arith.constant 0 : i32
    %scan3A_107 = arith.constant 28 : i32
    %scan3A_108 = arith.addi %scan3A_106, %scan3A_107 : i32
    %scan3A_109 = arith.constant 1 : i32
    scf.for %scan3A_338 = %scan3A_106 to %scan3A_108 step %scan3A_109  : i32 {
      %mul3A_339 = arith.constant 1 : i32
      %mul3A_340 = arith.muli %scan3A_338, %mul3A_339 : i32
      %add3A_341 = arith.constant 0 : i32
      %add3A_342 = arith.addi %add3A_341, %mul3A_340 : i32
      %mul3A_343 = arith.constant 256 : i32
      %mul3A_344 = arith.muli %add3A_342, %mul3A_343 : i32
      %scan3A_345 = arith.constant 0 : i32
      %scan3A_346 = arith.constant 8 : i32
      %scan3A_347 = arith.addi %scan3A_345, %scan3A_346 : i32
      %scan3A_348 = arith.constant 1 : i32
      scf.for %scan3A_350 = %scan3A_345 to %scan3A_347 step %scan3A_348  : i32 {
        %mul3A_351 = arith.constant 16 : i32
        %mul3A_352 = arith.muli %scan3A_350, %mul3A_351 : i32
        %add3A_353 = arith.constant 0 : i32
        %add3A_354 = arith.addi %add3A_353, %mul3A_352 : i32
        %get3A = arith.constant 0 : i32
        %get3A_355 = arith.index_cast %add3A_342 : i32 to index
        %get3A_356 = arith.index_cast %get3A : i32 to index
        %get3A_357 = arith.index_cast %add3A_354 : i32 to index
        %get3A_358 = tpu.vector_load %arg6[%get3A_355, %get3A_356, %get3A_357] {strides = array<i32>} : memref<28x2x128xi32, #tpu.memory_space<vmem>>, vector<16xi32>,
        %get3A_359 = arith.constant 1 : i32
        %get3A_360 = arith.index_cast %add3A_342 : i32 to index
        %get3A_361 = arith.index_cast %get3A_359 : i32 to index
        %get3A_362 = arith.index_cast %add3A_354 : i32 to index
        %get3A_363 = tpu.vector_load %arg6[%get3A_360, %get3A_361, %get3A_362] {strides = array<i32>} : memref<28x2x128xi32, #tpu.memory_space<vmem>>, vector<16xi32>,
        %shift_right_arithmetic3A = arith.constant 3 : i32
        %shift_right_arithmetic3A_364 = vector.broadcast %shift_right_arithmetic3A : i32 to vector<16xi32>
        %shift_right_arithmetic3A_365 = arith.shrsi %get3A_358, %shift_right_arithmetic3A_364 : vector<16xi32>
        %mul3A_366 = arith.constant 5 : i32
        %mul3A_367 = vector.broadcast %mul3A_366 : i32 to vector<16xi32>
        %mul3A_368 = arith.muli %shift_right_arithmetic3A_365, %mul3A_367 : vector<16xi32>
        %shift_right_arithmetic3A_369 = arith.constant 7 : i32
        %shift_right_arithmetic3A_370 = vector.broadcast %shift_right_arithmetic3A_369 : i32 to vector<16xi32>
        %shift_right_arithmetic3A_371 = arith.shrsi %get3A_363, %shift_right_arithmetic3A_370 : vector<16xi32>
        %add3A_372 = arith.addi %mul3A_368, %shift_right_arithmetic3A_371 : vector<16xi32>
        %mul3A_373 = arith.constant 1024 : i32
        %mul3A_374 = vector.broadcast %mul3A_373 : i32 to vector<16xi32>
        %mul3A_375 = arith.muli %add3A_372, %mul3A_374 : vector<16xi32>
        %and3A_376 = arith.constant 7 : i32
        %and3A_377 = vector.broadcast %and3A_376 : i32 to vector<16xi32>
        %and3A_378 = arith.andi %get3A_358, %and3A_377 : vector<16xi32>
        %shift_left3A = arith.constant 7 : i32
        %shift_left3A_379 = vector.broadcast %shift_left3A : i32 to vector<16xi32>
        %shift_left3A_380 = arith.shli %and3A_378, %shift_left3A_379 : vector<16xi32>
        %add3A_381 = arith.addi %mul3A_375, %shift_left3A_380 : vector<16xi32>
        %and3A_382 = arith.constant 127 : i32
        %and3A_383 = vector.broadcast %and3A_382 : i32 to vector<16xi32>
        %and3A_384 = arith.andi %get3A_363, %and3A_383 : vector<16xi32>
        %add3A_385 = arith.addi %add3A_381, %and3A_384 : vector<16xi32>
        %add3A_386 = arith.constant 307200 : i32
        %add3A_387 = arith.addi %mul3A_44, %add3A_386 : i32
        %add3A_388 = vector.broadcast %add3A_387 : i32 to vector<16xi32>
        %add3A_389 = arith.addi %add3A_385, %add3A_388 : vector<16xi32>
        %add3A_390 = arith.addi %mul3A_344, %add3A_354 : i32
        %swap3A = arith.index_cast %add3A_390 : i32 to index
        %swap3A_391 = tpu.vector_load %arg8[%swap3A] {strides = array<i32>} : memref<7168xi32, #tpu.memory_space<vmem>>, vector<16xi32>,
        tpu.vector_store %arg8[%swap3A], %add3A_389 {strides = array<i32>} : memref<7168xi32, #tpu.memory_space<vmem>>, vector<16xi32>,
        %add3A_392 = vector.broadcast %mul3A_44 : i32 to vector<16xi32>
        %add3A_393 = arith.addi %add3A_385, %add3A_392 : vector<16xi32>
        %add3A_394 = arith.constant 128 : i32
        %add3A_395 = arith.addi %mul3A_344, %add3A_394 : i32
        %add3A_396 = arith.addi %add3A_395, %add3A_354 : i32
        %swap3A_397 = arith.index_cast %add3A_396 : i32 to index
        %swap3A_398 = tpu.vector_load %arg8[%swap3A_397] {strides = array<i32>} : memref<7168xi32, #tpu.memory_space<vmem>>, vector<16xi32>,
        tpu.vector_store %arg8[%swap3A_397], %add3A_393 {strides = array<i32>} : memref<7168xi32, #tpu.memory_space<vmem>>, vector<16xi32>,
      }
      %scan3A_349 = arith.constant 8 : i32
    }
    %scan3A_110 = arith.constant 28 : i32
    %dma_start3A_111 = arith.constant 0 : i32
    %dma_start3A_112 = tpu.memref_slice %arg2[%dma_start3A_111] : memref<2457600xf32, #tpu.memory_space<hbm>> -> memref<2457600xf32, #tpu.memory_space<hbm>>
    tpu.enqueue_indirect_dma source(%dma_start3A_112 : memref<2457600xf32, #tpu.memory_space<hbm>>) target(%arg10 : memref<7168xf32, #tpu.memory_space<vmem>>) offsets(%arg8 : memref<7168xi32, #tpu.memory_space<vmem>>) semaphore(%arg14 : memref<!tpu.dma_semaphore, #tpu.memory_space<semaphore_mem>>)
    %dma_wait3A_113 = arith.constant 0 : i32
    %dma_wait3A_114 = tpu.memref_slice %arg2[%dma_wait3A_113] : memref<2457600xf32, #tpu.memory_space<hbm>> -> memref<2457600xf32, #tpu.memory_space<hbm>>
    tpu.wait_indirect_dma semaphore(%arg13 : memref<!tpu.dma_semaphore, #tpu.memory_space<semaphore_mem>>) src(%dma_wait3A_114 : memref<2457600xf32, #tpu.memory_space<hbm>>) dst(%arg9 : memref<7168xf32, #tpu.memory_space<vmem>>)
    %add3A_115 = arith.constant 0 : i32
    %add3A_116 = arith.addi %add3A_34, %add3A_115 : i32
    %sub3A_117 = arith.constant 28 : i32
    %sub3A_118 = arith.subi %add3A_42, %sub3A_117 : i32
    %min3A_119 = arith.minsi %add3A_116, %sub3A_118 : i32
    %mul3A_120 = arith.constant 256 : i32
    %mul3A_121 = arith.muli %min3A_119, %mul3A_120 : i32
    %add3A_122 = arith.addi %mul3A_46, %mul3A_121 : i32
    %dma_start3A_123 = tpu.memref_slice %arg4[%add3A_122] : memref<1600512xf32, #tpu.memory_space<hbm>> -> memref<7168xf32, #tpu.memory_space<hbm>>
    %dma_start3A_124 = tpu.memref_slice %arg4[%add3A_122] : memref<1600512xf32, #tpu.memory_space<hbm>> -> memref<7168xf32, #tpu.memory_space<hbm>>
    tpu.enqueue_dma source(%arg9 : memref<7168xf32, #tpu.memory_space<vmem>>) target(%dma_start3A_124 : memref<7168xf32, #tpu.memory_space<hbm>>) target_semaphore(%arg15 : memref<!tpu.dma_semaphore, #tpu.memory_space<semaphore_mem>>)
    %add3A_125 = arith.constant 84 : i32
    %add3A_126 = arith.addi %add3A_34, %add3A_125 : i32
    %sub3A_127 = arith.constant 28 : i32
    %sub3A_128 = arith.subi %add3A_42, %sub3A_127 : i32
    %min3A_129 = arith.minsi %add3A_126, %sub3A_128 : i32
    %dma_start3A_130 = arith.constant 1 : i32
    %dma_start3A_131 = arith.constant 0 : i32
    %dma_start3A_132 = tpu.memref_slice %arg3[%select_n3A, %min3A_129, %dma_start3A_130, %dma_start3A_131] : memref<4x1563x4x128xi32, #tpu.memory_space<hbm>> -> memref<1x28x2x128xi32, #tpu.memory_space<hbm>>
    %dma_start3A_133 = tpu.memref_squeeze %dma_start3A_132 : memref<1x28x2x128xi32, #tpu.memory_space<hbm>> -> memref<28x2x128xi32, #tpu.memory_space<hbm>>
    %dma_start3A_134 = arith.constant 1 : i32
    %dma_start3A_135 = arith.constant 0 : i32
    %dma_start3A_136 = tpu.memref_slice %arg3[%select_n3A, %min3A_129, %dma_start3A_134, %dma_start3A_135] : memref<4x1563x4x128xi32, #tpu.memory_space<hbm>> -> memref<1x28x2x128xi32, #tpu.memory_space<hbm>>
    %dma_start3A_137 = tpu.memref_squeeze %dma_start3A_136 : memref<1x28x2x128xi32, #tpu.memory_space<hbm>> -> memref<28x2x128xi32, #tpu.memory_space<hbm>>
    tpu.enqueue_dma source(%dma_start3A_137 : memref<28x2x128xi32, #tpu.memory_space<hbm>>) target(%arg6 : memref<28x2x128xi32, #tpu.memory_space<vmem>>) target_semaphore(%arg12 : memref<!tpu.dma_semaphore, #tpu.memory_space<semaphore_mem>>)
    %dma_wait3A_138 = arith.constant 1 : i32
    %dma_wait3A_139 = arith.constant 0 : i32
    %dma_wait3A_140 = tpu.memref_slice %arg3[%select_n3A, %min3A_89, %dma_wait3A_138, %dma_wait3A_139] : memref<4x1563x4x128xi32, #tpu.memory_space<hbm>> -> memref<1x28x2x128xi32, #tpu.memory_space<hbm>>
    %dma_wait3A_141 = tpu.memref_squeeze %dma_wait3A_140 : memref<1x28x2x128xi32, #tpu.memory_space<hbm>> -> memref<28x2x128xi32, #tpu.memory_space<hbm>>
    %dma_wait3A_142 = arith.constant 1 : i32
    %dma_wait3A_143 = arith.constant 0 : i32
    %dma_wait3A_144 = tpu.memref_slice %arg3[%select_n3A, %min3A_89, %dma_wait3A_142, %dma_wait3A_143] : memref<4x1563x4x128xi32, #tpu.memory_space<hbm>> -> memref<1x28x2x128xi32, #tpu.memory_space<hbm>>
    %dma_wait3A_145 = tpu.memref_squeeze %dma_wait3A_144 : memref<1x28x2x128xi32, #tpu.memory_space<hbm>> -> memref<28x2x128xi32, #tpu.memory_space<hbm>>
    tpu.wait_dma2 semaphore(%arg11 : memref<!tpu.dma_semaphore, #tpu.memory_space<semaphore_mem>>) src(%dma_wait3A_145 : memref<28x2x128xi32, #tpu.memory_space<hbm>>) dst(%arg5 : memref<28x2x128xi32, #tpu.memory_space<vmem>>)
    %scan3A_146 = arith.constant 0 : i32
    %scan3A_147 = arith.constant 28 : i32
    %scan3A_148 = arith.addi %scan3A_146, %scan3A_147 : i32
    %scan3A_149 = arith.constant 1 : i32
    scf.for %scan3A_338 = %scan3A_146 to %scan3A_148 step %scan3A_149  : i32 {
      %mul3A_339 = arith.constant 1 : i32
      %mul3A_340 = arith.muli %scan3A_338, %mul3A_339 : i32
      %add3A_341 = arith.constant 0 : i32
      %add3A_342 = arith.addi %add3A_341, %mul3A_340 : i32
      %mul3A_343 = arith.constant 256 : i32
      %mul3A_344 = arith.muli %add3A_342, %mul3A_343 : i32
      %scan3A_345 = arith.constant 0 : i32
      %scan3A_346 = arith.constant 8 : i32
      %scan3A_347 = arith.addi %scan3A_345, %scan3A_346 : i32
      %scan3A_348 = arith.constant 1 : i32
      scf.for %scan3A_350 = %scan3A_345 to %scan3A_347 step %scan3A_348  : i32 {
        %mul3A_351 = arith.constant 16 : i32
        %mul3A_352 = arith.muli %scan3A_350, %mul3A_351 : i32
        %add3A_353 = arith.constant 0 : i32
        %add3A_354 = arith.addi %add3A_353, %mul3A_352 : i32
        %get3A = arith.constant 0 : i32
        %get3A_355 = arith.index_cast %add3A_342 : i32 to index
        %get3A_356 = arith.index_cast %get3A : i32 to index
        %get3A_357 = arith.index_cast %add3A_354 : i32 to index
        %get3A_358 = tpu.vector_load %arg5[%get3A_355, %get3A_356, %get3A_357] {strides = array<i32>} : memref<28x2x128xi32, #tpu.memory_space<vmem>>, vector<16xi32>,
        %get3A_359 = arith.constant 1 : i32
        %get3A_360 = arith.index_cast %add3A_342 : i32 to index
        %get3A_361 = arith.index_cast %get3A_359 : i32 to index
        %get3A_362 = arith.index_cast %add3A_354 : i32 to index
        %get3A_363 = tpu.vector_load %arg5[%get3A_360, %get3A_361, %get3A_362] {strides = array<i32>} : memref<28x2x128xi32, #tpu.memory_space<vmem>>, vector<16xi32>,
        %shift_right_arithmetic3A = arith.constant 3 : i32
        %shift_right_arithmetic3A_364 = vector.broadcast %shift_right_arithmetic3A : i32 to vector<16xi32>
        %shift_right_arithmetic3A_365 = arith.shrsi %get3A_358, %shift_right_arithmetic3A_364 : vector<16xi32>
        %mul3A_366 = arith.constant 5 : i32
        %mul3A_367 = vector.broadcast %mul3A_366 : i32 to vector<16xi32>
        %mul3A_368 = arith.muli %shift_right_arithmetic3A_365, %mul3A_367 : vector<16xi32>
        %shift_right_arithmetic3A_369 = arith.constant 7 : i32
        %shift_right_arithmetic3A_370 = vector.broadcast %shift_right_arithmetic3A_369 : i32 to vector<16xi32>
        %shift_right_arithmetic3A_371 = arith.shrsi %get3A_363, %shift_right_arithmetic3A_370 : vector<16xi32>
        %add3A_372 = arith.addi %mul3A_368, %shift_right_arithmetic3A_371 : vector<16xi32>
        %mul3A_373 = arith.constant 1024 : i32
        %mul3A_374 = vector.broadcast %mul3A_373 : i32 to vector<16xi32>
        %mul3A_375 = arith.muli %add3A_372, %mul3A_374 : vector<16xi32>
        %and3A_376 = arith.constant 7 : i32
        %and3A_377 = vector.broadcast %and3A_376 : i32 to vector<16xi32>
        %and3A_378 = arith.andi %get3A_358, %and3A_377 : vector<16xi32>
        %shift_left3A = arith.constant 7 : i32
        %shift_left3A_379 = vector.broadcast %shift_left3A : i32 to vector<16xi32>
        %shift_left3A_380 = arith.shli %and3A_378, %shift_left3A_379 : vector<16xi32>
        %add3A_381 = arith.addi %mul3A_375, %shift_left3A_380 : vector<16xi32>
        %and3A_382 = arith.constant 127 : i32
        %and3A_383 = vector.broadcast %and3A_382 : i32 to vector<16xi32>
        %and3A_384 = arith.andi %get3A_363, %and3A_383 : vector<16xi32>
        %add3A_385 = arith.addi %add3A_381, %and3A_384 : vector<16xi32>
        %add3A_386 = arith.constant 307200 : i32
        %add3A_387 = arith.addi %mul3A_44, %add3A_386 : i32
        %add3A_388 = vector.broadcast %add3A_387 : i32 to vector<16xi32>
        %add3A_389 = arith.addi %add3A_385, %add3A_388 : vector<16xi32>
        %add3A_390 = arith.addi %mul3A_344, %add3A_354 : i32
        %swap3A = arith.index_cast %add3A_390 : i32 to index
        %swap3A_391 = tpu.vector_load %arg7[%swap3A] {strides = array<i32>} : memref<7168xi32, #tpu.memory_space<vmem>>, vector<16xi32>,
        tpu.vector_store %arg7[%swap3A], %add3A_389 {strides = array<i32>} : memref<7168xi32, #tpu.memory_space<vmem>>, vector<16xi32>,
        %add3A_392 = vector.broadcast %mul3A_44 : i32 to vector<16xi32>
        %add3A_393 = arith.addi %add3A_385, %add3A_392 : vector<16xi32>
        %add3A_394 = arith.constant 128 : i32
        %add3A_395 = arith.addi %mul3A_344, %add3A_394 : i32
        %add3A_396 = arith.addi %add3A_395, %add3A_354 : i32
        %swap3A_397 = arith.index_cast %add3A_396 : i32 to index
        %swap3A_398 = tpu.vector_load %arg7[%swap3A_397] {strides = array<i32>} : memref<7168xi32, #tpu.memory_space<vmem>>, vector<16xi32>,
        tpu.vector_store %arg7[%swap3A_397], %add3A_393 {strides = array<i32>} : memref<7168xi32, #tpu.memory_space<vmem>>, vector<16xi32>,
      }
      %scan3A_349 = arith.constant 8 : i32
    }
    %scan3A_150 = arith.constant 28 : i32
    %dma_wait3A_151 = tpu.memref_slice %arg4[%add3A_122] : memref<1600512xf32, #tpu.memory_space<hbm>> -> memref<7168xf32, #tpu.memory_space<hbm>>
    %dma_wait3A_152 = tpu.memref_slice %arg4[%add3A_122] : memref<1600512xf32, #tpu.memory_space<hbm>> -> memref<7168xf32, #tpu.memory_space<hbm>>
    tpu.wait_dma2 semaphore(%arg15 : memref<!tpu.dma_semaphore, #tpu.memory_space<semaphore_mem>>) src(%arg9 : memref<7168xf32, #tpu.memory_space<vmem>>) dst(%dma_wait3A_152 : memref<7168xf32, #tpu.memory_space<hbm>>)
    %dma_start3A_153 = arith.constant 0 : i32
    %dma_start3A_154 = tpu.memref_slice %arg2[%dma_start3A_153] : memref<2457600xf32, #tpu.memory_space<hbm>> -> memref<2457600xf32, #tpu.memory_space<hbm>>
    tpu.enqueue_indirect_dma source(%dma_start3A_154 : memref<2457600xf32, #tpu.memory_space<hbm>>) target(%arg9 : memref<7168xf32, #tpu.memory_space<vmem>>) offsets(%arg7 : memref<7168xi32, #tpu.memory_space<vmem>>) semaphore(%arg13 : memref<!tpu.dma_semaphore, #tpu.memory_space<semaphore_mem>>)
    %dma_wait3A_155 = arith.constant 0 : i32
    %dma_wait3A_156 = tpu.memref_slice %arg2[%dma_wait3A_155] : memref<2457600xf32, #tpu.memory_space<hbm>> -> memref<2457600xf32, #tpu.memory_space<hbm>>
    tpu.wait_indirect_dma semaphore(%arg14 : memref<!tpu.dma_semaphore, #tpu.memory_space<semaphore_mem>>) src(%dma_wait3A_156 : memref<2457600xf32, #tpu.memory_space<hbm>>) dst(%arg10 : memref<7168xf32, #tpu.memory_space<vmem>>)
    %add3A_157 = arith.constant 28 : i32
    %add3A_158 = arith.addi %add3A_34, %add3A_157 : i32
    %sub3A_159 = arith.constant 28 : i32
    %sub3A_160 = arith.subi %add3A_42, %sub3A_159 : i32
    %min3A_161 = arith.minsi %add3A_158, %sub3A_160 : i32
    %mul3A_162 = arith.constant 256 : i32
    %mul3A_163 = arith.muli %min3A_161, %mul3A_162 : i32
    %add3A_164 = arith.addi %mul3A_46, %mul3A_163 : i32
    %dma_start3A_165 = tpu.memref_slice %arg4[%add3A_164] : memref<1600512xf32, #tpu.memory_space<hbm>> -> memref<7168xf32, #tpu.memory_space<hbm>>
    %dma_start3A_166 = tpu.memref_slice %arg4[%add3A_164] : memref<1600512xf32, #tpu.memory_space<hbm>> -> memref<7168xf32, #tpu.memory_space<hbm>>
    tpu.enqueue_dma source(%arg10 : memref<7168xf32, #tpu.memory_space<vmem>>) target(%dma_start3A_166 : memref<7168xf32, #tpu.memory_space<hbm>>) target_semaphore(%arg16 : memref<!tpu.dma_semaphore, #tpu.memory_space<semaphore_mem>>)
    %add3A_167 = arith.constant 112 : i32
    %add3A_168 = arith.addi %add3A_34, %add3A_167 : i32
    %sub3A_169 = arith.constant 28 : i32
    %sub3A_170 = arith.subi %add3A_42, %sub3A_169 : i32
    %min3A_171 = arith.minsi %add3A_168, %sub3A_170 : i32
    %dma_start3A_172 = arith.constant 1 : i32
    %dma_start3A_173 = arith.constant 0 : i32
    %dma_start3A_174 = tpu.memref_slice %arg3[%select_n3A, %min3A_171, %dma_start3A_172, %dma_start3A_173] : memref<4x1563x4x128xi32, #tpu.memory_space<hbm>> -> memref<1x28x2x128xi32, #tpu.memory_space<hbm>>
    %dma_start3A_175 = tpu.memref_squeeze %dma_start3A_174 : memref<1x28x2x128xi32, #tpu.memory_space<hbm>> -> memref<28x2x128xi32, #tpu.memory_space<hbm>>
    %dma_start3A_176 = arith.constant 1 : i32
    %dma_start3A_177 = arith.constant 0 : i32
    %dma_start3A_178 = tpu.memref_slice %arg3[%select_n3A, %min3A_171, %dma_start3A_176, %dma_start3A_177] : memref<4x1563x4x128xi32, #tpu.memory_space<hbm>> -> memref<1x28x2x128xi32, #tpu.memory_space<hbm>>
    %dma_start3A_179 = tpu.memref_squeeze %dma_start3A_178 : memref<1x28x2x128xi32, #tpu.memory_space<hbm>> -> memref<28x2x128xi32, #tpu.memory_space<hbm>>
    tpu.enqueue_dma source(%dma_start3A_179 : memref<28x2x128xi32, #tpu.memory_space<hbm>>) target(%arg5 : memref<28x2x128xi32, #tpu.memory_space<vmem>>) target_semaphore(%arg11 : memref<!tpu.dma_semaphore, #tpu.memory_space<semaphore_mem>>)
    %dma_wait3A_180 = arith.constant 1 : i32
    %dma_wait3A_181 = arith.constant 0 : i32
    %dma_wait3A_182 = tpu.memref_slice %arg3[%select_n3A, %min3A_129, %dma_wait3A_180, %dma_wait3A_181] : memref<4x1563x4x128xi32, #tpu.memory_space<hbm>> -> memref<1x28x2x128xi32, #tpu.memory_space<hbm>>
    %dma_wait3A_183 = tpu.memref_squeeze %dma_wait3A_182 : memref<1x28x2x128xi32, #tpu.memory_space<hbm>> -> memref<28x2x128xi32, #tpu.memory_space<hbm>>
    %dma_wait3A_184 = arith.constant 1 : i32
    %dma_wait3A_185 = arith.constant 0 : i32
    %dma_wait3A_186 = tpu.memref_slice %arg3[%select_n3A, %min3A_129, %dma_wait3A_184, %dma_wait3A_185] : memref<4x1563x4x128xi32, #tpu.memory_space<hbm>> -> memref<1x28x2x128xi32, #tpu.memory_space<hbm>>
    %dma_wait3A_187 = tpu.memref_squeeze %dma_wait3A_186 : memref<1x28x2x128xi32, #tpu.memory_space<hbm>> -> memref<28x2x128xi32, #tpu.memory_space<hbm>>
    tpu.wait_dma2 semaphore(%arg12 : memref<!tpu.dma_semaphore, #tpu.memory_space<semaphore_mem>>) src(%dma_wait3A_187 : memref<28x2x128xi32, #tpu.memory_space<hbm>>) dst(%arg6 : memref<28x2x128xi32, #tpu.memory_space<vmem>>)
    %scan3A_188 = arith.constant 0 : i32
    %scan3A_189 = arith.constant 28 : i32
    %scan3A_190 = arith.addi %scan3A_188, %scan3A_189 : i32
    %scan3A_191 = arith.constant 1 : i32
    scf.for %scan3A_338 = %scan3A_188 to %scan3A_190 step %scan3A_191  : i32 {
      %mul3A_339 = arith.constant 1 : i32
      %mul3A_340 = arith.muli %scan3A_338, %mul3A_339 : i32
      %add3A_341 = arith.constant 0 : i32
      %add3A_342 = arith.addi %add3A_341, %mul3A_340 : i32
      %mul3A_343 = arith.constant 256 : i32
      %mul3A_344 = arith.muli %add3A_342, %mul3A_343 : i32
      %scan3A_345 = arith.constant 0 : i32
      %scan3A_346 = arith.constant 8 : i32
      %scan3A_347 = arith.addi %scan3A_345, %scan3A_346 : i32
      %scan3A_348 = arith.constant 1 : i32
      scf.for %scan3A_350 = %scan3A_345 to %scan3A_347 step %scan3A_348  : i32 {
        %mul3A_351 = arith.constant 16 : i32
        %mul3A_352 = arith.muli %scan3A_350, %mul3A_351 : i32
        %add3A_353 = arith.constant 0 : i32
        %add3A_354 = arith.addi %add3A_353, %mul3A_352 : i32
        %get3A = arith.constant 0 : i32
        %get3A_355 = arith.index_cast %add3A_342 : i32 to index
        %get3A_356 = arith.index_cast %get3A : i32 to index
        %get3A_357 = arith.index_cast %add3A_354 : i32 to index
        %get3A_358 = tpu.vector_load %arg6[%get3A_355, %get3A_356, %get3A_357] {strides = array<i32>} : memref<28x2x128xi32, #tpu.memory_space<vmem>>, vector<16xi32>,
        %get3A_359 = arith.constant 1 : i32
        %get3A_360 = arith.index_cast %add3A_342 : i32 to index
        %get3A_361 = arith.index_cast %get3A_359 : i32 to index
        %get3A_362 = arith.index_cast %add3A_354 : i32 to index
        %get3A_363 = tpu.vector_load %arg6[%get3A_360, %get3A_361, %get3A_362] {strides = array<i32>} : memref<28x2x128xi32, #tpu.memory_space<vmem>>, vector<16xi32>,
        %shift_right_arithmetic3A = arith.constant 3 : i32
        %shift_right_arithmetic3A_364 = vector.broadcast %shift_right_arithmetic3A : i32 to vector<16xi32>
        %shift_right_arithmetic3A_365 = arith.shrsi %get3A_358, %shift_right_arithmetic3A_364 : vector<16xi32>
        %mul3A_366 = arith.constant 5 : i32
        %mul3A_367 = vector.broadcast %mul3A_366 : i32 to vector<16xi32>
        %mul3A_368 = arith.muli %shift_right_arithmetic3A_365, %mul3A_367 : vector<16xi32>
        %shift_right_arithmetic3A_369 = arith.constant 7 : i32
        %shift_right_arithmetic3A_370 = vector.broadcast %shift_right_arithmetic3A_369 : i32 to vector<16xi32>
        %shift_right_arithmetic3A_371 = arith.shrsi %get3A_363, %shift_right_arithmetic3A_370 : vector<16xi32>
        %add3A_372 = arith.addi %mul3A_368, %shift_right_arithmetic3A_371 : vector<16xi32>
        %mul3A_373 = arith.constant 1024 : i32
        %mul3A_374 = vector.broadcast %mul3A_373 : i32 to vector<16xi32>
        %mul3A_375 = arith.muli %add3A_372, %mul3A_374 : vector<16xi32>
        %and3A_376 = arith.constant 7 : i32
        %and3A_377 = vector.broadcast %and3A_376 : i32 to vector<16xi32>
        %and3A_378 = arith.andi %get3A_358, %and3A_377 : vector<16xi32>
        %shift_left3A = arith.constant 7 : i32
        %shift_left3A_379 = vector.broadcast %shift_left3A : i32 to vector<16xi32>
        %shift_left3A_380 = arith.shli %and3A_378, %shift_left3A_379 : vector<16xi32>
        %add3A_381 = arith.addi %mul3A_375, %shift_left3A_380 : vector<16xi32>
        %and3A_382 = arith.constant 127 : i32
        %and3A_383 = vector.broadcast %and3A_382 : i32 to vector<16xi32>
        %and3A_384 = arith.andi %get3A_363, %and3A_383 : vector<16xi32>
        %add3A_385 = arith.addi %add3A_381, %and3A_384 : vector<16xi32>
        %add3A_386 = arith.constant 307200 : i32
        %add3A_387 = arith.addi %mul3A_44, %add3A_386 : i32
        %add3A_388 = vector.broadcast %add3A_387 : i32 to vector<16xi32>
        %add3A_389 = arith.addi %add3A_385, %add3A_388 : vector<16xi32>
        %add3A_390 = arith.addi %mul3A_344, %add3A_354 : i32
        %swap3A = arith.index_cast %add3A_390 : i32 to index
        %swap3A_391 = tpu.vector_load %arg8[%swap3A] {strides = array<i32>} : memref<7168xi32, #tpu.memory_space<vmem>>, vector<16xi32>,
        tpu.vector_store %arg8[%swap3A], %add3A_389 {strides = array<i32>} : memref<7168xi32, #tpu.memory_space<vmem>>, vector<16xi32>,
        %add3A_392 = vector.broadcast %mul3A_44 : i32 to vector<16xi32>
        %add3A_393 = arith.addi %add3A_385, %add3A_392 : vector<16xi32>
        %add3A_394 = arith.constant 128 : i32
        %add3A_395 = arith.addi %mul3A_344, %add3A_394 : i32
        %add3A_396 = arith.addi %add3A_395, %add3A_354 : i32
        %swap3A_397 = arith.index_cast %add3A_396 : i32 to index
        %swap3A_398 = tpu.vector_load %arg8[%swap3A_397] {strides = array<i32>} : memref<7168xi32, #tpu.memory_space<vmem>>, vector<16xi32>,
        tpu.vector_store %arg8[%swap3A_397], %add3A_393 {strides = array<i32>} : memref<7168xi32, #tpu.memory_space<vmem>>, vector<16xi32>,
      }
      %scan3A_349 = arith.constant 8 : i32
    }
    %scan3A_192 = arith.constant 28 : i32
    %dma_wait3A_193 = tpu.memref_slice %arg4[%add3A_164] : memref<1600512xf32, #tpu.memory_space<hbm>> -> memref<7168xf32, #tpu.memory_space<hbm>>
    %dma_wait3A_194 = tpu.memref_slice %arg4[%add3A_164] : memref<1600512xf32, #tpu.memory_space<hbm>> -> memref<7168xf32, #tpu.memory_space<hbm>>
    tpu.wait_dma2 semaphore(%arg16 : memref<!tpu.dma_semaphore, #tpu.memory_space<semaphore_mem>>) src(%arg10 : memref<7168xf32, #tpu.memory_space<vmem>>) dst(%dma_wait3A_194 : memref<7168xf32, #tpu.memory_space<hbm>>)
    %dma_start3A_195 = arith.constant 0 : i32
    %dma_start3A_196 = tpu.memref_slice %arg2[%dma_start3A_195] : memref<2457600xf32, #tpu.memory_space<hbm>> -> memref<2457600xf32, #tpu.memory_space<hbm>>
    tpu.enqueue_indirect_dma source(%dma_start3A_196 : memref<2457600xf32, #tpu.memory_space<hbm>>) target(%arg10 : memref<7168xf32, #tpu.memory_space<vmem>>) offsets(%arg8 : memref<7168xi32, #tpu.memory_space<vmem>>) semaphore(%arg14 : memref<!tpu.dma_semaphore, #tpu.memory_space<semaphore_mem>>)
    %dma_wait3A_197 = arith.constant 0 : i32
    %dma_wait3A_198 = tpu.memref_slice %arg2[%dma_wait3A_197] : memref<2457600xf32, #tpu.memory_space<hbm>> -> memref<2457600xf32, #tpu.memory_space<hbm>>
    tpu.wait_indirect_dma semaphore(%arg13 : memref<!tpu.dma_semaphore, #tpu.memory_space<semaphore_mem>>) src(%dma_wait3A_198 : memref<2457600xf32, #tpu.memory_space<hbm>>) dst(%arg9 : memref<7168xf32, #tpu.memory_space<vmem>>)
    %add3A_199 = arith.constant 56 : i32
    %add3A_200 = arith.addi %add3A_34, %add3A_199 : i32
    %sub3A_201 = arith.constant 28 : i32
    %sub3A_202 = arith.subi %add3A_42, %sub3A_201 : i32
    %min3A_203 = arith.minsi %add3A_200, %sub3A_202 : i32
    %mul3A_204 = arith.constant 256 : i32
    %mul3A_205 = arith.muli %min3A_203, %mul3A_204 : i32
    %add3A_206 = arith.addi %mul3A_46, %mul3A_205 : i32
    %dma_start3A_207 = tpu.memref_slice %arg4[%add3A_206] : memref<1600512xf32, #tpu.memory_space<hbm>> -> memref<7168xf32, #tpu.memory_space<hbm>>
    %dma_start3A_208 = tpu.memref_slice %arg4[%add3A_206] : memref<1600512xf32, #tpu.memory_space<hbm>> -> memref<7168xf32, #tpu.memory_space<hbm>>
    tpu.enqueue_dma source(%arg9 : memref<7168xf32, #tpu.memory_space<vmem>>) target(%dma_start3A_208 : memref<7168xf32, #tpu.memory_space<hbm>>) target_semaphore(%arg15 : memref<!tpu.dma_semaphore, #tpu.memory_space<semaphore_mem>>)
    %add3A_209 = arith.constant 140 : i32
    %add3A_210 = arith.addi %add3A_34, %add3A_209 : i32
    %sub3A_211 = arith.constant 28 : i32
    %sub3A_212 = arith.subi %add3A_42, %sub3A_211 : i32
    %min3A_213 = arith.minsi %add3A_210, %sub3A_212 : i32
    %dma_start3A_214 = arith.constant 1 : i32
    %dma_start3A_215 = arith.constant 0 : i32
    %dma_start3A_216 = tpu.memref_slice %arg3[%select_n3A, %min3A_213, %dma_start3A_214, %dma_start3A_215] : memref<4x1563x4x128xi32, #tpu.memory_space<hbm>> -> memref<1x28x2x128xi32, #tpu.memory_space<hbm>>
    %dma_start3A_217 = tpu.memref_squeeze %dma_start3A_216 : memref<1x28x2x128xi32, #tpu.memory_space<hbm>> -> memref<28x2x128xi32, #tpu.memory_space<hbm>>
    %dma_start3A_218 = arith.constant 1 : i32
    %dma_start3A_219 = arith.constant 0 : i32
    %dma_start3A_220 = tpu.memref_slice %arg3[%select_n3A, %min3A_213, %dma_start3A_218, %dma_start3A_219] : memref<4x1563x4x128xi32, #tpu.memory_space<hbm>> -> memref<1x28x2x128xi32, #tpu.memory_space<hbm>>
    %dma_start3A_221 = tpu.memref_squeeze %dma_start3A_220 : memref<1x28x2x128xi32, #tpu.memory_space<hbm>> -> memref<28x2x128xi32, #tpu.memory_space<hbm>>
    tpu.enqueue_dma source(%dma_start3A_221 : memref<28x2x128xi32, #tpu.memory_space<hbm>>) target(%arg6 : memref<28x2x128xi32, #tpu.memory_space<vmem>>) target_semaphore(%arg12 : memref<!tpu.dma_semaphore, #tpu.memory_space<semaphore_mem>>)
    %dma_wait3A_222 = arith.constant 1 : i32
    %dma_wait3A_223 = arith.constant 0 : i32
    %dma_wait3A_224 = tpu.memref_slice %arg3[%select_n3A, %min3A_171, %dma_wait3A_222, %dma_wait3A_223] : memref<4x1563x4x128xi32, #tpu.memory_space<hbm>> -> memref<1x28x2x128xi32, #tpu.memory_space<hbm>>
    %dma_wait3A_225 = tpu.memref_squeeze %dma_wait3A_224 : memref<1x28x2x128xi32, #tpu.memory_space<hbm>> -> memref<28x2x128xi32, #tpu.memory_space<hbm>>
    %dma_wait3A_226 = arith.constant 1 : i32
    %dma_wait3A_227 = arith.constant 0 : i32
    %dma_wait3A_228 = tpu.memref_slice %arg3[%select_n3A, %min3A_171, %dma_wait3A_226, %dma_wait3A_227] : memref<4x1563x4x128xi32, #tpu.memory_space<hbm>> -> memref<1x28x2x128xi32, #tpu.memory_space<hbm>>
    %dma_wait3A_229 = tpu.memref_squeeze %dma_wait3A_228 : memref<1x28x2x128xi32, #tpu.memory_space<hbm>> -> memref<28x2x128xi32, #tpu.memory_space<hbm>>
    tpu.wait_dma2 semaphore(%arg11 : memref<!tpu.dma_semaphore, #tpu.memory_space<semaphore_mem>>) src(%dma_wait3A_229 : memref<28x2x128xi32, #tpu.memory_space<hbm>>) dst(%arg5 : memref<28x2x128xi32, #tpu.memory_space<vmem>>)
    %scan3A_230 = arith.constant 0 : i32
    %scan3A_231 = arith.constant 28 : i32
    %scan3A_232 = arith.addi %scan3A_230, %scan3A_231 : i32
    %scan3A_233 = arith.constant 1 : i32
    scf.for %scan3A_338 = %scan3A_230 to %scan3A_232 step %scan3A_233  : i32 {
      %mul3A_339 = arith.constant 1 : i32
      %mul3A_340 = arith.muli %scan3A_338, %mul3A_339 : i32
      %add3A_341 = arith.constant 0 : i32
      %add3A_342 = arith.addi %add3A_341, %mul3A_340 : i32
      %mul3A_343 = arith.constant 256 : i32
      %mul3A_344 = arith.muli %add3A_342, %mul3A_343 : i32
      %scan3A_345 = arith.constant 0 : i32
      %scan3A_346 = arith.constant 8 : i32
      %scan3A_347 = arith.addi %scan3A_345, %scan3A_346 : i32
      %scan3A_348 = arith.constant 1 : i32
      scf.for %scan3A_350 = %scan3A_345 to %scan3A_347 step %scan3A_348  : i32 {
        %mul3A_351 = arith.constant 16 : i32
        %mul3A_352 = arith.muli %scan3A_350, %mul3A_351 : i32
        %add3A_353 = arith.constant 0 : i32
        %add3A_354 = arith.addi %add3A_353, %mul3A_352 : i32
        %get3A = arith.constant 0 : i32
        %get3A_355 = arith.index_cast %add3A_342 : i32 to index
        %get3A_356 = arith.index_cast %get3A : i32 to index
        %get3A_357 = arith.index_cast %add3A_354 : i32 to index
        %get3A_358 = tpu.vector_load %arg5[%get3A_355, %get3A_356, %get3A_357] {strides = array<i32>} : memref<28x2x128xi32, #tpu.memory_space<vmem>>, vector<16xi32>,
        %get3A_359 = arith.constant 1 : i32
        %get3A_360 = arith.index_cast %add3A_342 : i32 to index
        %get3A_361 = arith.index_cast %get3A_359 : i32 to index
        %get3A_362 = arith.index_cast %add3A_354 : i32 to index
        %get3A_363 = tpu.vector_load %arg5[%get3A_360, %get3A_361, %get3A_362] {strides = array<i32>} : memref<28x2x128xi32, #tpu.memory_space<vmem>>, vector<16xi32>,
        %shift_right_arithmetic3A = arith.constant 3 : i32
        %shift_right_arithmetic3A_364 = vector.broadcast %shift_right_arithmetic3A : i32 to vector<16xi32>
        %shift_right_arithmetic3A_365 = arith.shrsi %get3A_358, %shift_right_arithmetic3A_364 : vector<16xi32>
        %mul3A_366 = arith.constant 5 : i32
        %mul3A_367 = vector.broadcast %mul3A_366 : i32 to vector<16xi32>
        %mul3A_368 = arith.muli %shift_right_arithmetic3A_365, %mul3A_367 : vector<16xi32>
        %shift_right_arithmetic3A_369 = arith.constant 7 : i32
        %shift_right_arithmetic3A_370 = vector.broadcast %shift_right_arithmetic3A_369 : i32 to vector<16xi32>
        %shift_right_arithmetic3A_371 = arith.shrsi %get3A_363, %shift_right_arithmetic3A_370 : vector<16xi32>
        %add3A_372 = arith.addi %mul3A_368, %shift_right_arithmetic3A_371 : vector<16xi32>
        %mul3A_373 = arith.constant 1024 : i32
        %mul3A_374 = vector.broadcast %mul3A_373 : i32 to vector<16xi32>
        %mul3A_375 = arith.muli %add3A_372, %mul3A_374 : vector<16xi32>
        %and3A_376 = arith.constant 7 : i32
        %and3A_377 = vector.broadcast %and3A_376 : i32 to vector<16xi32>
        %and3A_378 = arith.andi %get3A_358, %and3A_377 : vector<16xi32>
        %shift_left3A = arith.constant 7 : i32
        %shift_left3A_379 = vector.broadcast %shift_left3A : i32 to vector<16xi32>
        %shift_left3A_380 = arith.shli %and3A_378, %shift_left3A_379 : vector<16xi32>
        %add3A_381 = arith.addi %mul3A_375, %shift_left3A_380 : vector<16xi32>
        %and3A_382 = arith.constant 127 : i32
        %and3A_383 = vector.broadcast %and3A_382 : i32 to vector<16xi32>
        %and3A_384 = arith.andi %get3A_363, %and3A_383 : vector<16xi32>
        %add3A_385 = arith.addi %add3A_381, %and3A_384 : vector<16xi32>
        %add3A_386 = arith.constant 307200 : i32
        %add3A_387 = arith.addi %mul3A_44, %add3A_386 : i32
        %add3A_388 = vector.broadcast %add3A_387 : i32 to vector<16xi32>
        %add3A_389 = arith.addi %add3A_385, %add3A_388 : vector<16xi32>
        %add3A_390 = arith.addi %mul3A_344, %add3A_354 : i32
        %swap3A = arith.index_cast %add3A_390 : i32 to index
        %swap3A_391 = tpu.vector_load %arg7[%swap3A] {strides = array<i32>} : memref<7168xi32, #tpu.memory_space<vmem>>, vector<16xi32>,
        tpu.vector_store %arg7[%swap3A], %add3A_389 {strides = array<i32>} : memref<7168xi32, #tpu.memory_space<vmem>>, vector<16xi32>,
        %add3A_392 = vector.broadcast %mul3A_44 : i32 to vector<16xi32>
        %add3A_393 = arith.addi %add3A_385, %add3A_392 : vector<16xi32>
        %add3A_394 = arith.constant 128 : i32
        %add3A_395 = arith.addi %mul3A_344, %add3A_394 : i32
        %add3A_396 = arith.addi %add3A_395, %add3A_354 : i32
        %swap3A_397 = arith.index_cast %add3A_396 : i32 to index
        %swap3A_398 = tpu.vector_load %arg7[%swap3A_397] {strides = array<i32>} : memref<7168xi32, #tpu.memory_space<vmem>>, vector<16xi32>,
        tpu.vector_store %arg7[%swap3A_397], %add3A_393 {strides = array<i32>} : memref<7168xi32, #tpu.memory_space<vmem>>, vector<16xi32>,
      }
      %scan3A_349 = arith.constant 8 : i32
    }
    %scan3A_234 = arith.constant 28 : i32
    %dma_wait3A_235 = tpu.memref_slice %arg4[%add3A_206] : memref<1600512xf32, #tpu.memory_space<hbm>> -> memref<7168xf32, #tpu.memory_space<hbm>>
    %dma_wait3A_236 = tpu.memref_slice %arg4[%add3A_206] : memref<1600512xf32, #tpu.memory_space<hbm>> -> memref<7168xf32, #tpu.memory_space<hbm>>
    tpu.wait_dma2 semaphore(%arg15 : memref<!tpu.dma_semaphore, #tpu.memory_space<semaphore_mem>>) src(%arg9 : memref<7168xf32, #tpu.memory_space<vmem>>) dst(%dma_wait3A_236 : memref<7168xf32, #tpu.memory_space<hbm>>)
    %dma_start3A_237 = arith.constant 0 : i32
    %dma_start3A_238 = tpu.memref_slice %arg2[%dma_start3A_237] : memref<2457600xf32, #tpu.memory_space<hbm>> -> memref<2457600xf32, #tpu.memory_space<hbm>>
    tpu.enqueue_indirect_dma source(%dma_start3A_238 : memref<2457600xf32, #tpu.memory_space<hbm>>) target(%arg9 : memref<7168xf32, #tpu.memory_space<vmem>>) offsets(%arg7 : memref<7168xi32, #tpu.memory_space<vmem>>) semaphore(%arg13 : memref<!tpu.dma_semaphore, #tpu.memory_space<semaphore_mem>>)
    %dma_wait3A_239 = arith.constant 0 : i32
    %dma_wait3A_240 = tpu.memref_slice %arg2[%dma_wait3A_239] : memref<2457600xf32, #tpu.memory_space<hbm>> -> memref<2457600xf32, #tpu.memory_space<hbm>>
    tpu.wait_indirect_dma semaphore(%arg14 : memref<!tpu.dma_semaphore, #tpu.memory_space<semaphore_mem>>) src(%dma_wait3A_240 : memref<2457600xf32, #tpu.memory_space<hbm>>) dst(%arg10 : memref<7168xf32, #tpu.memory_space<vmem>>)
    %add3A_241 = arith.constant 84 : i32
    %add3A_242 = arith.addi %add3A_34, %add3A_241 : i32
    %sub3A_243 = arith.constant 28 : i32
    %sub3A_244 = arith.subi %add3A_42, %sub3A_243 : i32
    %min3A_245 = arith.minsi %add3A_242, %sub3A_244 : i32
    %mul3A_246 = arith.constant 256 : i32
    %mul3A_247 = arith.muli %min3A_245, %mul3A_246 : i32
    %add3A_248 = arith.addi %mul3A_46, %mul3A_247 : i32
    %dma_start3A_249 = tpu.memref_slice %arg4[%add3A_248] : memref<1600512xf32, #tpu.memory_space<hbm>> -> memref<7168xf32, #tpu.memory_space<hbm>>
    %dma_start3A_250 = tpu.memref_slice %arg4[%add3A_248] : memref<1600512xf32, #tpu.memory_space<hbm>> -> memref<7168xf32, #tpu.memory_space<hbm>>
    tpu.enqueue_dma source(%arg10 : memref<7168xf32, #tpu.memory_space<vmem>>) target(%dma_start3A_250 : memref<7168xf32, #tpu.memory_space<hbm>>) target_semaphore(%arg16 : memref<!tpu.dma_semaphore, #tpu.memory_space<semaphore_mem>>)
    %add3A_251 = arith.constant 168 : i32
    %add3A_252 = arith.addi %add3A_34, %add3A_251 : i32
    %sub3A_253 = arith.constant 28 : i32
    %sub3A_254 = arith.subi %add3A_42, %sub3A_253 : i32
    %min3A_255 = arith.minsi %add3A_252, %sub3A_254 : i32
    %dma_start3A_256 = arith.constant 1 : i32
    %dma_start3A_257 = arith.constant 0 : i32
    %dma_start3A_258 = tpu.memref_slice %arg3[%select_n3A, %min3A_255, %dma_start3A_256, %dma_start3A_257] : memref<4x1563x4x128xi32, #tpu.memory_space<hbm>> -> memref<1x28x2x128xi32, #tpu.memory_space<hbm>>
    %dma_start3A_259 = tpu.memref_squeeze %dma_start3A_258 : memref<1x28x2x128xi32, #tpu.memory_space<hbm>> -> memref<28x2x128xi32, #tpu.memory_space<hbm>>
    %dma_start3A_260 = arith.constant 1 : i32
    %dma_start3A_261 = arith.constant 0 : i32
    %dma_start3A_262 = tpu.memref_slice %arg3[%select_n3A, %min3A_255, %dma_start3A_260, %dma_start3A_261] : memref<4x1563x4x128xi32, #tpu.memory_space<hbm>> -> memref<1x28x2x128xi32, #tpu.memory_space<hbm>>
    %dma_start3A_263 = tpu.memref_squeeze %dma_start3A_262 : memref<1x28x2x128xi32, #tpu.memory_space<hbm>> -> memref<28x2x128xi32, #tpu.memory_space<hbm>>
    tpu.enqueue_dma source(%dma_start3A_263 : memref<28x2x128xi32, #tpu.memory_space<hbm>>) target(%arg5 : memref<28x2x128xi32, #tpu.memory_space<vmem>>) target_semaphore(%arg11 : memref<!tpu.dma_semaphore, #tpu.memory_space<semaphore_mem>>)
    %dma_wait3A_264 = arith.constant 1 : i32
    %dma_wait3A_265 = arith.constant 0 : i32
    %dma_wait3A_266 = tpu.memref_slice %arg3[%select_n3A, %min3A_213, %dma_wait3A_264, %dma_wait3A_265] : memref<4x1563x4x128xi32, #tpu.memory_space<hbm>> -> memref<1x28x2x128xi32, #tpu.memory_space<hbm>>
    %dma_wait3A_267 = tpu.memref_squeeze %dma_wait3A_266 : memref<1x28x2x128xi32, #tpu.memory_space<hbm>> -> memref<28x2x128xi32, #tpu.memory_space<hbm>>
    %dma_wait3A_268 = arith.constant 1 : i32
    %dma_wait3A_269 = arith.constant 0 : i32
    %dma_wait3A_270 = tpu.memref_slice %arg3[%select_n3A, %min3A_213, %dma_wait3A_268, %dma_wait3A_269] : memref<4x1563x4x128xi32, #tpu.memory_space<hbm>> -> memref<1x28x2x128xi32, #tpu.memory_space<hbm>>
    %dma_wait3A_271 = tpu.memref_squeeze %dma_wait3A_270 : memref<1x28x2x128xi32, #tpu.memory_space<hbm>> -> memref<28x2x128xi32, #tpu.memory_space<hbm>>
    tpu.wait_dma2 semaphore(%arg12 : memref<!tpu.dma_semaphore, #tpu.memory_space<semaphore_mem>>) src(%dma_wait3A_271 : memref<28x2x128xi32, #tpu.memory_space<hbm>>) dst(%arg6 : memref<28x2x128xi32, #tpu.memory_space<vmem>>)
    %scan3A_272 = arith.constant 0 : i32
    %scan3A_273 = arith.constant 28 : i32
    %scan3A_274 = arith.addi %scan3A_272, %scan3A_273 : i32
    %scan3A_275 = arith.constant 1 : i32
    scf.for %scan3A_338 = %scan3A_272 to %scan3A_274 step %scan3A_275  : i32 {
      %mul3A_339 = arith.constant 1 : i32
      %mul3A_340 = arith.muli %scan3A_338, %mul3A_339 : i32
      %add3A_341 = arith.constant 0 : i32
      %add3A_342 = arith.addi %add3A_341, %mul3A_340 : i32
      %mul3A_343 = arith.constant 256 : i32
      %mul3A_344 = arith.muli %add3A_342, %mul3A_343 : i32
      %scan3A_345 = arith.constant 0 : i32
      %scan3A_346 = arith.constant 8 : i32
      %scan3A_347 = arith.addi %scan3A_345, %scan3A_346 : i32
      %scan3A_348 = arith.constant 1 : i32
      scf.for %scan3A_350 = %scan3A_345 to %scan3A_347 step %scan3A_348  : i32 {
        %mul3A_351 = arith.constant 16 : i32
        %mul3A_352 = arith.muli %scan3A_350, %mul3A_351 : i32
        %add3A_353 = arith.constant 0 : i32
        %add3A_354 = arith.addi %add3A_353, %mul3A_352 : i32
        %get3A = arith.constant 0 : i32
        %get3A_355 = arith.index_cast %add3A_342 : i32 to index
        %get3A_356 = arith.index_cast %get3A : i32 to index
        %get3A_357 = arith.index_cast %add3A_354 : i32 to index
        %get3A_358 = tpu.vector_load %arg6[%get3A_355, %get3A_356, %get3A_357] {strides = array<i32>} : memref<28x2x128xi32, #tpu.memory_space<vmem>>, vector<16xi32>,
        %get3A_359 = arith.constant 1 : i32
        %get3A_360 = arith.index_cast %add3A_342 : i32 to index
        %get3A_361 = arith.index_cast %get3A_359 : i32 to index
        %get3A_362 = arith.index_cast %add3A_354 : i32 to index
        %get3A_363 = tpu.vector_load %arg6[%get3A_360, %get3A_361, %get3A_362] {strides = array<i32>} : memref<28x2x128xi32, #tpu.memory_space<vmem>>, vector<16xi32>,
        %shift_right_arithmetic3A = arith.constant 3 : i32
        %shift_right_arithmetic3A_364 = vector.broadcast %shift_right_arithmetic3A : i32 to vector<16xi32>
        %shift_right_arithmetic3A_365 = arith.shrsi %get3A_358, %shift_right_arithmetic3A_364 : vector<16xi32>
        %mul3A_366 = arith.constant 5 : i32
        %mul3A_367 = vector.broadcast %mul3A_366 : i32 to vector<16xi32>
        %mul3A_368 = arith.muli %shift_right_arithmetic3A_365, %mul3A_367 : vector<16xi32>
        %shift_right_arithmetic3A_369 = arith.constant 7 : i32
        %shift_right_arithmetic3A_370 = vector.broadcast %shift_right_arithmetic3A_369 : i32 to vector<16xi32>
        %shift_right_arithmetic3A_371 = arith.shrsi %get3A_363, %shift_right_arithmetic3A_370 : vector<16xi32>
        %add3A_372 = arith.addi %mul3A_368, %shift_right_arithmetic3A_371 : vector<16xi32>
        %mul3A_373 = arith.constant 1024 : i32
        %mul3A_374 = vector.broadcast %mul3A_373 : i32 to vector<16xi32>
        %mul3A_375 = arith.muli %add3A_372, %mul3A_374 : vector<16xi32>
        %and3A_376 = arith.constant 7 : i32
        %and3A_377 = vector.broadcast %and3A_376 : i32 to vector<16xi32>
        %and3A_378 = arith.andi %get3A_358, %and3A_377 : vector<16xi32>
        %shift_left3A = arith.constant 7 : i32
        %shift_left3A_379 = vector.broadcast %shift_left3A : i32 to vector<16xi32>
        %shift_left3A_380 = arith.shli %and3A_378, %shift_left3A_379 : vector<16xi32>
        %add3A_381 = arith.addi %mul3A_375, %shift_left3A_380 : vector<16xi32>
        %and3A_382 = arith.constant 127 : i32
        %and3A_383 = vector.broadcast %and3A_382 : i32 to vector<16xi32>
        %and3A_384 = arith.andi %get3A_363, %and3A_383 : vector<16xi32>
        %add3A_385 = arith.addi %add3A_381, %and3A_384 : vector<16xi32>
        %add3A_386 = arith.constant 307200 : i32
        %add3A_387 = arith.addi %mul3A_44, %add3A_386 : i32
        %add3A_388 = vector.broadcast %add3A_387 : i32 to vector<16xi32>
        %add3A_389 = arith.addi %add3A_385, %add3A_388 : vector<16xi32>
        %add3A_390 = arith.addi %mul3A_344, %add3A_354 : i32
        %swap3A = arith.index_cast %add3A_390 : i32 to index
        %swap3A_391 = tpu.vector_load %arg8[%swap3A] {strides = array<i32>} : memref<7168xi32, #tpu.memory_space<vmem>>, vector<16xi32>,
        tpu.vector_store %arg8[%swap3A], %add3A_389 {strides = array<i32>} : memref<7168xi32, #tpu.memory_space<vmem>>, vector<16xi32>,
        %add3A_392 = vector.broadcast %mul3A_44 : i32 to vector<16xi32>
        %add3A_393 = arith.addi %add3A_385, %add3A_392 : vector<16xi32>
        %add3A_394 = arith.constant 128 : i32
        %add3A_395 = arith.addi %mul3A_344, %add3A_394 : i32
        %add3A_396 = arith.addi %add3A_395, %add3A_354 : i32
        %swap3A_397 = arith.index_cast %add3A_396 : i32 to index
        %swap3A_398 = tpu.vector_load %arg8[%swap3A_397] {strides = array<i32>} : memref<7168xi32, #tpu.memory_space<vmem>>, vector<16xi32>,
        tpu.vector_store %arg8[%swap3A_397], %add3A_393 {strides = array<i32>} : memref<7168xi32, #tpu.memory_space<vmem>>, vector<16xi32>,
      }
      %scan3A_349 = arith.constant 8 : i32
    }
    %scan3A_276 = arith.constant 28 : i32
    %dma_wait3A_277 = tpu.memref_slice %arg4[%add3A_248] : memref<1600512xf32, #tpu.memory_space<hbm>> -> memref<7168xf32, #tpu.memory_space<hbm>>
    %dma_wait3A_278 = tpu.memref_slice %arg4[%add3A_248] : memref<1600512xf32, #tpu.memory_space<hbm>> -> memref<7168xf32, #tpu.memory_space<hbm>>
    tpu.wait_dma2 semaphore(%arg16 : memref<!tpu.dma_semaphore, #tpu.memory_space<semaphore_mem>>) src(%arg10 : memref<7168xf32, #tpu.memory_space<vmem>>) dst(%dma_wait3A_278 : memref<7168xf32, #tpu.memory_space<hbm>>)
    %dma_start3A_279 = arith.constant 0 : i32
    %dma_start3A_280 = tpu.memref_slice %arg2[%dma_start3A_279] : memref<2457600xf32, #tpu.memory_space<hbm>> -> memref<2457600xf32, #tpu.memory_space<hbm>>
    tpu.enqueue_indirect_dma source(%dma_start3A_280 : memref<2457600xf32, #tpu.memory_space<hbm>>) target(%arg10 : memref<7168xf32, #tpu.memory_space<vmem>>) offsets(%arg8 : memref<7168xi32, #tpu.memory_space<vmem>>) semaphore(%arg14 : memref<!tpu.dma_semaphore, #tpu.memory_space<semaphore_mem>>)
    %dma_wait3A_281 = arith.constant 0 : i32
    %dma_wait3A_282 = tpu.memref_slice %arg2[%dma_wait3A_281] : memref<2457600xf32, #tpu.memory_space<hbm>> -> memref<2457600xf32, #tpu.memory_space<hbm>>
    tpu.wait_indirect_dma semaphore(%arg13 : memref<!tpu.dma_semaphore, #tpu.memory_space<semaphore_mem>>) src(%dma_wait3A_282 : memref<2457600xf32, #tpu.memory_space<hbm>>) dst(%arg9 : memref<7168xf32, #tpu.memory_space<vmem>>)
    %add3A_283 = arith.constant 112 : i32
    %add3A_284 = arith.addi %add3A_34, %add3A_283 : i32
    %sub3A_285 = arith.constant 28 : i32
    %sub3A_286 = arith.subi %add3A_42, %sub3A_285 : i32
    %min3A_287 = arith.minsi %add3A_284, %sub3A_286 : i32
    %mul3A_288 = arith.constant 256 : i32
    %mul3A_289 = arith.muli %min3A_287, %mul3A_288 : i32
    %add3A_290 = arith.addi %mul3A_46, %mul3A_289 : i32
    %dma_start3A_291 = tpu.memref_slice %arg4[%add3A_290] : memref<1600512xf32, #tpu.memory_space<hbm>> -> memref<7168xf32, #tpu.memory_space<hbm>>
    %dma_start3A_292 = tpu.memref_slice %arg4[%add3A_290] : memref<1600512xf32, #tpu.memory_space<hbm>> -> memref<7168xf32, #tpu.memory_space<hbm>>
    tpu.enqueue_dma source(%arg9 : memref<7168xf32, #tpu.memory_space<vmem>>) target(%dma_start3A_292 : memref<7168xf32, #tpu.memory_space<hbm>>) target_semaphore(%arg15 : memref<!tpu.dma_semaphore, #tpu.memory_space<semaphore_mem>>)
    %dma_wait3A_293 = arith.constant 1 : i32
    %dma_wait3A_294 = arith.constant 0 : i32
    %dma_wait3A_295 = tpu.memref_slice %arg3[%select_n3A, %min3A_255, %dma_wait3A_293, %dma_wait3A_294] : memref<4x1563x4x128xi32, #tpu.memory_space<hbm>> -> memref<1x28x2x128xi32, #tpu.memory_space<hbm>>
    %dma_wait3A_296 = tpu.memref_squeeze %dma_wait3A_295 : memref<1x28x2x128xi32, #tpu.memory_space<hbm>> -> memref<28x2x128xi32, #tpu.memory_space<hbm>>
    %dma_wait3A_297 = arith.constant 1 : i32
    %dma_wait3A_298 = arith.constant 0 : i32
    %dma_wait3A_299 = tpu.memref_slice %arg3[%select_n3A, %min3A_255, %dma_wait3A_297, %dma_wait3A_298] : memref<4x1563x4x128xi32, #tpu.memory_space<hbm>> -> memref<1x28x2x128xi32, #tpu.memory_space<hbm>>
    %dma_wait3A_300 = tpu.memref_squeeze %dma_wait3A_299 : memref<1x28x2x128xi32, #tpu.memory_space<hbm>> -> memref<28x2x128xi32, #tpu.memory_space<hbm>>
    tpu.wait_dma2 semaphore(%arg11 : memref<!tpu.dma_semaphore, #tpu.memory_space<semaphore_mem>>) src(%dma_wait3A_300 : memref<28x2x128xi32, #tpu.memory_space<hbm>>) dst(%arg5 : memref<28x2x128xi32, #tpu.memory_space<vmem>>)
    %scan3A_301 = arith.constant 0 : i32
    %scan3A_302 = arith.constant 28 : i32
    %scan3A_303 = arith.addi %scan3A_301, %scan3A_302 : i32
    %scan3A_304 = arith.constant 1 : i32
    scf.for %scan3A_338 = %scan3A_301 to %scan3A_303 step %scan3A_304  : i32 {
      %mul3A_339 = arith.constant 1 : i32
      %mul3A_340 = arith.muli %scan3A_338, %mul3A_339 : i32
      %add3A_341 = arith.constant 0 : i32
      %add3A_342 = arith.addi %add3A_341, %mul3A_340 : i32
      %mul3A_343 = arith.constant 256 : i32
      %mul3A_344 = arith.muli %add3A_342, %mul3A_343 : i32
      %scan3A_345 = arith.constant 0 : i32
      %scan3A_346 = arith.constant 8 : i32
      %scan3A_347 = arith.addi %scan3A_345, %scan3A_346 : i32
      %scan3A_348 = arith.constant 1 : i32
      scf.for %scan3A_350 = %scan3A_345 to %scan3A_347 step %scan3A_348  : i32 {
        %mul3A_351 = arith.constant 16 : i32
        %mul3A_352 = arith.muli %scan3A_350, %mul3A_351 : i32
        %add3A_353 = arith.constant 0 : i32
        %add3A_354 = arith.addi %add3A_353, %mul3A_352 : i32
        %get3A = arith.constant 0 : i32
        %get3A_355 = arith.index_cast %add3A_342 : i32 to index
        %get3A_356 = arith.index_cast %get3A : i32 to index
        %get3A_357 = arith.index_cast %add3A_354 : i32 to index
        %get3A_358 = tpu.vector_load %arg5[%get3A_355, %get3A_356, %get3A_357] {strides = array<i32>} : memref<28x2x128xi32, #tpu.memory_space<vmem>>, vector<16xi32>,
        %get3A_359 = arith.constant 1 : i32
        %get3A_360 = arith.index_cast %add3A_342 : i32 to index
        %get3A_361 = arith.index_cast %get3A_359 : i32 to index
        %get3A_362 = arith.index_cast %add3A_354 : i32 to index
        %get3A_363 = tpu.vector_load %arg5[%get3A_360, %get3A_361, %get3A_362] {strides = array<i32>} : memref<28x2x128xi32, #tpu.memory_space<vmem>>, vector<16xi32>,
        %shift_right_arithmetic3A = arith.constant 3 : i32
        %shift_right_arithmetic3A_364 = vector.broadcast %shift_right_arithmetic3A : i32 to vector<16xi32>
        %shift_right_arithmetic3A_365 = arith.shrsi %get3A_358, %shift_right_arithmetic3A_364 : vector<16xi32>
        %mul3A_366 = arith.constant 5 : i32
        %mul3A_367 = vector.broadcast %mul3A_366 : i32 to vector<16xi32>
        %mul3A_368 = arith.muli %shift_right_arithmetic3A_365, %mul3A_367 : vector<16xi32>
        %shift_right_arithmetic3A_369 = arith.constant 7 : i32
        %shift_right_arithmetic3A_370 = vector.broadcast %shift_right_arithmetic3A_369 : i32 to vector<16xi32>
        %shift_right_arithmetic3A_371 = arith.shrsi %get3A_363, %shift_right_arithmetic3A_370 : vector<16xi32>
        %add3A_372 = arith.addi %mul3A_368, %shift_right_arithmetic3A_371 : vector<16xi32>
        %mul3A_373 = arith.constant 1024 : i32
        %mul3A_374 = vector.broadcast %mul3A_373 : i32 to vector<16xi32>
        %mul3A_375 = arith.muli %add3A_372, %mul3A_374 : vector<16xi32>
        %and3A_376 = arith.constant 7 : i32
        %and3A_377 = vector.broadcast %and3A_376 : i32 to vector<16xi32>
        %and3A_378 = arith.andi %get3A_358, %and3A_377 : vector<16xi32>
        %shift_left3A = arith.constant 7 : i32
        %shift_left3A_379 = vector.broadcast %shift_left3A : i32 to vector<16xi32>
        %shift_left3A_380 = arith.shli %and3A_378, %shift_left3A_379 : vector<16xi32>
        %add3A_381 = arith.addi %mul3A_375, %shift_left3A_380 : vector<16xi32>
        %and3A_382 = arith.constant 127 : i32
        %and3A_383 = vector.broadcast %and3A_382 : i32 to vector<16xi32>
        %and3A_384 = arith.andi %get3A_363, %and3A_383 : vector<16xi32>
        %add3A_385 = arith.addi %add3A_381, %and3A_384 : vector<16xi32>
        %add3A_386 = arith.constant 307200 : i32
        %add3A_387 = arith.addi %mul3A_44, %add3A_386 : i32
        %add3A_388 = vector.broadcast %add3A_387 : i32 to vector<16xi32>
        %add3A_389 = arith.addi %add3A_385, %add3A_388 : vector<16xi32>
        %add3A_390 = arith.addi %mul3A_344, %add3A_354 : i32
        %swap3A = arith.index_cast %add3A_390 : i32 to index
        %swap3A_391 = tpu.vector_load %arg7[%swap3A] {strides = array<i32>} : memref<7168xi32, #tpu.memory_space<vmem>>, vector<16xi32>,
        tpu.vector_store %arg7[%swap3A], %add3A_389 {strides = array<i32>} : memref<7168xi32, #tpu.memory_space<vmem>>, vector<16xi32>,
        %add3A_392 = vector.broadcast %mul3A_44 : i32 to vector<16xi32>
        %add3A_393 = arith.addi %add3A_385, %add3A_392 : vector<16xi32>
        %add3A_394 = arith.constant 128 : i32
        %add3A_395 = arith.addi %mul3A_344, %add3A_394 : i32
        %add3A_396 = arith.addi %add3A_395, %add3A_354 : i32
        %swap3A_397 = arith.index_cast %add3A_396 : i32 to index
        %swap3A_398 = tpu.vector_load %arg7[%swap3A_397] {strides = array<i32>} : memref<7168xi32, #tpu.memory_space<vmem>>, vector<16xi32>,
        tpu.vector_store %arg7[%swap3A_397], %add3A_393 {strides = array<i32>} : memref<7168xi32, #tpu.memory_space<vmem>>, vector<16xi32>,
      }
      %scan3A_349 = arith.constant 8 : i32
    }
    %scan3A_305 = arith.constant 28 : i32
    %dma_wait3A_306 = tpu.memref_slice %arg4[%add3A_290] : memref<1600512xf32, #tpu.memory_space<hbm>> -> memref<7168xf32, #tpu.memory_space<hbm>>
    %dma_wait3A_307 = tpu.memref_slice %arg4[%add3A_290] : memref<1600512xf32, #tpu.memory_space<hbm>> -> memref<7168xf32, #tpu.memory_space<hbm>>
    tpu.wait_dma2 semaphore(%arg15 : memref<!tpu.dma_semaphore, #tpu.memory_space<semaphore_mem>>) src(%arg9 : memref<7168xf32, #tpu.memory_space<vmem>>) dst(%dma_wait3A_307 : memref<7168xf32, #tpu.memory_space<hbm>>)
    %dma_start3A_308 = arith.constant 0 : i32
    %dma_start3A_309 = tpu.memref_slice %arg2[%dma_start3A_308] : memref<2457600xf32, #tpu.memory_space<hbm>> -> memref<2457600xf32, #tpu.memory_space<hbm>>
    tpu.enqueue_indirect_dma source(%dma_start3A_309 : memref<2457600xf32, #tpu.memory_space<hbm>>) target(%arg9 : memref<7168xf32, #tpu.memory_space<vmem>>) offsets(%arg7 : memref<7168xi32, #tpu.memory_space<vmem>>) semaphore(%arg13 : memref<!tpu.dma_semaphore, #tpu.memory_space<semaphore_mem>>)
    %dma_wait3A_310 = arith.constant 0 : i32
    %dma_wait3A_311 = tpu.memref_slice %arg2[%dma_wait3A_310] : memref<2457600xf32, #tpu.memory_space<hbm>> -> memref<2457600xf32, #tpu.memory_space<hbm>>
    tpu.wait_indirect_dma semaphore(%arg14 : memref<!tpu.dma_semaphore, #tpu.memory_space<semaphore_mem>>) src(%dma_wait3A_311 : memref<2457600xf32, #tpu.memory_space<hbm>>) dst(%arg10 : memref<7168xf32, #tpu.memory_space<vmem>>)
    %add3A_312 = arith.constant 140 : i32
    %add3A_313 = arith.addi %add3A_34, %add3A_312 : i32
    %sub3A_314 = arith.constant 28 : i32
    %sub3A_315 = arith.subi %add3A_42, %sub3A_314 : i32
    %min3A_316 = arith.minsi %add3A_313, %sub3A_315 : i32
    %mul3A_317 = arith.constant 256 : i32
    %mul3A_318 = arith.muli %min3A_316, %mul3A_317 : i32
    %add3A_319 = arith.addi %mul3A_46, %mul3A_318 : i32
    %dma_start3A_320 = tpu.memref_slice %arg4[%add3A_319] : memref<1600512xf32, #tpu.memory_space<hbm>> -> memref<7168xf32, #tpu.memory_space<hbm>>
    %dma_start3A_321 = tpu.memref_slice %arg4[%add3A_319] : memref<1600512xf32, #tpu.memory_space<hbm>> -> memref<7168xf32, #tpu.memory_space<hbm>>
    tpu.enqueue_dma source(%arg10 : memref<7168xf32, #tpu.memory_space<vmem>>) target(%dma_start3A_321 : memref<7168xf32, #tpu.memory_space<hbm>>) target_semaphore(%arg16 : memref<!tpu.dma_semaphore, #tpu.memory_space<semaphore_mem>>)
    %dma_wait3A_322 = arith.constant 0 : i32
    %dma_wait3A_323 = tpu.memref_slice %arg2[%dma_wait3A_322] : memref<2457600xf32, #tpu.memory_space<hbm>> -> memref<2457600xf32, #tpu.memory_space<hbm>>
    tpu.wait_indirect_dma semaphore(%arg13 : memref<!tpu.dma_semaphore, #tpu.memory_space<semaphore_mem>>) src(%dma_wait3A_323 : memref<2457600xf32, #tpu.memory_space<hbm>>) dst(%arg9 : memref<7168xf32, #tpu.memory_space<vmem>>)
    %add3A_324 = arith.constant 168 : i32
    %add3A_325 = arith.addi %add3A_34, %add3A_324 : i32
    %sub3A_326 = arith.constant 28 : i32
    %sub3A_327 = arith.subi %add3A_42, %sub3A_326 : i32
    %min3A_328 = arith.minsi %add3A_325, %sub3A_327 : i32
    %mul3A_329 = arith.constant 256 : i32
    %mul3A_330 = arith.muli %min3A_328, %mul3A_329 : i32
    %add3A_331 = arith.addi %mul3A_46, %mul3A_330 : i32
    %dma_start3A_332 = tpu.memref_slice %arg4[%add3A_331] : memref<1600512xf32, #tpu.memory_space<hbm>> -> memref<7168xf32, #tpu.memory_space<hbm>>
    %dma_start3A_333 = tpu.memref_slice %arg4[%add3A_331] : memref<1600512xf32, #tpu.memory_space<hbm>> -> memref<7168xf32, #tpu.memory_space<hbm>>
    tpu.enqueue_dma source(%arg9 : memref<7168xf32, #tpu.memory_space<vmem>>) target(%dma_start3A_333 : memref<7168xf32, #tpu.memory_space<hbm>>) target_semaphore(%arg15 : memref<!tpu.dma_semaphore, #tpu.memory_space<semaphore_mem>>)
    %dma_wait3A_334 = tpu.memref_slice %arg4[%add3A_319] : memref<1600512xf32, #tpu.memory_space<hbm>> -> memref<7168xf32, #tpu.memory_space<hbm>>
    %dma_wait3A_335 = tpu.memref_slice %arg4[%add3A_319] : memref<1600512xf32, #tpu.memory_space<hbm>> -> memref<7168xf32, #tpu.memory_space<hbm>>
    tpu.wait_dma2 semaphore(%arg16 : memref<!tpu.dma_semaphore, #tpu.memory_space<semaphore_mem>>) src(%arg10 : memref<7168xf32, #tpu.memory_space<vmem>>) dst(%dma_wait3A_335 : memref<7168xf32, #tpu.memory_space<hbm>>)
    %dma_wait3A_336 = tpu.memref_slice %arg4[%add3A_331] : memref<1600512xf32, #tpu.memory_space<hbm>> -> memref<7168xf32, #tpu.memory_space<hbm>>
    %dma_wait3A_337 = tpu.memref_slice %arg4[%add3A_331] : memref<1600512xf32, #tpu.memory_space<hbm>> -> memref<7168xf32, #tpu.memory_space<hbm>>
    tpu.wait_dma2 semaphore(%arg15 : memref<!tpu.dma_semaphore, #tpu.memory_space<semaphore_mem>>) src(%arg9 : memref<7168xf32, #tpu.memory_space<vmem>>) dst(%dma_wait3A_337 : memref<7168xf32, #tpu.memory_space<hbm>>)
    return
  }
}

</mosaic_0001>

<sc_bundles>
// kernel: kernel.3.cloned.1.call-start
scs
__scs_entry_jumppad:
0x0: {  	(pc) =	sbr.rel $0x88, $3  }
0x1: {  	(tag) =	ssettag $0x0;
	lr =	simm.s32 $0x1  }
0x2: {  	[smem:$0x3F9F] =	sst lr;
	_ =	strace $0xD0000000  }
0x3: {  	_ = 	snop  }
0x4: {  	_ = 	snop  }
0x5: {  	_ = 	snop  }
0x6: {  	_ = 	snop  }
0x7: {  	_ = 	snop  }
__scs_overlays_trampoline_lowered:
0x8: {  	[smem:$0x3FAE] =	sst s0  }
0x9: {  	[smem:$0x3FAF] =	sst s1  }
0xa: {  	[smem:$0x3FB0] =	sst s2  }
0xb: {  	[smem:$0x3FB1] =	sst s3  }
0xc: {  	[smem:$0x3FB2] =	sst s4  }
0xd: {  	[smem:$0x3FB3] =	sst s5  }
0xe: {  	[smem:$0x3FB4] =	sst s6  }
0xf: {  	[smem:$0x3FB5] =	sst s7  }
0x10: {  	[smem:$0x3FB6] =	sst s8  }
0x11: {  	[smem:$0x3FB7] =	sst s9;
	s0 =	simm.s32 @!p0 $0x0  }
0x12: {  	s1 =	sld [smem:$0x3F9D];
	s0 =	simm.s32 @p0 $0x1  }
0x13: {  	[smem:$0x3FB8] =	sst s0;
	s0 =	simm.s32 @!p1 $0x0  }
0x14: {  	s2 =	sld [smem:$0x3F9C];
	s0 =	simm.s32 @p1 $0x1  }
0x15: {  	[smem:$0x3FB9] =	sst s0;
	s0 =	simm.s32 @!p2 $0x0  }
0x16: {  	s3 =	sld [smem:$0x3FDB];
	s0 =	simm.s32 @p2 $0x1  }
0x17: {  	s4 =	simm.s32 $0x1BF5;
	[smem:$0x3FBB] =	sst s0  }
0x18: {  	s0 =	sld [smem:$0x3F9E];
	_ =	swait.ge [sflag:s4], $0x0  }
0x19: {  	s7 =	sld [smem:$0x3F9F]  }
0x1a: {  	s8 =	sadd.s32 $0xFFFFE003, lr  }
0x1b: {  	s9 =	sadd.s32 $0xFFFFFEF7, lr;
	s5 =	simm.s32 $0xFFFFFFFF;
	p2 =	slt.u32 s8, $0xFFFFF086  }
0x1c: {  	p1 =	slt.u32 s9, $0xF7A;
	s5 =	simm.s32 @!p2 $0x0  }
0x1d: {  	s5 =	simm.s32 @p1 $0x1;
	p0 =	seq.s32 s7, s2  }
0x1e: {  	s7 =	smul.u32 @!p0 $0xF7A, s2;
	p2 =	seq.s32 @!p0 s5, $0x0  }
0x1f: {  	s9 =	smul.u32 $0xF7A, s1;
	s8 =	simm.s32 @!p0 $0x1BF5;
	p2 =	por !p2, p0  }
0x20: {  	[sflag:s8] =	ssyncset.s32 @!p0 $0xFFFFF086;
	s6 =	sadd.s32 @!p0 s3, s7;
	s7 =	simm.s32 @!p0 $0x108  }
0x21: {  	s3 =	sadd.s32 s3, s9;
	s6 =	sadd.s32 @!p0 $0x88, s6;
	s7 =	simm.s32 @p2 $0x1082  }
0x22: {  	[simem:s7], [sflag:s8] =	dma.local @!p0 [hbm:s6], $0xF7A  }
0x23: {  	s9 =	sor.u32 $0xD0000000, s2;
	s6 =	simm.s32 $0x108;
	_ =	swait.ge @!p0 [sflag:s8], $0x0  }
0x24: {  	s3 =	sadd.s32 $0x88, s3;
	s6 =	simm.s32 @!p1 $0x1082;
	[sflag:s4] =	ssyncset.s32 $0xFFFFF086  }
0x25: {  	[simem:s6], [sflag:s4] =	dma.local [hbm:s3], $0xF7A  }
0x26: {  	[smem:$0x3F9F] =	sst s1;
	(tag) =	ssettag s2;
	_ =	strace s9  }
0x27: {  	s1 =	sld [smem:$0x3FAF]  }
0x28: {  	s2 =	sld [smem:$0x3FB0]  }
0x29: {  	s4 =	sld [smem:$0x3FB2]  }
0x2a: {  	p0 =	seq.s32 s5, $0x0;
	s5 =	sld [smem:$0x3FB3]  }
0x2b: {  	s6 =	sld [smem:$0x3FB4]  }
0x2c: {  	s7 =	sld [smem:$0x3FB5]  }
0x2d: {  	s3 =	simm.s32 $0x108;
	s8 =	sld [smem:$0x3FB6]  }
0x2e: {  	s3 =	simm.s32 @!p0 $0x1082;
	s9 =	sld [smem:$0x3FB7]  }
0x2f: {  	lr =	sadd.s32 s0, s3;
	s0 =	sld [smem:$0x3FAE]  }
0x30: {  	s3 =	sld [smem:$0x3FB1]  }
0x31: {  	[smem:$0x3FBA] =	sst s10  }
0x32: {  	s10 =	sld [smem:$0x3FB8];
	_ =	sdelay $0x3  }
0x33: {  	p0 =	seq.s32 s10, $0x1;
	s10 =	sld [smem:$0x3FBA];
	_ =	sdelay $0x3  }
0x34: {  	[smem:$0x3FBA] =	sst s10  }
0x35: {  	s10 =	sld [smem:$0x3FB9];
	_ =	sdelay $0x3  }
0x36: {  	p1 =	seq.s32 s10, $0x1;
	s10 =	sld [smem:$0x3FBA];
	_ =	sdelay $0x3  }
0x37: {  	[smem:$0x3FBA] =	sst s10  }
0x38: {  	s10 =	sld [smem:$0x3FBB]  }
0x39: {  	_ = 	snop;
	(pc) =	sbr.ind lr, $3  }
0x3a: {  	_ = 	snop  }
0x3b: {  	_ = 	snop  }
0x3c: {  	p2 =	seq.s32 s10, $0x1;
	s10 =	sld [smem:$0x3FBA]  }
0x3d: {  	_ =	shalt  }
0x3e: {  	_ =	shalt  }
0x3f: {  	_ =	shalt  }
0x40: {  	_ =	shalt  }
0x41: {  	_ =	shalt  }
0x42: {  	_ =	shalt  }
0x43: {  	_ =	shalt  }
0x44: {  	_ =	shalt  }
0x45: {  	_ =	shalt  }
0x46: {  	_ =	shalt  }
0x47: {  	_ =	shalt  }
0x48: {  	_ =	shalt  }
0x49: {  	_ =	shalt  }
0x4a: {  	_ =	shalt  }
0x4b: {  	_ =	shalt  }
0x4c: {  	_ =	shalt  }
0x4d: {  	_ =	shalt  }
0x4e: {  	_ =	shalt  }
0x4f: {  	_ =	shalt  }
0x50: {  	_ =	shalt  }
0x51: {  	_ =	shalt  }
0x52: {  	_ =	shalt  }
0x53: {  	_ =	shalt  }
0x54: {  	_ =	shalt  }
0x55: {  	_ =	shalt  }
0x56: {  	_ =	shalt  }
0x57: {  	_ =	shalt  }
0x58: {  	_ =	shalt  }
0x59: {  	_ =	shalt  }
0x5a: {  	_ =	shalt  }
0x5b: {  	_ =	shalt  }
0x5c: {  	_ =	shalt  }
0x5d: {  	_ =	shalt  }
0x5e: {  	_ =	shalt  }
0x5f: {  	_ =	shalt  }
0x60: {  	_ =	shalt  }
0x61: {  	_ =	shalt  }
0x62: {  	_ =	shalt  }
0x63: {  	_ =	shalt  }
0x64: {  	_ =	shalt  }
0x65: {  	_ =	shalt  }
0x66: {  	_ =	shalt  }
0x67: {  	_ =	shalt  }
0x68: {  	_ =	shalt  }
0x69: {  	_ =	shalt  }
0x6a: {  	_ =	shalt  }
0x6b: {  	_ =	shalt  }
0x6c: {  	_ =	shalt  }
0x6d: {  	_ =	shalt  }
0x6e: {  	_ =	shalt  }
0x6f: {  	_ =	shalt  }
0x70: {  	_ =	shalt  }
0x71: {  	_ =	shalt  }
0x72: {  	_ =	shalt  }
0x73: {  	_ =	shalt  }
0x74: {  	_ =	shalt  }
0x75: {  	_ =	shalt  }
0x76: {  	_ =	shalt  }
0x77: {  	_ =	shalt  }
0x78: {  	_ =	shalt  }
0x79: {  	_ =	shalt  }
0x7a: {  	_ =	shalt  }
0x7b: {  	_ =	shalt  }
0x7c: {  	_ =	shalt  }
0x7d: {  	_ =	shalt  }
0x7e: {  	_ =	shalt  }
0x7f: {  	_ =	shalt  }
0x80: {  	_ =	shalt  }
0x81: {  	_ =	shalt  }
0x82: {  	_ =	shalt  }
0x83: {  	_ =	shalt  }
0x84: {  	_ =	shalt  }
0x85: {  	_ =	shalt  }
0x86: {  	_ =	shalt  }
0x87: {  	_ =	shalt  }
.Lfunc_end0:
.L_simem_size_0:
called_computation_lowered:
.L_overlay_start_0:
0x88: {  	s2 =	sld [smem:$0x3FD9]  }
0x89: {  	s3 =	sld [smem:$0x3FFE];
	_ =	sdelay $0x1  }
0x8a: {  	s1 =	srdreg.scid  }
0x8b: {  	s0 =	sand.u32 $0x1, s1  }
0x8c: {  	s17 =	sshll.u32 s0, $0xA;
	s2 =	sadd.s32 s3, s2  }
0x8d: {  	s2 =	sadd.s32 s2, s17  }
0x8e: {  	[smem:$0x3FC6] =	sst s2  }
0x8f: {  	_ = 	snop  }
0x90: {  	s2 =	sld [smem:$0x3FC9]  }
0x91: {  	s18 =	sld [smem:$0x3FD0];
	(tm) =	ssettm $0x1  }
0x92: {  	s4 =	sld [smem:$0x3FFB];
	_ =	sdelay $0x3  }
0x93: {  	_ =	strace s4  }
0x94: {  	s4 =	sld [smem:$0x3FFC];
	_ =	sdelay $0x3  }
0x95: {  	_ =	strace s4  }
0x96: {  	s4 =	sld [smem:$0x3FFD];
	_ =	sdelay $0x3  }
0x97: {  	_ =	strace s4  }
0x98: {  	_ =	strace $0x8FFFFFFF  }
0x99: {  	s19 =	sld [smem:$0x3FDB];
	_ =	sdelay $0x1  }
0x9a: {  	s5 =	simm.s32 $_scs_section_size  }
0x9b: {  	s6 =	simm.s32 $_size__tile_overlayer_lowered;
	s7 =	simm.s32 $_tile_overlayer_lowered  }
0x9c: {  	s22 =	simm.s32 $0x1BFF;
	s21 =	sshll.u32 s7, $0x1;
	s4 =	sadd.s32 s5, s19  }
0x9d: {  	s8 =	simm.s32 $0x0;
	s20 =	sshll.u32 s6, $0x1;
	s6 =	sadd.s32 s21, s4  }
0x9e: {  	[timem:s8], [sflag:s22] =	dma.local [hbm:s6], s20  }
0x9f: {  	_ =	swait.ge [sflag:s22], s20  }
0xa0: {  	s5 =	ssub.s32 $0x0, s20;
	[sflag:s22] =	ssyncset.done $0x0  }
0xa1: {  	[sflag:s22] =	ssyncadd.s32 s5;
	_ =	sdelay $0x1  }
0xa2: {  	s23 =	simm.s32 $0x1B8B  }
0xa3: {  	_ =	swait.ge [sflag:s23], $0x1  }
0xa4: {  	[sflag:s23] =	ssyncset.done $0x0  }
0xa5: {  	s25 =	simm.s32 $0x1B8E;
	s24 =	sld [smem:$0x3FFE];
	[sflag:s23] =	ssyncadd.s32 $0xFFFFFFFF  }
0xa6: {  	s26 =	simm.s32 $execute0_lowered;
	[smem:$0x3FD2] =	sst s25  }
0xa7: {  	s6 =	sshll.u32 s26, $0x1;
	_ =	strace $0x80000046;
	[dreg:$0x1] =	wrdreg $0xFFFFFFFF  }
0xa8: {  	s28 =	simm.s32 $_size_execute0_lowered;
	s4 =	sadd.s32 s4, s6;
	[dreg:$0x0] =	wrdreg $0x0  }
0xa9: {  	s6 =	sshll.u32 s28, $0x1;
	[dreg:$0x2] =	wrdreg s4  }
0xaa: {  	[dreg:$0x3] =	wrdreg s6  }
0xab: {  	[dreg:$0x4] =	wrdreg $0xC0  }
0xac: {  	_ =	task [dreg:s8], $0x5FFFF  }
0xad: {  	[dreg:$0x1] =	wrdreg $0xFFFFFFFF  }
0xae: {  	[dreg:$0x0] =	wrdreg $0x60  }
0xaf: {  	[dreg:$0x2] =	wrdreg s2  }
0xb0: {  	[dreg:$0x3] =	wrdreg s24  }
0xb1: {  	[dreg:$0x4] =	wrdreg s18  }
0xb2: {  	[dreg:$0x5] =	wrdreg $0x9  }
0xb3: {  	_ =	task.clear_ibuf [dreg:s8], $0x6FFFF;
	_ =	strace $0x90000046  }
0xb4: {  	s29 =	simm.s32 $0x9;
	_ =	strace $0x80000048  }
0xb5: {  	_ =	swait.ge [sflag:s29], $0x1  }
0xb6: {  	[sflag:s29] =	ssyncadd.s32 $0xFFFFFFFF  }
0xb7: {  	_ =	strace $0x90000048  }
0xb8: {  	_ =	sfence  }
0xb9: {  	s30 =	sld [smem:$0x0];
	_ =	sdelay $0x2  }
0xba: {  	s31 =	sshll.u32 s1, $0xD;
	s1 =	sshrl.u32 s1, $0x2  }
0xbb: {  	s3 =	sand.u32 $0x4000, s31;
	s1 =	sadd.s32 s1, s30  }
0xbc: {  	s0 =	sor.u32 s3, s0;
	s1 =	sshll.u32 s1, $0x11  }
0xbd: {  	s0 =	sor.u32 s1, s0  }
0xbe: {  	s0 =	sadd.s32 $0x8F2B, s0  }
0xbf: {  	[sflag:s0] =	ssyncadd.remote.s32 $0x1  }
0xc0: {  	_ =	sfence.sel $0xFFFF  }
0xc1: {  	[dreg:$0x0] =	wrdreg $0xFFFFFFFF;
	(pc) =	sbr.abs _section_cstart, $3  }
0xc2: {  	[dreg:$0x1] =	wrdreg $0xFFFFFFFF  }
0xc3: {  	_ =	task.clear_ibuf [dreg:s8], $0x2FFFF;
	_ =	strace $0x9FFFFFFF  }
0xc4: {  	(tm) =	ssettm $0x7FFFFFFF  }
0xc5: {  	_ =	shalt  }
tec
execute0_lowered:
.L_overlay_start_1:
0x0: {  	(tag) =	ssettag $0x1  }
0x1: {  	s8 =	stileid.u32;
	s1 =	rddreg [dreg:$0x0]  }
0x2: {  	s0 =	srdreg.scid;
	s6 =	rddreg [dreg:$0x1];
	s3 =	simm.s32 $0x0  }
0x3: {  	s28 =	simm.s32 $0x8C00;
	s29 =	simm.s32 $0x3;
	s30 =	simm.s32 $0x5  }
0x4: {  	s31 =	simm.s32 $0x4;
	s4 =	sand.u32 $0x1, s0;
	s0 =	rddreg [dreg:$0x2]  }
0x5: {  	s2 =	sshll.u32 s8, $0x1;
	[smem:$0x7FF] =	sst s3;
	s8 =	sshrl.u32 s8, $0x2  }
0x6: {  	s15 =	sadd.s32 $0x410, s6;
	s2 =	sand.u32 $0x6, s2;
	s14 =	smul.u32 $0xC3600, s8  }
0x7: {  	_ =	strace $0x80000047;
	s16 =	smul.u32 $0x61B00, s8;
	s2 =	sor.u32 s4, s2  }
0x8: {  	s4 =	ssub.s32 $0x2, s4;
	s5 =	smul.u32 $0xC3, s2;
	s7 =	smin.u32 s2, $0x3  }
0x9: {  	p0 =	slt.u32 s2, $0x3;
	s2 =	simm.s32 $0x1;
	s18 =	sshrl.u32 s4, $0x1  }
0xa: {  	s2 =	simm.s32 @!p0 $0x0;
	s7 =	sadd.s32 s7, s5;
	s5 =	ssub.s32 s4, s18  }
0xb: {  	s4 =	simm.s32 $0x1;
	s2 =	sadd.s32 s2, s7;
	s11 =	sadd.s32 $0x1C, s7  }
0xc: {  	s22 =	sadd.s32 $0x38, s7;
	s12 =	sadd.s32 $0x54, s7;
	s13 =	sadd.s32 $0xA7, s2  }
0xd: {  	s26 =	sadd.s32 $0x70, s7;
	s2 =	smul.u32 $0x96000, s8;
	s9 =	smin.u32 s7, s13  }
0xe: {  	s11 =	smin.u32 s11, s13;
	s17 =	smin.u32 s12, s13;
	s18 =	smin.u32 s26, s13  }
0xf: {  	s10 =	sshll.u32 s9, $0x9;
	s20 =	sshll.u32 s11, $0x9;
	s9 =	sshll.u32 s9, $0x8  }
0x10: {  	s25 =	sshll.u32 s17, $0x9;
	s11 =	sshll.u32 s11, $0x8;
	s12 =	sshll.u32 s18, $0x9  }
0x11: {  	s17 =	sshll.u32 s17, $0x8;
	s10 =	sadd.s32 s14, s10;
	s21 =	sadd.s32 s14, s20  }
0x12: {  	s9 =	sadd.s32 s16, s9;
	s11 =	sadd.s32 s16, s11;
	s12 =	sadd.s32 s14, s12  }
0x13: {  	s17 =	sadd.s32 s16, s17;
	s19 =	sshrl.u32 s10, $0x3;
	s6 =	sshrl.u32 s21, $0x3  }
0x14: {  	s10 =	smin.u32 s22, s13;
	s24 =	sshrl.u32 s9, $0x3;
	s9 =	sadd.s32 s14, s25  }
0x15: {  	s11 =	sshrl.u32 s11, $0x3;
	s12 =	sshrl.u32 s12, $0x3;
	s21 =	sadd.s32 $0x8C, s7  }
0x16: {  	s7 =	sadd.s32 $0xA8, s7;
	s17 =	sshrl.u32 s17, $0x3;
	s25 =	sshll.u32 s18, $0x8  }
0x17: {  	s8 =	sadd.s32 s19, s15;
	s6 =	sadd.s32 s6, s15;
	s23 =	sshll.u32 s10, $0x9  }
0x18: {  	s9 =	sshrl.u32 s9, $0x3;
	s19 =	sshll.u32 s10, $0x8;
	s10 =	sadd.s32 s0, s11  }
0x19: {  	s11 =	sadd.s32 s12, s15;
	s7 =	smin.u32 s7, s13;
	[dreg:$0x4] =	wrdreg s8  }
0x1a: {  	[dreg:$0x5] =	wrdreg s6;
	s6 =	sadd.s32 $0x4B000, s2;
	s8 =	sadd.s32 s14, s23  }
0x1b: {  	s9 =	sadd.s32 s9, s15;
	s20 =	sadd.s32 s16, s19;
	s19 =	smin.u32 s21, s13  }
0x1c: {  	s23 =	sshll.u32 s7, $0x9;
	s7 =	sshll.u32 s7, $0x8;
	s21 =	simm.s32 $0x200  }
0x1d: {  	v1 =	vmov s2;
	s2 =	simm.s32 $0x6;
	s8 =	sshrl.u32 s8, $0x3;
	s12 =	sshrl.u32 s20, $0x3  }
0x1e: {  	s20 =	sshll.u32 s19, $0x9;
	s26 =	sshll.u32 s19, $0x8;
	s7 =	sadd.s32 s16, s7  }
0x1f: {  	s19 =	smax.u32 s5, $0x1;
	s8 =	sadd.s32 s8, s15;
	s12 =	sadd.s32 s0, s12  }
0x20: {  	s22 =	sadd.s32 s14, s20;
	s20 =	sadd.s32 s14, s23;
	s14 =	sadd.s32 s0, s17  }
0x21: {  	s17 =	sadd.s32 s16, s25;
	s18 =	sadd.s32 s16, s26;
	s7 =	sshrl.u32 s7, $0x3  }
0x22: {  	s23 =	simm.s32 $0x3800;
	s25 =	simm.s32 $0x2;
	s26 =	simm.s32 $0x5400  }
0x23: {  	[dreg:$0x6] =	wrdreg s8;
	s8 =	sadd.s32 s0, s24;
	s13 =	sshrl.u32 s22, $0x3  }
0x24: {  	s24 =	sshrl.u32 s20, $0x3;
	s17 =	sshrl.u32 s17, $0x3;
	s18 =	sshrl.u32 s18, $0x3  }
0x25: {  	s20 =	simm.s32 $0x100;
	s22 =	simm.s32 $0x1C00;
	s13 =	sadd.s32 s13, s15  }
0x26: {  	s15 =	sadd.s32 s24, s15;
	s16 =	sadd.s32 s0, s17;
	s17 =	sadd.s32 s0, s18  }
0x27: {  	v0 =	vmov s6;
	s18 =	sadd.s32 s0, s7;
	s24 =	simm.s32 $0x7000;
	s0 =	simm.s32 $0x0  }
.LBB2_1:
0x28: {  	s5 =	rddreg [dreg:$0x4]  }
0x29: {  	[tilespmem:s3], [sflag:$0x1] =	stream.strided.gather [hbm4b:s5+s20], $0x1C00, s21, s20, $0x38;
	[tilespmem:$0xA800] =	vst v63  }
0x2a: {  	s7 =	rddreg [dreg:$0x5]  }
0x2b: {  	[tilespmem:s22], [sflag:$0x2] =	stream.strided.gather [hbm4b:s7+s20], $0x1C00, s21, s20, $0x38;
	[tilespmem:$0xA800] =	vst v63  }
0x2c: {  	_ =	swait.ge [sflag:s4], $0x1C00  }
0x2d: {  	[sflag:s4] =	ssyncset.done $0x0  }
0x2e: {  	s5 =	simm.s32 $0x0;
	[sflag:s4] =	ssyncadd.s32 $0xFFFFE400  }
0x2f: {  	v2 =	vld [tilespmem:s5+$0x70]  }
0x30: {  	v3 =	vld [tilespmem:s5+$0x0]  }
0x31: {  	v4 =	vld [tilespmem:s5+$0xF0]  }
0x32: {  	v5 =	vld [tilespmem:s5+$0x10]  }
0x33: {  	v6 =	vld [tilespmem:s5+$0x20]  }
0x34: {  	v7 =	vld [tilespmem:s5+$0x30]  }
0x35: {  	v9 =	vld [tilespmem:s5+$0x40]  }
0x36: {  	v11 =	vld [tilespmem:s5+$0x50]  }
0x37: {  	v13 =	vld [tilespmem:s5+$0x60]  }
0x38: {  	v49 =	vld [tilespmem:s5+$0x80]  }
0x39: {  	v16 =	vld [tilespmem:s5+$0x90]  }
0x3a: {  	v19 =	vld [tilespmem:s5+$0xB0];
	v8 =	vshrl.u32 v2, $0x3  }
0x3b: {  	v21 =	vld [tilespmem:s5+$0xC0];
	v10 =	vshrl.u32 v3, $0x3;
	v3 =	vshll.u32 v3, $0x7;
	v12 =	vshrl.u32 v4, $0x7  }
0x3c: {  	v23 =	vld [tilespmem:s5+$0xD0];
	v14 =	vshrl.u32 v5, $0x3;
	v2 =	vshll.u32 v2, $0x7;
	v15 =	vshrl.u32 v6, $0x3  }
0x3d: {  	v24 =	vld [tilespmem:s5+$0xE0];
	v17 =	vshrl.u32 v7, $0x3;
	v4 =	vand.u32 $0x7F, v4;
	v18 =	vshrl.u32 v9, $0x3  }
0x3e: {  	v50 =	vshrl.u32 v11, $0x3;
	v22 =	vshrl.u32 v13, $0x3;
	v51 =	vshrl.u32 v49, $0x7  }
0x3f: {  	v52 =	vshrl.u32 v16, $0x7;
	v5 =	vshll.u32 v5, $0x7;
	v6 =	vshll.u32 v6, $0x7  }
0x40: {  	v54 =	vshrl.u32 v19, $0x7;
	v7 =	vshll.u32 v7, $0x7;
	v55 =	vshrl.u32 v21, $0x7  }
0x41: {  	v9 =	vshll.u32 v9, $0x7;
	v56 =	vshrl.u32 v23, $0x7;
	v11 =	vshll.u32 v11, $0x7  }
0x42: {  	v57 =	vshrl.u32 v24, $0x7;
	v13 =	vshll.u32 v13, $0x7;
	v60 =	vand.u32 $0x7F, v16  }
0x43: {  	v62 =	vand.u32 $0x7F, v19;
	v63 =	vand.u32 $0x7F, v21;
	v8 =	vmul.u32 $0x5, v8  }
0x44: {  	v10 =	vmul.u32 $0x5, v10;
	v3 =	vand.u32 $0x380, v3;
	v2 =	vand.u32 $0x380, v2  }
0x45: {  	v14 =	vmul.u32 $0x5, v14;
	v17 =	vmul.u32 $0x5, v17;
	v18 =	vmul.u32 $0x5, v18  }
0x46: {  	v22 =	vmul.u32 $0x5, v22;
	v5 =	vand.u32 $0x380, v5;
	v6 =	vand.u32 $0x380, v6  }
0x47: {  	v7 =	vand.u32 $0x380, v7;
	v9 =	vand.u32 $0x380, v9;
	v8 =	vadd.s32 v12, v8  }
0x48: {  	v10 =	vadd.s32 v51, v10;
	v14 =	vadd.s32 v52, v14;
	v17 =	vadd.s32 v54, v17  }
0x49: {  	v18 =	vadd.s32 v55, v18;
	v8 =	vshll.u32 v8, $0xA;
	v10 =	vshll.u32 v10, $0xA  }
0x4a: {  	v14 =	vshll.u32 v14, $0xA;
	v17 =	vshll.u32 v17, $0xA;
	v2 =	vor.u32 v2, v8;
	v8 =	vld [tilespmem:s5+$0xA0]  }
0x4b: {  	v18 =	vshll.u32 v18, $0xA;
	v10 =	vor.u32 v3, v10;
	v3 =	vand.u32 $0x380, v11  }
0x4c: {  	v11 =	vand.u32 $0x380, v13;
	v5 =	vor.u32 v5, v14;
	v7 =	vor.u32 v7, v17  }
0x4d: {  	v2 =	vor.u32 v4, v2;
	v4 =	vmul.u32 $0x5, v15;
	v15 =	vmul.u32 $0x5, v50  }
0x4e: {  	v59 =	vor.u32 v9, v18;
	v9 =	vand.u32 $0x7F, v49;
	v7 =	vor.u32 v62, v7  }
0x4f: {  	v20 =	vadd.s32 v1, v2;
	v15 =	vadd.s32 v56, v15;
	v53 =	vshrl.u32 v8, $0x7  }
0x50: {  	[tilespmem:s5+$0x38F0] =	vst v20;
	v20 =	vadd.s32 v57, v22;
	v15 =	vshll.u32 v15, $0xA;
	v4 =	vadd.s32 v53, v4  }
0x51: {  	v20 =	vshll.u32 v20, $0xA;
	v61 =	vand.u32 $0x7F, v8;
	v4 =	vshll.u32 v4, $0xA  }
0x52: {  	v8 =	vand.u32 $0x7F, v24;
	v58 =	vor.u32 v6, v4;
	v4 =	vor.u32 v3, v15  }
0x53: {  	v3 =	vor.u32 v11, v20;
	v6 =	vand.u32 $0x7F, v23;
	v11 =	vor.u32 v9, v10  }
0x54: {  	s6 =	simm.s32 $0x100;
	s7 =	simm.s32 $0x800;
	v10 =	vor.u32 v60, v5;
	v5 =	vor.u32 v63, v59;
	v9 =	vor.u32 v61, v58  }
.LBB2_2:
0x55: {  	p0 =	sne.s32 s7, $0x6C00;
	v12 =	vld [tilespmem:s6+$0x70];
	v13 =	vadd.s32 v0, v11;
	v4 =	vor.u32 v6, v4;
	v3 =	vor.u32 v8, v3  }
0x56: {  	v8 =	vadd.s32 v1, v11;
	v11 =	vadd.s32 v0, v10;
	v10 =	vadd.s32 v1, v10;
	v6 =	vld [tilespmem:s6+$0x0];
	[tilespmem:s5+$0x3800] =	vst v13  }
0x57: {  	v14 =	vadd.s32 v0, v7;
	v13 =	vld [tilespmem:s6+$0xF0];
	[tilespmem:s5+$0x3880] =	vst v8;
	v8 =	vadd.s32 v0, v9;
	v9 =	vadd.s32 v1, v9  }
0x58: {  	v7 =	vadd.s32 v1, v7;
	v15 =	vld [tilespmem:s6+$0x10];
	[tilespmem:s5+$0x3810] =	vst v11;
	v11 =	vadd.s32 v0, v5;
	v5 =	vadd.s32 v1, v5  }
0x59: {  	v17 =	vadd.s32 v0, v3;
	v16 =	vld [tilespmem:s6+$0x20];
	[tilespmem:s5+$0x3890] =	vst v10;
	v10 =	vadd.s32 v0, v4;
	v4 =	vadd.s32 v1, v4  }
0x5a: {  	v3 =	vadd.s32 v1, v3;
	v18 =	vld [tilespmem:s6+$0x30];
	v19 =	vshrl.u32 v12, $0x3;
	[tilespmem:s5+$0x3820] =	vst v8;
	v8 =	vadd.s32 v0, v2  }
0x5b: {  	v2 =	vshrl.u32 v6, $0x3;
	v6 =	vshll.u32 v6, $0x7;
	v20 =	vld [tilespmem:s6+$0x40];
	v19 =	vmul.u32 $0x5, v19;
	[tilespmem:s5+$0x38A0] =	vst v9  }
0x5c: {  	v9 =	vmul.u32 $0x5, v2;
	v6 =	vand.u32 $0x380, v6;
	v21 =	vld [tilespmem:s6+$0x50];
	v2 =	vshrl.u32 v13, $0x7;
	[tilespmem:s5+$0x3830] =	vst v14  }
0x5d: {  	v12 =	vshll.u32 v12, $0x7;
	v14 =	vshrl.u32 v15, $0x3;
	v22 =	vld [tilespmem:s6+$0x60];
	v2 =	vadd.s32 v2, v19;
	[tilespmem:s5+$0x38B0] =	vst v7  }
0x5e: {  	v12 =	vand.u32 $0x380, v12;
	v7 =	vld [tilespmem:s6+$0x80];
	v19 =	vshrl.u32 v16, $0x3;
	v2 =	vshll.u32 v2, $0xA;
	[tilespmem:s5+$0x3840] =	vst v11  }
0x5f: {  	v11 =	vld [tilespmem:s6+$0x90];
	v23 =	vshrl.u32 v18, $0x3;
	v2 =	vor.u32 v12, v2;
	v12 =	vand.u32 $0x7F, v13;
	[tilespmem:s5+$0x38C0] =	vst v5  }
0x60: {  	v5 =	vmul.u32 $0x5, v14;
	v13 =	vld [tilespmem:s6+$0xA0];
	v14 =	vshrl.u32 v20, $0x3;
	v2 =	vor.u32 v12, v2;
	[tilespmem:s5+$0x3850] =	vst v10  }
0x61: {  	v10 =	vmul.u32 $0x5, v19;
	v12 =	vld [tilespmem:s6+$0xB0];
	v19 =	vshrl.u32 v21, $0x3;
	v24 =	vadd.s32 v1, v2;
	[tilespmem:s5+$0x38D0] =	vst v4  }
0x62: {  	v4 =	vmul.u32 $0x5, v23;
	v14 =	vmul.u32 $0x5, v14;
	v23 =	vld [tilespmem:s6+$0xC0];
	v25 =	vshrl.u32 v22, $0x3;
	[tilespmem:s6+$0x38F0] =	vst v24  }
0x63: {  	v19 =	vmul.u32 $0x5, v19;
	v24 =	vshrl.u32 v7, $0x7;
	v26 =	vld [tilespmem:s6+$0xD0];
	v25 =	vmul.u32 $0x5, v25;
	[tilespmem:s5+$0x3860] =	vst v17  }
0x64: {  	v15 =	vshll.u32 v15, $0x7;
	v9 =	vadd.s32 v24, v9;
	v17 =	vshrl.u32 v11, $0x7;
	v24 =	vld [tilespmem:s6+$0xE0];
	[tilespmem:s5+$0x38E0] =	vst v3  }
0x65: {  	v16 =	vshll.u32 v16, $0x7;
	v3 =	vadd.s32 v17, v5;
	v5 =	vshrl.u32 v13, $0x7;
	[tilespmem:s5+$0x3870] =	vst v8;
	s5 =	smov.u32 s6  }
0x66: {  	v5 =	vadd.s32 v5, v10;
	v8 =	vshrl.u32 v12, $0x7;
	v10 =	vshll.u32 v18, $0x7  }
0x67: {  	v17 =	vshll.u32 v20, $0x7;
	v4 =	vadd.s32 v8, v4;
	v8 =	vshrl.u32 v23, $0x7  }
0x68: {  	v18 =	vshll.u32 v21, $0x7;
	v8 =	vadd.s32 v8, v14;
	v14 =	vshrl.u32 v26, $0x7  }
0x69: {  	v20 =	vshll.u32 v22, $0x7;
	v14 =	vadd.s32 v14, v19;
	v19 =	vshrl.u32 v24, $0x7  }
0x6a: {  	v9 =	vshll.u32 v9, $0xA;
	v3 =	vshll.u32 v3, $0xA;
	v19 =	vadd.s32 v19, v25  }
0x6b: {  	v5 =	vshll.u32 v5, $0xA;
	v4 =	vshll.u32 v4, $0xA;
	v8 =	vshll.u32 v8, $0xA  }
0x6c: {  	v15 =	vand.u32 $0x380, v15;
	v14 =	vshll.u32 v14, $0xA;
	v19 =	vshll.u32 v19, $0xA  }
0x6d: {  	v16 =	vand.u32 $0x380, v16;
	v17 =	vand.u32 $0x380, v17;
	v10 =	vand.u32 $0x380, v10  }
0x6e: {  	v9 =	vor.u32 v6, v9;
	v6 =	vand.u32 $0x380, v18;
	v18 =	vand.u32 $0x380, v20  }
0x6f: {  	v15 =	vor.u32 v15, v3;
	v5 =	vor.u32 v16, v5;
	v16 =	vor.u32 v10, v4  }
.Ltmp0:
0x70: {  	v17 =	vor.u32 v17, v8;
	v4 =	vor.u32 v6, v14;
	v3 =	vor.u32 v18, v19;
	(pc) =	sbr.rel @p0 .LBB2_2-.Ltmp0, $4  }
0x71: {  	v7 =	vand.u32 $0x7F, v7;
	v13 =	vand.u32 $0x7F, v13;
	v8 =	vand.u32 $0x7F, v11  }
0x72: {  	v12 =	vand.u32 $0x7F, v12;
	v14 =	vand.u32 $0x7F, v23;
	v6 =	vand.u32 $0x7F, v26  }
0x73: {  	v11 =	vor.u32 v7, v9;
	v10 =	vor.u32 v8, v15;
	v8 =	vand.u32 $0x7F, v24  }
0x74: {  	s6 =	sshra.s32 s7, $0x2;
	s7 =	sadd.s32 $0x400, s7;
	v9 =	vor.u32 v13, v5;
	v7 =	vor.u32 v12, v16;
	v5 =	vor.u32 v14, v17  }
0x75: {  	v12 =	vld [tilespmem:s6+$0x70]  }
0x76: {  	v13 =	vadd.s32 v0, v11;
	v14 =	vld [tilespmem:s6+$0x0]  }
0x77: {  	v11 =	vadd.s32 v1, v11;
	v4 =	vor.u32 v6, v4;
	[tilespmem:s5+$0x3800] =	vst v13  }
0x78: {  	v3 =	vor.u32 v8, v3;
	v6 =	vadd.s32 v0, v5;
	v13 =	vld [tilespmem:s6+$0xF0];
	[tilespmem:s5+$0x3880] =	vst v11;
	v11 =	vadd.s32 v0, v10  }
0x79: {  	v5 =	vadd.s32 v1, v5;
	v2 =	vadd.s32 v0, v2;
	v10 =	vadd.s32 v1, v10;
	v15 =	vld [tilespmem:s6+$0x10];
	[tilespmem:s5+$0x3810] =	vst v11  }
0x7a: {  	v8 =	vadd.s32 v0, v4;
	v4 =	vadd.s32 v1, v4;
	v11 =	vld [tilespmem:s6+$0x20];
	[tilespmem:s5+$0x3890] =	vst v10;
	v10 =	vadd.s32 v0, v9  }
0x7b: {  	v9 =	vadd.s32 v1, v9;
	v16 =	vld [tilespmem:s6+$0x30];
	[tilespmem:s5+$0x3820] =	vst v10;
	v18 =	vshrl.u32 v12, $0x3;
	v20 =	vshrl.u32 v14, $0x3  }
0x7c: {  	v12 =	vshll.u32 v12, $0x7;
	v10 =	vld [tilespmem:s6+$0x40];
	[tilespmem:s5+$0x38A0] =	vst v9;
	v9 =	vadd.s32 v0, v7;
	v18 =	vmul.u32 $0x5, v18  }
0x7d: {  	v7 =	vadd.s32 v1, v7;
	v20 =	vmul.u32 $0x5, v20;
	v17 =	vld [tilespmem:s6+$0x50];
	[tilespmem:s5+$0x3830] =	vst v9;
	v21 =	vshrl.u32 v13, $0x7  }
0x7e: {  	v12 =	vand.u32 $0x380, v12;
	v55 =	vand.u32 $0x7F, v13;
	v9 =	vld [tilespmem:s6+$0x60];
	[tilespmem:s5+$0x38B0] =	vst v7;
	v53 =	vadd.s32 v21, v18  }
0x7f: {  	v57 =	vshrl.u32 v15, $0x3;
	v15 =	vshll.u32 v15, $0x7;
	v7 =	vld [tilespmem:s6+$0x80];
	[tilespmem:s5+$0x3840] =	vst v6;
	v6 =	vadd.s32 v0, v3  }
0x80: {  	v3 =	vadd.s32 v1, v3;
	v58 =	vshrl.u32 v11, $0x3;
	v59 =	vmul.u32 $0x5, v57  }
0x81: {  	v11 =	vshll.u32 v11, $0x7;
	v15 =	vand.u32 $0x380, v15;
	v19 =	vld [tilespmem:s6+$0x90];
	[tilespmem:s5+$0x38C0] =	vst v5;
	v5 =	vshll.u32 v14, $0x7  }
0x82: {  	v14 =	vshll.u32 v53, $0xA;
	v21 =	vmul.u32 $0x5, v58;
	v11 =	vand.u32 $0x380, v11  }
0x83: {  	v54 =	vld [tilespmem:s6+$0xA0];
	[tilespmem:s5+$0x3850] =	vst v8;
	v5 =	vand.u32 $0x380, v5;
	v8 =	vor.u32 v12, v14;
	v23 =	vshrl.u32 v10, $0x3  }
0x84: {  	v10 =	vshll.u32 v10, $0x7;
	v56 =	vld [tilespmem:s6+$0xB0];
	v8 =	vor.u32 v55, v8;
	[tilespmem:s5+$0x38D0] =	vst v4;
	v4 =	vshrl.u32 v16, $0x3  }
0x85: {  	v24 =	vshrl.u32 v17, $0x3;
	v61 =	vmul.u32 $0x5, v23;
	v16 =	vshll.u32 v16, $0x7  }
0x86: {  	v17 =	vshll.u32 v17, $0x7;
	v60 =	vadd.s32 v1, v8;
	v22 =	vld [tilespmem:s6+$0xC0];
	v4 =	vmul.u32 $0x5, v4  }
0x87: {  	v62 =	vshrl.u32 v9, $0x3;
	v25 =	vld [tilespmem:s6+$0xD0];
	v24 =	vmul.u32 $0x5, v24;
	v9 =	vshll.u32 v9, $0x7  }
0x88: {  	[tilespmem:s6+$0x38F0] =	vst v60;
	v26 =	vshrl.u32 v7, $0x7;
	v23 =	vmul.u32 $0x5, v62;
	v63 =	vshrl.u32 v19, $0x7  }
0x89: {  	[tilespmem:s5+$0x3860] =	vst v6;
	v6 =	vadd.s32 v26, v20;
	v12 =	vadd.s32 v63, v59;
	v29 =	vshrl.u32 v54, $0x7  }
0x8a: {  	v6 =	vshll.u32 v6, $0xA;
	v20 =	vadd.s32 v29, v21;
	v30 =	vshrl.u32 v56, $0x7  }
0x8b: {  	v12 =	vshll.u32 v12, $0xA;
	v5 =	vor.u32 v5, v6;
	v6 =	vand.u32 $0x7F, v7  }
0x8c: {  	v4 =	vadd.s32 v30, v4;
	v31 =	vshrl.u32 v22, $0x7;
	v32 =	vshrl.u32 v25, $0x7  }
0x8d: {  	v28 =	vld [tilespmem:s6+$0xE0];
	[tilespmem:s5+$0x3870] =	vst v2;
	v20 =	vshll.u32 v20, $0xA;
	v5 =	vor.u32 v6, v5;
	v2 =	vor.u32 v15, v12  }
0x8e: {  	v6 =	vand.u32 $0x7F, v19;
	v14 =	vadd.s32 v31, v61;
	v21 =	vadd.s32 v32, v24  }
0x8f: {  	v4 =	vshll.u32 v4, $0xA;
	v34 =	vadd.s32 v0, v5;
	v2 =	vor.u32 v6, v2  }
0x90: {  	[tilespmem:s5+$0x38E0] =	vst v3;
	v5 =	vadd.s32 v1, v5;
	v6 =	vor.u32 v11, v20;
	v11 =	vand.u32 $0x7F, v54  }
0x91: {  	v14 =	vshll.u32 v14, $0xA;
	v3 =	vshll.u32 v21, $0xA;
	[tilespmem:s6+$0x3800] =	vst v34;
	v35 =	vadd.s32 v0, v2  }
0x92: {  	[tilespmem:s6+$0x3880] =	vst v5;
	v5 =	vand.u32 $0x380, v16;
	v6 =	vor.u32 v11, v6;
	v2 =	vadd.s32 v1, v2  }
0x93: {  	v33 =	vshrl.u32 v28, $0x7;
	[tilespmem:s6+$0x3810] =	vst v35;
	v4 =	vor.u32 v5, v4;
	v5 =	vand.u32 $0x7F, v56  }
0x94: {  	v11 =	vadd.s32 v0, v6;
	[tilespmem:s6+$0x3890] =	vst v2;
	v2 =	vand.u32 $0x380, v10;
	v23 =	vadd.s32 v33, v23  }
0x95: {  	v4 =	vor.u32 v5, v4;
	v5 =	vadd.s32 v1, v6;
	[tilespmem:s6+$0x3820] =	vst v11;
	v2 =	vor.u32 v2, v14  }
0x96: {  	v6 =	vand.u32 $0x7F, v22;
	v7 =	vshll.u32 v23, $0xA;
	v10 =	vadd.s32 v0, v4;
	[tilespmem:s6+$0x38A0] =	vst v5  }
0x97: {  	v5 =	vand.u32 $0x380, v17;
	v2 =	vor.u32 v6, v2;
	v4 =	vadd.s32 v1, v4;
	[tilespmem:s6+$0x3830] =	vst v10  }
0x98: {  	v3 =	vor.u32 v5, v3;
	v5 =	vand.u32 $0x7F, v25;
	v6 =	vadd.s32 v0, v2;
	[tilespmem:s6+$0x38B0] =	vst v4  }
0x99: {  	v4 =	vand.u32 $0x380, v9;
	v2 =	vadd.s32 v1, v2;
	v3 =	vor.u32 v5, v3;
	[tilespmem:s6+$0x3840] =	vst v6  }
0x9a: {  	v4 =	vor.u32 v4, v7;
	v5 =	vand.u32 $0x7F, v28;
	[tilespmem:s6+$0x38C0] =	vst v2;
	v6 =	vadd.s32 v0, v3  }
0x9b: {  	v2 =	vor.u32 v5, v4;
	v3 =	vadd.s32 v1, v3;
	[tilespmem:s6+$0x3850] =	vst v6  }
0x9c: {  	v4 =	vadd.s32 v0, v2;
	[tilespmem:s6+$0x38D0] =	vst v3  }
0x9d: {  	v2 =	vadd.s32 v1, v2;
	[tilespmem:s6+$0x3860] =	vst v4  }
0x9e: {  	v3 =	vadd.s32 v0, v8;
	[tilespmem:s6+$0x38E0] =	vst v2  }
0x9f: {  	[tilespmem:s6+$0x3870] =	vst v3  }
0xa0: {  	[tilespmem:s24], [sflag:$0x3] =	stream.indirect.gather [hbm4b:s1+s22], $0x1, s23, s22, $0xb8;
	[tilespmem:$0xA800] =	vst v63  }
0xa1: {  	s7 =	rddreg [dreg:$0x6];
	s6 =	simm.s32 $0x0  }
0xa2: {  	[tilespmem:s6], [sflag:$0x1] =	stream.strided.gather [hbm4b:s7+s20], $0x1C00, s21, s20, $0x38;
	[tilespmem:$0xA800] =	vst v63  }
0xa3: {  	_ =	swait.ge [sflag:s25], $0x1C00  }
0xa4: {  	[sflag:s25] =	ssyncset.done $0x0  }
0xa5: {  	s5 =	simm.s32 $0x0;
	[sflag:s25] =	ssyncadd.s32 $0xFFFFE400  }
0xa6: {  	v2 =	vld [tilespmem:s5+$0x1C70]  }
0xa7: {  	v3 =	vld [tilespmem:s5+$0x1C00]  }
0xa8: {  	v4 =	vld [tilespmem:s5+$0x1CF0]  }
0xa9: {  	v5 =	vld [tilespmem:s5+$0x1C10]  }
0xaa: {  	v6 =	vld [tilespmem:s5+$0x1C20]  }
0xab: {  	v7 =	vld [tilespmem:s5+$0x1C30]  }
0xac: {  	v9 =	vld [tilespmem:s5+$0x1C40]  }
0xad: {  	v11 =	vld [tilespmem:s5+$0x1C50]  }
0xae: {  	v37 =	vld [tilespmem:s5+$0x1C60]  }
0xaf: {  	v39 =	vld [tilespmem:s5+$0x1C80]  }
0xb0: {  	v41 =	vld [tilespmem:s5+$0x1C90]  }
0xb1: {  	v44 =	vld [tilespmem:s5+$0x1CB0];
	v8 =	vshrl.u32 v2, $0x3  }
0xb2: {  	v47 =	vld [tilespmem:s5+$0x1CC0];
	v10 =	vshrl.u32 v3, $0x3;
	v3 =	vshll.u32 v3, $0x7;
	v36 =	vshrl.u32 v4, $0x7  }
0xb3: {  	v50 =	vld [tilespmem:s5+$0x1CD0];
	v38 =	vshrl.u32 v5, $0x3;
	v2 =	vshll.u32 v2, $0x7;
	v40 =	vshrl.u32 v6, $0x3  }
0xb4: {  	v52 =	vld [tilespmem:s5+$0x1CE0];
	v42 =	vshrl.u32 v7, $0x3;
	v4 =	vand.u32 $0x7F, v4;
	v43 =	vshrl.u32 v9, $0x3  }
0xb5: {  	v45 =	vshrl.u32 v11, $0x3;
	v48 =	vshrl.u32 v37, $0x3;
	v49 =	vshrl.u32 v39, $0x7  }
0xb6: {  	v51 =	vshrl.u32 v41, $0x7;
	v5 =	vshll.u32 v5, $0x7;
	v6 =	vshll.u32 v6, $0x7  }
0xb7: {  	v54 =	vshrl.u32 v44, $0x7;
	v7 =	vshll.u32 v7, $0x7;
	v55 =	vshrl.u32 v47, $0x7  }
0xb8: {  	v9 =	vshll.u32 v9, $0x7;
	v56 =	vshrl.u32 v50, $0x7;
	v11 =	vshll.u32 v11, $0x7  }
0xb9: {  	v57 =	vshrl.u32 v52, $0x7;
	v13 =	vshll.u32 v37, $0x7;
	v60 =	vand.u32 $0x7F, v41  }
0xba: {  	v62 =	vand.u32 $0x7F, v44;
	v63 =	vand.u32 $0x7F, v47;
	v8 =	vmul.u32 $0x5, v8  }
0xbb: {  	v10 =	vmul.u32 $0x5, v10;
	v3 =	vand.u32 $0x380, v3;
	v2 =	vand.u32 $0x380, v2  }
0xbc: {  	v14 =	vmul.u32 $0x5, v38;
	v17 =	vmul.u32 $0x5, v42;
	v18 =	vmul.u32 $0x5, v43  }
0xbd: {  	v15 =	vmul.u32 $0x5, v45;
	v22 =	vmul.u32 $0x5, v48;
	v5 =	vand.u32 $0x380, v5  }
0xbe: {  	v6 =	vand.u32 $0x380, v6;
	v7 =	vand.u32 $0x380, v7;
	v9 =	vand.u32 $0x380, v9  }
0xbf: {  	v8 =	vadd.s32 v36, v8;
	v10 =	vadd.s32 v49, v10;
	v14 =	vadd.s32 v51, v14  }
0xc0: {  	v17 =	vadd.s32 v54, v17;
	v18 =	vadd.s32 v55, v18;
	v8 =	vshll.u32 v8, $0xA  }
0xc1: {  	v15 =	vadd.s32 v56, v15;
	v20 =	vadd.s32 v57, v22;
	v2 =	vor.u32 v2, v8;
	v8 =	vld [tilespmem:s5+$0x1CA0]  }
0xc2: {  	v10 =	vshll.u32 v10, $0xA;
	v14 =	vshll.u32 v14, $0xA;
	v17 =	vshll.u32 v17, $0xA  }
0xc3: {  	v18 =	vshll.u32 v18, $0xA;
	v15 =	vshll.u32 v15, $0xA;
	v20 =	vshll.u32 v20, $0xA  }
0xc4: {  	v10 =	vor.u32 v3, v10;
	v3 =	vand.u32 $0x380, v11;
	v11 =	vand.u32 $0x380, v13  }
0xc5: {  	v5 =	vor.u32 v5, v14;
	v2 =	vor.u32 v4, v2;
	v4 =	vmul.u32 $0x5, v40  }
0xc6: {  	v7 =	vor.u32 v7, v17;
	v59 =	vor.u32 v9, v18;
	v53 =	vshrl.u32 v8, $0x7  }
0xc7: {  	v9 =	vand.u32 $0x7F, v39;
	v7 =	vor.u32 v62, v7;
	v4 =	vadd.s32 v53, v4  }
0xc8: {  	v46 =	vadd.s32 v1, v2;
	v61 =	vand.u32 $0x7F, v8;
	v4 =	vshll.u32 v4, $0xA  }
0xc9: {  	v8 =	vand.u32 $0x7F, v52;
	v58 =	vor.u32 v6, v4;
	v4 =	vor.u32 v3, v15  }
0xca: {  	v3 =	vor.u32 v11, v20;
	v6 =	vand.u32 $0x7F, v50;
	v11 =	vor.u32 v9, v10  }
0xcb: {  	s6 =	simm.s32 $0x100;
	s7 =	simm.s32 $0x800;
	[tilespmem:s5+$0x54F0] =	vst v46;
	v10 =	vor.u32 v60, v5;
	v5 =	vor.u32 v63, v59;
	v9 =	vor.u32 v61, v58  }
.LBB2_4:
0xcc: {  	p0 =	sne.s32 s7, $0x6C00;
	v12 =	vld [tilespmem:s6+$0x1C70];
	v13 =	vadd.s32 v0, v11;
	v4 =	vor.u32 v6, v4;
	v3 =	vor.u32 v8, v3  }
0xcd: {  	v8 =	vadd.s32 v1, v11;
	v11 =	vadd.s32 v0, v10;
	v10 =	vadd.s32 v1, v10;
	v6 =	vld [tilespmem:s6+$0x1C00];
	[tilespmem:s5+$0x5400] =	vst v13  }
0xce: {  	v14 =	vadd.s32 v0, v7;
	v13 =	vld [tilespmem:s6+$0x1CF0];
	[tilespmem:s5+$0x5480] =	vst v8;
	v8 =	vadd.s32 v0, v9;
	v9 =	vadd.s32 v1, v9  }
0xcf: {  	v7 =	vadd.s32 v1, v7;
	v15 =	vld [tilespmem:s6+$0x1C10];
	[tilespmem:s5+$0x5410] =	vst v11;
	v11 =	vadd.s32 v0, v5;
	v5 =	vadd.s32 v1, v5  }
0xd0: {  	v17 =	vadd.s32 v0, v3;
	v16 =	vld [tilespmem:s6+$0x1C20];
	[tilespmem:s5+$0x5490] =	vst v10;
	v10 =	vadd.s32 v0, v4;
	v4 =	vadd.s32 v1, v4  }
0xd1: {  	v3 =	vadd.s32 v1, v3;
	v18 =	vld [tilespmem:s6+$0x1C30];
	v19 =	vshrl.u32 v12, $0x3;
	[tilespmem:s5+$0x5420] =	vst v8;
	v8 =	vadd.s32 v0, v2  }
0xd2: {  	v2 =	vshrl.u32 v6, $0x3;
	v6 =	vshll.u32 v6, $0x7;
	v20 =	vld [tilespmem:s6+$0x1C40];
	v19 =	vmul.u32 $0x5, v19;
	[tilespmem:s5+$0x54A0] =	vst v9  }
0xd3: {  	v9 =	vmul.u32 $0x5, v2;
	v6 =	vand.u32 $0x380, v6;
	v21 =	vld [tilespmem:s6+$0x1C50];
	v2 =	vshrl.u32 v13, $0x7;
	[tilespmem:s5+$0x5430] =	vst v14  }
0xd4: {  	v12 =	vshll.u32 v12, $0x7;
	v14 =	vshrl.u32 v15, $0x3;
	v22 =	vld [tilespmem:s6+$0x1C60];
	v2 =	vadd.s32 v2, v19;
	[tilespmem:s5+$0x54B0] =	vst v7  }
0xd5: {  	v12 =	vand.u32 $0x380, v12;
	v7 =	vld [tilespmem:s6+$0x1C80];
	v19 =	vshrl.u32 v16, $0x3;
	v2 =	vshll.u32 v2, $0xA;
	[tilespmem:s5+$0x5440] =	vst v11  }
0xd6: {  	v11 =	vld [tilespmem:s6+$0x1C90];
	v23 =	vshrl.u32 v18, $0x3;
	v2 =	vor.u32 v12, v2;
	v12 =	vand.u32 $0x7F, v13;
	[tilespmem:s5+$0x54C0] =	vst v5  }
0xd7: {  	v5 =	vmul.u32 $0x5, v14;
	v13 =	vld [tilespmem:s6+$0x1CA0];
	v14 =	vshrl.u32 v20, $0x3;
	v2 =	vor.u32 v12, v2;
	[tilespmem:s5+$0x5450] =	vst v10  }
0xd8: {  	v10 =	vmul.u32 $0x5, v19;
	v12 =	vld [tilespmem:s6+$0x1CB0];
	v19 =	vshrl.u32 v21, $0x3;
	v24 =	vadd.s32 v1, v2;
	[tilespmem:s5+$0x54D0] =	vst v4  }
0xd9: {  	v4 =	vmul.u32 $0x5, v23;
	v14 =	vmul.u32 $0x5, v14;
	v23 =	vld [tilespmem:s6+$0x1CC0];
	v25 =	vshrl.u32 v22, $0x3;
	[tilespmem:s6+$0x54F0] =	vst v24  }
0xda: {  	v19 =	vmul.u32 $0x5, v19;
	v24 =	vshrl.u32 v7, $0x7;
	v26 =	vld [tilespmem:s6+$0x1CD0];
	v25 =	vmul.u32 $0x5, v25;
	[tilespmem:s5+$0x5460] =	vst v17  }
0xdb: {  	v15 =	vshll.u32 v15, $0x7;
	v9 =	vadd.s32 v24, v9;
	v17 =	vshrl.u32 v11, $0x7;
	v24 =	vld [tilespmem:s6+$0x1CE0];
	[tilespmem:s5+$0x54E0] =	vst v3  }
0xdc: {  	v16 =	vshll.u32 v16, $0x7;
	v3 =	vadd.s32 v17, v5;
	v5 =	vshrl.u32 v13, $0x7;
	[tilespmem:s5+$0x5470] =	vst v8;
	s5 =	smov.u32 s6  }
0xdd: {  	v5 =	vadd.s32 v5, v10;
	v8 =	vshrl.u32 v12, $0x7;
	v10 =	vshll.u32 v18, $0x7  }
0xde: {  	v17 =	vshll.u32 v20, $0x7;
	v4 =	vadd.s32 v8, v4;
	v8 =	vshrl.u32 v23, $0x7  }
0xdf: {  	v18 =	vshll.u32 v21, $0x7;
	v8 =	vadd.s32 v8, v14;
	v14 =	vshrl.u32 v26, $0x7  }
0xe0: {  	v20 =	vshll.u32 v22, $0x7;
	v14 =	vadd.s32 v14, v19;
	v19 =	vshrl.u32 v24, $0x7  }
0xe1: {  	v9 =	vshll.u32 v9, $0xA;
	v3 =	vshll.u32 v3, $0xA;
	v19 =	vadd.s32 v19, v25  }
0xe2: {  	v5 =	vshll.u32 v5, $0xA;
	v4 =	vshll.u32 v4, $0xA;
	v8 =	vshll.u32 v8, $0xA  }
0xe3: {  	v15 =	vand.u32 $0x380, v15;
	v14 =	vshll.u32 v14, $0xA;
	v19 =	vshll.u32 v19, $0xA  }
0xe4: {  	v16 =	vand.u32 $0x380, v16;
	v17 =	vand.u32 $0x380, v17;
	v10 =	vand.u32 $0x380, v10  }
0xe5: {  	v9 =	vor.u32 v6, v9;
	v6 =	vand.u32 $0x380, v18;
	v18 =	vand.u32 $0x380, v20  }
0xe6: {  	v15 =	vor.u32 v15, v3;
	v5 =	vor.u32 v16, v5;
	v16 =	vor.u32 v10, v4  }
.Ltmp1:
0xe7: {  	v17 =	vor.u32 v17, v8;
	v4 =	vor.u32 v6, v14;
	v3 =	vor.u32 v18, v19;
	(pc) =	sbr.rel @p0 .LBB2_4-.Ltmp1, $4  }
0xe8: {  	v7 =	vand.u32 $0x7F, v7;
	v13 =	vand.u32 $0x7F, v13;
	v8 =	vand.u32 $0x7F, v11  }
0xe9: {  	v12 =	vand.u32 $0x7F, v12;
	v14 =	vand.u32 $0x7F, v23;
	v6 =	vand.u32 $0x7F, v26  }
0xea: {  	v11 =	vor.u32 v7, v9;
	v10 =	vor.u32 v8, v15;
	v8 =	vand.u32 $0x7F, v24  }
0xeb: {  	s6 =	sshra.s32 s7, $0x2;
	s7 =	sadd.s32 $0x400, s7;
	v9 =	vor.u32 v13, v5;
	v7 =	vor.u32 v12, v16;
	v5 =	vor.u32 v14, v17  }
0xec: {  	v12 =	vld [tilespmem:s6+$0x1C70]  }
0xed: {  	v13 =	vadd.s32 v0, v11;
	v14 =	vld [tilespmem:s6+$0x1C00]  }
0xee: {  	v11 =	vadd.s32 v1, v11;
	v4 =	vor.u32 v6, v4;
	[tilespmem:s5+$0x5400] =	vst v13  }
0xef: {  	v3 =	vor.u32 v8, v3;
	v6 =	vadd.s32 v0, v5;
	v13 =	vld [tilespmem:s6+$0x1CF0];
	[tilespmem:s5+$0x5480] =	vst v11;
	v11 =	vadd.s32 v0, v10  }
0xf0: {  	v5 =	vadd.s32 v1, v5;
	v2 =	vadd.s32 v0, v2;
	v10 =	vadd.s32 v1, v10;
	v15 =	vld [tilespmem:s6+$0x1C10];
	[tilespmem:s5+$0x5410] =	vst v11  }
0xf1: {  	v8 =	vadd.s32 v0, v4;
	v4 =	vadd.s32 v1, v4;
	v11 =	vld [tilespmem:s6+$0x1C20];
	[tilespmem:s5+$0x5490] =	vst v10;
	v10 =	vadd.s32 v0, v9  }
0xf2: {  	v9 =	vadd.s32 v1, v9;
	v16 =	vld [tilespmem:s6+$0x1C30];
	[tilespmem:s5+$0x5420] =	vst v10;
	v18 =	vshrl.u32 v12, $0x3;
	v20 =	vshrl.u32 v14, $0x3  }
0xf3: {  	v12 =	vshll.u32 v12, $0x7;
	v10 =	vld [tilespmem:s6+$0x1C40];
	[tilespmem:s5+$0x54A0] =	vst v9;
	v9 =	vadd.s32 v0, v7;
	v18 =	vmul.u32 $0x5, v18  }
0xf4: {  	v7 =	vadd.s32 v1, v7;
	v20 =	vmul.u32 $0x5, v20;
	v17 =	vld [tilespmem:s6+$0x1C50];
	[tilespmem:s5+$0x5430] =	vst v9;
	v21 =	vshrl.u32 v13, $0x7  }
0xf5: {  	v12 =	vand.u32 $0x380, v12;
	v55 =	vand.u32 $0x7F, v13;
	v9 =	vld [tilespmem:s6+$0x1C60];
	[tilespmem:s5+$0x54B0] =	vst v7;
	v53 =	vadd.s32 v21, v18  }
0xf6: {  	v57 =	vshrl.u32 v15, $0x3;
	v15 =	vshll.u32 v15, $0x7;
	v7 =	vld [tilespmem:s6+$0x1C80];
	[tilespmem:s5+$0x5440] =	vst v6;
	v6 =	vadd.s32 v0, v3  }
0xf7: {  	v3 =	vadd.s32 v1, v3;
	v58 =	vshrl.u32 v11, $0x3;
	v59 =	vmul.u32 $0x5, v57  }
0xf8: {  	v11 =	vshll.u32 v11, $0x7;
	v15 =	vand.u32 $0x380, v15;
	v19 =	vld [tilespmem:s6+$0x1C90];
	[tilespmem:s5+$0x54C0] =	vst v5;
	v5 =	vshll.u32 v14, $0x7  }
0xf9: {  	v14 =	vshll.u32 v53, $0xA;
	v21 =	vmul.u32 $0x5, v58;
	v11 =	vand.u32 $0x380, v11  }
0xfa: {  	v54 =	vld [tilespmem:s6+$0x1CA0];
	[tilespmem:s5+$0x5450] =	vst v8;
	v5 =	vand.u32 $0x380, v5;
	v8 =	vor.u32 v12, v14;
	v23 =	vshrl.u32 v10, $0x3  }
0xfb: {  	v10 =	vshll.u32 v10, $0x7;
	v56 =	vld [tilespmem:s6+$0x1CB0];
	v8 =	vor.u32 v55, v8;
	[tilespmem:s5+$0x54D0] =	vst v4;
	v4 =	vshrl.u32 v16, $0x3  }
0xfc: {  	v24 =	vshrl.u32 v17, $0x3;
	v61 =	vmul.u32 $0x5, v23;
	v16 =	vshll.u32 v16, $0x7  }
0xfd: {  	v17 =	vshll.u32 v17, $0x7;
	v60 =	vadd.s32 v1, v8;
	v22 =	vld [tilespmem:s6+$0x1CC0];
	v4 =	vmul.u32 $0x5, v4  }
0xfe: {  	v62 =	vshrl.u32 v9, $0x3;
	v25 =	vld [tilespmem:s6+$0x1CD0];
	v24 =	vmul.u32 $0x5, v24;
	v9 =	vshll.u32 v9, $0x7  }
0xff: {  	[tilespmem:s6+$0x54F0] =	vst v60;
	v26 =	vshrl.u32 v7, $0x7;
	v23 =	vmul.u32 $0x5, v62;
	v63 =	vshrl.u32 v19, $0x7  }
0x100: {  	[tilespmem:s5+$0x5460] =	vst v6;
	v6 =	vadd.s32 v26, v20;
	v12 =	vadd.s32 v63, v59;
	v29 =	vshrl.u32 v54, $0x7  }
0x101: {  	v6 =	vshll.u32 v6, $0xA;
	v20 =	vadd.s32 v29, v21;
	v30 =	vshrl.u32 v56, $0x7  }
0x102: {  	v12 =	vshll.u32 v12, $0xA;
	v5 =	vor.u32 v5, v6;
	v6 =	vand.u32 $0x7F, v7  }
0x103: {  	v4 =	vadd.s32 v30, v4;
	v31 =	vshrl.u32 v22, $0x7;
	v32 =	vshrl.u32 v25, $0x7  }
0x104: {  	v28 =	vld [tilespmem:s6+$0x1CE0];
	[tilespmem:s5+$0x5470] =	vst v2;
	v20 =	vshll.u32 v20, $0xA;
	v5 =	vor.u32 v6, v5;
	v2 =	vor.u32 v15, v12  }
0x105: {  	v6 =	vand.u32 $0x7F, v19;
	v14 =	vadd.s32 v31, v61;
	v21 =	vadd.s32 v32, v24  }
0x106: {  	v4 =	vshll.u32 v4, $0xA;
	v34 =	vadd.s32 v0, v5;
	v2 =	vor.u32 v6, v2  }
0x107: {  	[tilespmem:s5+$0x54E0] =	vst v3;
	v5 =	vadd.s32 v1, v5;
	v6 =	vor.u32 v11, v20;
	v11 =	vand.u32 $0x7F, v54  }
0x108: {  	v14 =	vshll.u32 v14, $0xA;
	v3 =	vshll.u32 v21, $0xA;
	[tilespmem:s6+$0x5400] =	vst v34;
	v35 =	vadd.s32 v0, v2  }
0x109: {  	[tilespmem:s6+$0x5480] =	vst v5;
	v5 =	vand.u32 $0x380, v16;
	v6 =	vor.u32 v11, v6;
	v2 =	vadd.s32 v1, v2  }
0x10a: {  	v33 =	vshrl.u32 v28, $0x7;
	[tilespmem:s6+$0x5410] =	vst v35;
	v4 =	vor.u32 v5, v4;
	v5 =	vand.u32 $0x7F, v56  }
0x10b: {  	v11 =	vadd.s32 v0, v6;
	[tilespmem:s6+$0x5490] =	vst v2;
	v2 =	vand.u32 $0x380, v10;
	v23 =	vadd.s32 v33, v23  }
0x10c: {  	v4 =	vor.u32 v5, v4;
	v5 =	vadd.s32 v1, v6;
	[tilespmem:s6+$0x5420] =	vst v11;
	v2 =	vor.u32 v2, v14  }
0x10d: {  	v6 =	vand.u32 $0x7F, v22;
	v7 =	vshll.u32 v23, $0xA;
	v10 =	vadd.s32 v0, v4;
	[tilespmem:s6+$0x54A0] =	vst v5  }
0x10e: {  	v5 =	vand.u32 $0x380, v17;
	v2 =	vor.u32 v6, v2;
	v4 =	vadd.s32 v1, v4;
	[tilespmem:s6+$0x5430] =	vst v10  }
0x10f: {  	v3 =	vor.u32 v5, v3;
	v5 =	vand.u32 $0x7F, v25;
	v6 =	vadd.s32 v0, v2;
	[tilespmem:s6+$0x54B0] =	vst v4  }
0x110: {  	v4 =	vand.u32 $0x380, v9;
	v2 =	vadd.s32 v1, v2;
	v3 =	vor.u32 v5, v3;
	[tilespmem:s6+$0x5440] =	vst v6  }
0x111: {  	v4 =	vor.u32 v4, v7;
	v5 =	vand.u32 $0x7F, v28;
	[tilespmem:s6+$0x54C0] =	vst v2;
	v6 =	vadd.s32 v0, v3  }
0x112: {  	v2 =	vor.u32 v5, v4;
	v3 =	vadd.s32 v1, v3;
	[tilespmem:s6+$0x5450] =	vst v6  }
0x113: {  	v4 =	vadd.s32 v0, v2;
	[tilespmem:s6+$0x54D0] =	vst v3  }
0x114: {  	v2 =	vadd.s32 v1, v2;
	[tilespmem:s6+$0x5460] =	vst v4  }
0x115: {  	v3 =	vadd.s32 v0, v8;
	[tilespmem:s6+$0x54E0] =	vst v2  }
0x116: {  	[tilespmem:s6+$0x5470] =	vst v3  }
0x117: {  	[tilespmem:s28], [sflag:$0x4] =	stream.indirect.gather [hbm4b:s1+s22], $0x1, s26, s22, $0xb8;
	[tilespmem:$0xA800] =	vst v63  }
0x118: {  	_ =	swait.ge [sflag:s29], $0x1C00  }
0x119: {  	[sflag:s29] =	ssyncset.done $0x0  }
0x11a: {  	s7 =	simm.s32 $0x0;
	[sflag:s29] =	ssyncadd.s32 $0xFFFFE400  }
0x11b: {  	[hbm4b:s8+s7] =	stream.linear.scatter [tilespmem:s24], [sflag:$0x5], $0x1C00, $0x38;
	[tilespmem:$0xA800] =	vst v63  }
0x11c: {  	_ = 	snop  }
0x11d: {  	[tilespmem:s22], [sflag:$0x2] =	stream.strided.gather [hbm4b:s9+s20], $0x1C00, s21, s20, $0x38;
	[tilespmem:$0xA800] =	vst v63  }
0x11e: {  	_ =	swait.ge [sflag:s4], $0x1C00  }
0x11f: {  	[sflag:s4] =	ssyncset.done $0x0  }
0x120: {  	s5 =	simm.s32 $0x0;
	[sflag:s4] =	ssyncadd.s32 $0xFFFFE400  }
0x121: {  	v2 =	vld [tilespmem:s5+$0x70]  }
0x122: {  	v3 =	vld [tilespmem:s5+$0x0]  }
0x123: {  	v4 =	vld [tilespmem:s5+$0xF0]  }
0x124: {  	v5 =	vld [tilespmem:s5+$0x10]  }
0x125: {  	v6 =	vld [tilespmem:s5+$0x20]  }
0x126: {  	v7 =	vld [tilespmem:s5+$0x30]  }
0x127: {  	v9 =	vld [tilespmem:s5+$0x40]  }
0x128: {  	v11 =	vld [tilespmem:s5+$0x50]  }
0x129: {  	v37 =	vld [tilespmem:s5+$0x60]  }
0x12a: {  	v39 =	vld [tilespmem:s5+$0x80]  }
0x12b: {  	v41 =	vld [tilespmem:s5+$0x90]  }
0x12c: {  	v44 =	vld [tilespmem:s5+$0xB0];
	v8 =	vshrl.u32 v2, $0x3  }
0x12d: {  	v47 =	vld [tilespmem:s5+$0xC0];
	v10 =	vshrl.u32 v3, $0x3;
	v3 =	vshll.u32 v3, $0x7;
	v36 =	vshrl.u32 v4, $0x7  }
0x12e: {  	v50 =	vld [tilespmem:s5+$0xD0];
	v38 =	vshrl.u32 v5, $0x3;
	v2 =	vshll.u32 v2, $0x7;
	v40 =	vshrl.u32 v6, $0x3  }
0x12f: {  	v52 =	vld [tilespmem:s5+$0xE0];
	v42 =	vshrl.u32 v7, $0x3;
	v4 =	vand.u32 $0x7F, v4;
	v43 =	vshrl.u32 v9, $0x3  }
0x130: {  	v45 =	vshrl.u32 v11, $0x3;
	v48 =	vshrl.u32 v37, $0x3;
	v49 =	vshrl.u32 v39, $0x7  }
0x131: {  	v51 =	vshrl.u32 v41, $0x7;
	v5 =	vshll.u32 v5, $0x7;
	v6 =	vshll.u32 v6, $0x7  }
0x132: {  	v54 =	vshrl.u32 v44, $0x7;
	v7 =	vshll.u32 v7, $0x7;
	v55 =	vshrl.u32 v47, $0x7  }
0x133: {  	v9 =	vshll.u32 v9, $0x7;
	v56 =	vshrl.u32 v50, $0x7;
	v11 =	vshll.u32 v11, $0x7  }
0x134: {  	v57 =	vshrl.u32 v52, $0x7;
	v13 =	vshll.u32 v37, $0x7;
	v60 =	vand.u32 $0x7F, v41  }
0x135: {  	v62 =	vand.u32 $0x7F, v44;
	v63 =	vand.u32 $0x7F, v47;
	v8 =	vmul.u32 $0x5, v8  }
0x136: {  	v10 =	vmul.u32 $0x5, v10;
	v3 =	vand.u32 $0x380, v3;
	v2 =	vand.u32 $0x380, v2  }
0x137: {  	v14 =	vmul.u32 $0x5, v38;
	v17 =	vmul.u32 $0x5, v42;
	v18 =	vmul.u32 $0x5, v43  }
0x138: {  	v15 =	vmul.u32 $0x5, v45;
	v22 =	vmul.u32 $0x5, v48;
	v5 =	vand.u32 $0x380, v5  }
0x139: {  	v6 =	vand.u32 $0x380, v6;
	v7 =	vand.u32 $0x380, v7;
	v9 =	vand.u32 $0x380, v9  }
0x13a: {  	v8 =	vadd.s32 v36, v8;
	v10 =	vadd.s32 v49, v10;
	v14 =	vadd.s32 v51, v14  }
0x13b: {  	v17 =	vadd.s32 v54, v17;
	v18 =	vadd.s32 v55, v18;
	v8 =	vshll.u32 v8, $0xA  }
0x13c: {  	v15 =	vadd.s32 v56, v15;
	v20 =	vadd.s32 v57, v22;
	v2 =	vor.u32 v2, v8;
	v8 =	vld [tilespmem:s5+$0xA0]  }
0x13d: {  	v10 =	vshll.u32 v10, $0xA;
	v14 =	vshll.u32 v14, $0xA;
	v17 =	vshll.u32 v17, $0xA  }
0x13e: {  	v18 =	vshll.u32 v18, $0xA;
	v15 =	vshll.u32 v15, $0xA;
	v20 =	vshll.u32 v20, $0xA  }
0x13f: {  	v10 =	vor.u32 v3, v10;
	v3 =	vand.u32 $0x380, v11;
	v11 =	vand.u32 $0x380, v13  }
0x140: {  	v5 =	vor.u32 v5, v14;
	v2 =	vor.u32 v4, v2;
	v4 =	vmul.u32 $0x5, v40  }
0x141: {  	v7 =	vor.u32 v7, v17;
	v59 =	vor.u32 v9, v18;
	v53 =	vshrl.u32 v8, $0x7  }
0x142: {  	v9 =	vand.u32 $0x7F, v39;
	v7 =	vor.u32 v62, v7;
	v4 =	vadd.s32 v53, v4  }
0x143: {  	v46 =	vadd.s32 v1, v2;
	v61 =	vand.u32 $0x7F, v8;
	v4 =	vshll.u32 v4, $0xA  }
0x144: {  	v8 =	vand.u32 $0x7F, v52;
	v58 =	vor.u32 v6, v4;
	v4 =	vor.u32 v3, v15  }
0x145: {  	v3 =	vor.u32 v11, v20;
	v6 =	vand.u32 $0x7F, v50;
	v11 =	vor.u32 v9, v10  }
0x146: {  	s6 =	simm.s32 $0x100;
	s7 =	simm.s32 $0x800;
	[tilespmem:s5+$0x38F0] =	vst v46;
	v10 =	vor.u32 v60, v5;
	v5 =	vor.u32 v63, v59;
	v9 =	vor.u32 v61, v58  }
.LBB2_6:
0x147: {  	p0 =	sne.s32 s7, $0x6C00;
	v12 =	vld [tilespmem:s6+$0x70];
	v13 =	vadd.s32 v0, v11;
	v4 =	vor.u32 v6, v4;
	v3 =	vor.u32 v8, v3  }
0x148: {  	v8 =	vadd.s32 v1, v11;
	v11 =	vadd.s32 v0, v10;
	v10 =	vadd.s32 v1, v10;
	v6 =	vld [tilespmem:s6+$0x0];
	[tilespmem:s5+$0x3800] =	vst v13  }
0x149: {  	v14 =	vadd.s32 v0, v7;
	v13 =	vld [tilespmem:s6+$0xF0];
	[tilespmem:s5+$0x3880] =	vst v8;
	v8 =	vadd.s32 v0, v9;
	v9 =	vadd.s32 v1, v9  }
0x14a: {  	v7 =	vadd.s32 v1, v7;
	v15 =	vld [tilespmem:s6+$0x10];
	[tilespmem:s5+$0x3810] =	vst v11;
	v11 =	vadd.s32 v0, v5;
	v5 =	vadd.s32 v1, v5  }
0x14b: {  	v17 =	vadd.s32 v0, v3;
	v16 =	vld [tilespmem:s6+$0x20];
	[tilespmem:s5+$0x3890] =	vst v10;
	v10 =	vadd.s32 v0, v4;
	v4 =	vadd.s32 v1, v4  }
0x14c: {  	v3 =	vadd.s32 v1, v3;
	v18 =	vld [tilespmem:s6+$0x30];
	v19 =	vshrl.u32 v12, $0x3;
	[tilespmem:s5+$0x3820] =	vst v8;
	v8 =	vadd.s32 v0, v2  }
0x14d: {  	v2 =	vshrl.u32 v6, $0x3;
	v6 =	vshll.u32 v6, $0x7;
	v20 =	vld [tilespmem:s6+$0x40];
	v19 =	vmul.u32 $0x5, v19;
	[tilespmem:s5+$0x38A0] =	vst v9  }
0x14e: {  	v9 =	vmul.u32 $0x5, v2;
	v6 =	vand.u32 $0x380, v6;
	v21 =	vld [tilespmem:s6+$0x50];
	v2 =	vshrl.u32 v13, $0x7;
	[tilespmem:s5+$0x3830] =	vst v14  }
0x14f: {  	v12 =	vshll.u32 v12, $0x7;
	v14 =	vshrl.u32 v15, $0x3;
	v22 =	vld [tilespmem:s6+$0x60];
	v2 =	vadd.s32 v2, v19;
	[tilespmem:s5+$0x38B0] =	vst v7  }
0x150: {  	v12 =	vand.u32 $0x380, v12;
	v7 =	vld [tilespmem:s6+$0x80];
	v19 =	vshrl.u32 v16, $0x3;
	v2 =	vshll.u32 v2, $0xA;
	[tilespmem:s5+$0x3840] =	vst v11  }
0x151: {  	v11 =	vld [tilespmem:s6+$0x90];
	v23 =	vshrl.u32 v18, $0x3;
	v2 =	vor.u32 v12, v2;
	v12 =	vand.u32 $0x7F, v13;
	[tilespmem:s5+$0x38C0] =	vst v5  }
0x152: {  	v5 =	vmul.u32 $0x5, v14;
	v13 =	vld [tilespmem:s6+$0xA0];
	v14 =	vshrl.u32 v20, $0x3;
	v2 =	vor.u32 v12, v2;
	[tilespmem:s5+$0x3850] =	vst v10  }
0x153: {  	v10 =	vmul.u32 $0x5, v19;
	v12 =	vld [tilespmem:s6+$0xB0];
	v19 =	vshrl.u32 v21, $0x3;
	v24 =	vadd.s32 v1, v2;
	[tilespmem:s5+$0x38D0] =	vst v4  }
0x154: {  	v4 =	vmul.u32 $0x5, v23;
	v14 =	vmul.u32 $0x5, v14;
	v23 =	vld [tilespmem:s6+$0xC0];
	v25 =	vshrl.u32 v22, $0x3;
	[tilespmem:s6+$0x38F0] =	vst v24  }
0x155: {  	v19 =	vmul.u32 $0x5, v19;
	v24 =	vshrl.u32 v7, $0x7;
	v26 =	vld [tilespmem:s6+$0xD0];
	v25 =	vmul.u32 $0x5, v25;
	[tilespmem:s5+$0x3860] =	vst v17  }
0x156: {  	v15 =	vshll.u32 v15, $0x7;
	v9 =	vadd.s32 v24, v9;
	v17 =	vshrl.u32 v11, $0x7;
	v24 =	vld [tilespmem:s6+$0xE0];
	[tilespmem:s5+$0x38E0] =	vst v3  }
0x157: {  	v16 =	vshll.u32 v16, $0x7;
	v3 =	vadd.s32 v17, v5;
	v5 =	vshrl.u32 v13, $0x7;
	[tilespmem:s5+$0x3870] =	vst v8;
	s5 =	smov.u32 s6  }
0x158: {  	v5 =	vadd.s32 v5, v10;
	v8 =	vshrl.u32 v12, $0x7;
	v10 =	vshll.u32 v18, $0x7  }
0x159: {  	v17 =	vshll.u32 v20, $0x7;
	v4 =	vadd.s32 v8, v4;
	v8 =	vshrl.u32 v23, $0x7  }
0x15a: {  	v18 =	vshll.u32 v21, $0x7;
	v8 =	vadd.s32 v8, v14;
	v14 =	vshrl.u32 v26, $0x7  }
0x15b: {  	v20 =	vshll.u32 v22, $0x7;
	v14 =	vadd.s32 v14, v19;
	v19 =	vshrl.u32 v24, $0x7  }
0x15c: {  	v9 =	vshll.u32 v9, $0xA;
	v3 =	vshll.u32 v3, $0xA;
	v19 =	vadd.s32 v19, v25  }
0x15d: {  	v5 =	vshll.u32 v5, $0xA;
	v4 =	vshll.u32 v4, $0xA;
	v8 =	vshll.u32 v8, $0xA  }
0x15e: {  	v15 =	vand.u32 $0x380, v15;
	v14 =	vshll.u32 v14, $0xA;
	v19 =	vshll.u32 v19, $0xA  }
0x15f: {  	v16 =	vand.u32 $0x380, v16;
	v17 =	vand.u32 $0x380, v17;
	v10 =	vand.u32 $0x380, v10  }
0x160: {  	v9 =	vor.u32 v6, v9;
	v6 =	vand.u32 $0x380, v18;
	v18 =	vand.u32 $0x380, v20  }
0x161: {  	v15 =	vor.u32 v15, v3;
	v5 =	vor.u32 v16, v5;
	v16 =	vor.u32 v10, v4  }
.Ltmp2:
0x162: {  	v17 =	vor.u32 v17, v8;
	v4 =	vor.u32 v6, v14;
	v3 =	vor.u32 v18, v19;
	(pc) =	sbr.rel @p0 .LBB2_6-.Ltmp2, $4  }
0x163: {  	v7 =	vand.u32 $0x7F, v7;
	v13 =	vand.u32 $0x7F, v13;
	v8 =	vand.u32 $0x7F, v11  }
0x164: {  	v12 =	vand.u32 $0x7F, v12;
	v14 =	vand.u32 $0x7F, v23;
	v6 =	vand.u32 $0x7F, v26  }
0x165: {  	v11 =	vor.u32 v7, v9;
	v10 =	vor.u32 v8, v15;
	v8 =	vand.u32 $0x7F, v24  }
0x166: {  	s6 =	sshra.s32 s7, $0x2;
	s7 =	sadd.s32 $0x400, s7;
	v9 =	vor.u32 v13, v5;
	v7 =	vor.u32 v12, v16;
	v5 =	vor.u32 v14, v17  }
0x167: {  	v12 =	vld [tilespmem:s6+$0x70]  }
0x168: {  	v13 =	vadd.s32 v0, v11;
	v14 =	vld [tilespmem:s6+$0x0]  }
0x169: {  	v11 =	vadd.s32 v1, v11;
	v4 =	vor.u32 v6, v4;
	[tilespmem:s5+$0x3800] =	vst v13  }
0x16a: {  	v3 =	vor.u32 v8, v3;
	v6 =	vadd.s32 v0, v5;
	v13 =	vld [tilespmem:s6+$0xF0];
	[tilespmem:s5+$0x3880] =	vst v11;
	v11 =	vadd.s32 v0, v10  }
0x16b: {  	v5 =	vadd.s32 v1, v5;
	v2 =	vadd.s32 v0, v2;
	v10 =	vadd.s32 v1, v10;
	v15 =	vld [tilespmem:s6+$0x10];
	[tilespmem:s5+$0x3810] =	vst v11  }
0x16c: {  	v8 =	vadd.s32 v0, v4;
	v4 =	vadd.s32 v1, v4;
	v11 =	vld [tilespmem:s6+$0x20];
	[tilespmem:s5+$0x3890] =	vst v10;
	v10 =	vadd.s32 v0, v9  }
0x16d: {  	v9 =	vadd.s32 v1, v9;
	v16 =	vld [tilespmem:s6+$0x30];
	[tilespmem:s5+$0x3820] =	vst v10;
	v18 =	vshrl.u32 v12, $0x3;
	v20 =	vshrl.u32 v14, $0x3  }
0x16e: {  	v12 =	vshll.u32 v12, $0x7;
	v10 =	vld [tilespmem:s6+$0x40];
	[tilespmem:s5+$0x38A0] =	vst v9;
	v9 =	vadd.s32 v0, v7;
	v18 =	vmul.u32 $0x5, v18  }
0x16f: {  	v7 =	vadd.s32 v1, v7;
	v20 =	vmul.u32 $0x5, v20;
	v17 =	vld [tilespmem:s6+$0x50];
	[tilespmem:s5+$0x3830] =	vst v9;
	v21 =	vshrl.u32 v13, $0x7  }
0x170: {  	v12 =	vand.u32 $0x380, v12;
	v55 =	vand.u32 $0x7F, v13;
	v9 =	vld [tilespmem:s6+$0x60];
	[tilespmem:s5+$0x38B0] =	vst v7;
	v53 =	vadd.s32 v21, v18  }
0x171: {  	v57 =	vshrl.u32 v15, $0x3;
	v15 =	vshll.u32 v15, $0x7;
	v7 =	vld [tilespmem:s6+$0x80];
	[tilespmem:s5+$0x3840] =	vst v6;
	v6 =	vadd.s32 v0, v3  }
0x172: {  	v3 =	vadd.s32 v1, v3;
	v58 =	vshrl.u32 v11, $0x3;
	v59 =	vmul.u32 $0x5, v57  }
0x173: {  	v11 =	vshll.u32 v11, $0x7;
	v15 =	vand.u32 $0x380, v15;
	v19 =	vld [tilespmem:s6+$0x90];
	[tilespmem:s5+$0x38C0] =	vst v5;
	v5 =	vshll.u32 v14, $0x7  }
0x174: {  	v14 =	vshll.u32 v53, $0xA;
	v21 =	vmul.u32 $0x5, v58;
	v11 =	vand.u32 $0x380, v11  }
0x175: {  	v54 =	vld [tilespmem:s6+$0xA0];
	[tilespmem:s5+$0x3850] =	vst v8;
	v5 =	vand.u32 $0x380, v5;
	v8 =	vor.u32 v12, v14;
	v23 =	vshrl.u32 v10, $0x3  }
0x176: {  	v10 =	vshll.u32 v10, $0x7;
	v56 =	vld [tilespmem:s6+$0xB0];
	v8 =	vor.u32 v55, v8;
	[tilespmem:s5+$0x38D0] =	vst v4;
	v4 =	vshrl.u32 v16, $0x3  }
0x177: {  	v24 =	vshrl.u32 v17, $0x3;
	v61 =	vmul.u32 $0x5, v23;
	v16 =	vshll.u32 v16, $0x7  }
0x178: {  	v17 =	vshll.u32 v17, $0x7;
	v60 =	vadd.s32 v1, v8;
	v22 =	vld [tilespmem:s6+$0xC0];
	v4 =	vmul.u32 $0x5, v4  }
0x179: {  	v62 =	vshrl.u32 v9, $0x3;
	v25 =	vld [tilespmem:s6+$0xD0];
	v24 =	vmul.u32 $0x5, v24;
	v9 =	vshll.u32 v9, $0x7  }
0x17a: {  	[tilespmem:s6+$0x38F0] =	vst v60;
	v26 =	vshrl.u32 v7, $0x7;
	v23 =	vmul.u32 $0x5, v62;
	v63 =	vshrl.u32 v19, $0x7  }
0x17b: {  	[tilespmem:s5+$0x3860] =	vst v6;
	v6 =	vadd.s32 v26, v20;
	v12 =	vadd.s32 v63, v59;
	v29 =	vshrl.u32 v54, $0x7  }
0x17c: {  	v6 =	vshll.u32 v6, $0xA;
	v20 =	vadd.s32 v29, v21;
	v30 =	vshrl.u32 v56, $0x7  }
0x17d: {  	v12 =	vshll.u32 v12, $0xA;
	v5 =	vor.u32 v5, v6;
	v6 =	vand.u32 $0x7F, v7  }
0x17e: {  	v4 =	vadd.s32 v30, v4;
	v31 =	vshrl.u32 v22, $0x7;
	v32 =	vshrl.u32 v25, $0x7  }
0x17f: {  	v28 =	vld [tilespmem:s6+$0xE0];
	[tilespmem:s5+$0x3870] =	vst v2;
	v20 =	vshll.u32 v20, $0xA;
	v5 =	vor.u32 v6, v5;
	v2 =	vor.u32 v15, v12  }
0x180: {  	v6 =	vand.u32 $0x7F, v19;
	v14 =	vadd.s32 v31, v61;
	v21 =	vadd.s32 v32, v24  }
0x181: {  	v4 =	vshll.u32 v4, $0xA;
	v34 =	vadd.s32 v0, v5;
	v2 =	vor.u32 v6, v2  }
0x182: {  	[tilespmem:s5+$0x38E0] =	vst v3;
	v5 =	vadd.s32 v1, v5;
	v6 =	vor.u32 v11, v20;
	v11 =	vand.u32 $0x7F, v54  }
0x183: {  	v14 =	vshll.u32 v14, $0xA;
	v3 =	vshll.u32 v21, $0xA;
	[tilespmem:s6+$0x3800] =	vst v34;
	v35 =	vadd.s32 v0, v2  }
0x184: {  	[tilespmem:s6+$0x3880] =	vst v5;
	v5 =	vand.u32 $0x380, v16;
	v6 =	vor.u32 v11, v6;
	v2 =	vadd.s32 v1, v2  }
0x185: {  	v33 =	vshrl.u32 v28, $0x7;
	[tilespmem:s6+$0x3810] =	vst v35;
	v4 =	vor.u32 v5, v4;
	v5 =	vand.u32 $0x7F, v56  }
0x186: {  	v11 =	vadd.s32 v0, v6;
	[tilespmem:s6+$0x3890] =	vst v2;
	v2 =	vand.u32 $0x380, v10;
	v23 =	vadd.s32 v33, v23  }
0x187: {  	v4 =	vor.u32 v5, v4;
	v5 =	vadd.s32 v1, v6;
	[tilespmem:s6+$0x3820] =	vst v11;
	v2 =	vor.u32 v2, v14  }
0x188: {  	v6 =	vand.u32 $0x7F, v22;
	v7 =	vshll.u32 v23, $0xA;
	v10 =	vadd.s32 v0, v4;
	[tilespmem:s6+$0x38A0] =	vst v5  }
0x189: {  	v5 =	vand.u32 $0x380, v17;
	v2 =	vor.u32 v6, v2;
	v4 =	vadd.s32 v1, v4;
	[tilespmem:s6+$0x3830] =	vst v10  }
0x18a: {  	v3 =	vor.u32 v5, v3;
	v5 =	vand.u32 $0x7F, v25;
	v6 =	vadd.s32 v0, v2;
	[tilespmem:s6+$0x38B0] =	vst v4  }
0x18b: {  	v4 =	vand.u32 $0x380, v9;
	v2 =	vadd.s32 v1, v2;
	v3 =	vor.u32 v5, v3;
	[tilespmem:s6+$0x3840] =	vst v6  }
0x18c: {  	v4 =	vor.u32 v4, v7;
	v5 =	vand.u32 $0x7F, v28;
	[tilespmem:s6+$0x38C0] =	vst v2;
	v6 =	vadd.s32 v0, v3  }
0x18d: {  	v2 =	vor.u32 v5, v4;
	v3 =	vadd.s32 v1, v3;
	[tilespmem:s6+$0x3850] =	vst v6  }
0x18e: {  	v4 =	vadd.s32 v0, v2;
	[tilespmem:s6+$0x38D0] =	vst v3  }
0x18f: {  	v2 =	vadd.s32 v1, v2;
	[tilespmem:s6+$0x3860] =	vst v4  }
0x190: {  	v3 =	vadd.s32 v0, v8;
	[tilespmem:s6+$0x38E0] =	vst v2  }
0x191: {  	[tilespmem:s6+$0x3870] =	vst v3  }
0x192: {  	_ =	swait.ge [sflag:s30], $0x1C00  }
0x193: {  	[sflag:s30] =	ssyncset.done $0x0  }
0x194: {  	[sflag:s30] =	ssyncadd.s32 $0xFFFFE400  }
0x195: {  	[tilespmem:s24], [sflag:$0x3] =	stream.indirect.gather [hbm4b:s1+s22], $0x1, s23, s22, $0xb8;
	[tilespmem:$0xA800] =	vst v63  }
0x196: {  	_ =	swait.ge [sflag:s31], $0x1C00  }
0x197: {  	[sflag:s31] =	ssyncset.done $0x0  }
0x198: {  	s7 =	simm.s32 $0x0;
	[sflag:s31] =	ssyncadd.s32 $0xFFFFE400  }
0x199: {  	[hbm4b:s10+s7] =	stream.linear.scatter [tilespmem:s28], [sflag:$0x6], $0x1C00, $0x38;
	[tilespmem:$0xA800] =	vst v63  }
0x19a: {  	_ = 	snop  }
0x19b: {  	[tilespmem:s7], [sflag:$0x1] =	stream.strided.gather [hbm4b:s11+s20], $0x1C00, s21, s20, $0x38;
	[tilespmem:$0xA800] =	vst v63  }
0x19c: {  	_ =	swait.ge [sflag:s25], $0x1C00  }
0x19d: {  	[sflag:s25] =	ssyncset.done $0x0  }
0x19e: {  	s5 =	simm.s32 $0x0;
	[sflag:s25] =	ssyncadd.s32 $0xFFFFE400  }
0x19f: {  	v2 =	vld [tilespmem:s5+$0x1C70]  }
0x1a0: {  	v3 =	vld [tilespmem:s5+$0x1C00]  }
0x1a1: {  	v4 =	vld [tilespmem:s5+$0x1CF0]  }
0x1a2: {  	v5 =	vld [tilespmem:s5+$0x1C10]  }
0x1a3: {  	v6 =	vld [tilespmem:s5+$0x1C20]  }
0x1a4: {  	v7 =	vld [tilespmem:s5+$0x1C30]  }
0x1a5: {  	v9 =	vld [tilespmem:s5+$0x1C40]  }
0x1a6: {  	v11 =	vld [tilespmem:s5+$0x1C50]  }
0x1a7: {  	v37 =	vld [tilespmem:s5+$0x1C60]  }
0x1a8: {  	v39 =	vld [tilespmem:s5+$0x1C80]  }
0x1a9: {  	v41 =	vld [tilespmem:s5+$0x1C90]  }
0x1aa: {  	v44 =	vld [tilespmem:s5+$0x1CB0];
	v8 =	vshrl.u32 v2, $0x3  }
0x1ab: {  	v47 =	vld [tilespmem:s5+$0x1CC0];
	v10 =	vshrl.u32 v3, $0x3;
	v3 =	vshll.u32 v3, $0x7;
	v36 =	vshrl.u32 v4, $0x7  }
0x1ac: {  	v50 =	vld [tilespmem:s5+$0x1CD0];
	v38 =	vshrl.u32 v5, $0x3;
	v2 =	vshll.u32 v2, $0x7;
	v40 =	vshrl.u32 v6, $0x3  }
0x1ad: {  	v52 =	vld [tilespmem:s5+$0x1CE0];
	v42 =	vshrl.u32 v7, $0x3;
	v4 =	vand.u32 $0x7F, v4;
	v43 =	vshrl.u32 v9, $0x3  }
0x1ae: {  	v45 =	vshrl.u32 v11, $0x3;
	v48 =	vshrl.u32 v37, $0x3;
	v49 =	vshrl.u32 v39, $0x7  }
0x1af: {  	v51 =	vshrl.u32 v41, $0x7;
	v5 =	vshll.u32 v5, $0x7;
	v6 =	vshll.u32 v6, $0x7  }
0x1b0: {  	v54 =	vshrl.u32 v44, $0x7;
	v7 =	vshll.u32 v7, $0x7;
	v55 =	vshrl.u32 v47, $0x7  }
0x1b1: {  	v9 =	vshll.u32 v9, $0x7;
	v56 =	vshrl.u32 v50, $0x7;
	v11 =	vshll.u32 v11, $0x7  }
0x1b2: {  	v57 =	vshrl.u32 v52, $0x7;
	v13 =	vshll.u32 v37, $0x7;
	v60 =	vand.u32 $0x7F, v41  }
0x1b3: {  	v62 =	vand.u32 $0x7F, v44;
	v63 =	vand.u32 $0x7F, v47;
	v8 =	vmul.u32 $0x5, v8  }
0x1b4: {  	v10 =	vmul.u32 $0x5, v10;
	v3 =	vand.u32 $0x380, v3;
	v2 =	vand.u32 $0x380, v2  }
0x1b5: {  	v14 =	vmul.u32 $0x5, v38;
	v17 =	vmul.u32 $0x5, v42;
	v18 =	vmul.u32 $0x5, v43  }
0x1b6: {  	v15 =	vmul.u32 $0x5, v45;
	v22 =	vmul.u32 $0x5, v48;
	v5 =	vand.u32 $0x380, v5  }
0x1b7: {  	v6 =	vand.u32 $0x380, v6;
	v7 =	vand.u32 $0x380, v7;
	v9 =	vand.u32 $0x380, v9  }
0x1b8: {  	v8 =	vadd.s32 v36, v8;
	v10 =	vadd.s32 v49, v10;
	v14 =	vadd.s32 v51, v14  }
0x1b9: {  	v17 =	vadd.s32 v54, v17;
	v18 =	vadd.s32 v55, v18;
	v8 =	vshll.u32 v8, $0xA  }
0x1ba: {  	v15 =	vadd.s32 v56, v15;
	v20 =	vadd.s32 v57, v22;
	v2 =	vor.u32 v2, v8;
	v8 =	vld [tilespmem:s5+$0x1CA0]  }
0x1bb: {  	v10 =	vshll.u32 v10, $0xA;
	v14 =	vshll.u32 v14, $0xA;
	v17 =	vshll.u32 v17, $0xA  }
0x1bc: {  	v18 =	vshll.u32 v18, $0xA;
	v15 =	vshll.u32 v15, $0xA;
	v20 =	vshll.u32 v20, $0xA  }
0x1bd: {  	v10 =	vor.u32 v3, v10;
	v3 =	vand.u32 $0x380, v11;
	v11 =	vand.u32 $0x380, v13  }
0x1be: {  	v5 =	vor.u32 v5, v14;
	v2 =	vor.u32 v4, v2;
	v4 =	vmul.u32 $0x5, v40  }
0x1bf: {  	v7 =	vor.u32 v7, v17;
	v59 =	vor.u32 v9, v18;
	v53 =	vshrl.u32 v8, $0x7  }
0x1c0: {  	v9 =	vand.u32 $0x7F, v39;
	v7 =	vor.u32 v62, v7;
	v4 =	vadd.s32 v53, v4  }
0x1c1: {  	v46 =	vadd.s32 v1, v2;
	v61 =	vand.u32 $0x7F, v8;
	v4 =	vshll.u32 v4, $0xA  }
0x1c2: {  	v8 =	vand.u32 $0x7F, v52;
	v58 =	vor.u32 v6, v4;
	v4 =	vor.u32 v3, v15  }
0x1c3: {  	v3 =	vor.u32 v11, v20;
	v6 =	vand.u32 $0x7F, v50;
	v11 =	vor.u32 v9, v10  }
0x1c4: {  	s6 =	simm.s32 $0x100;
	s7 =	simm.s32 $0x800;
	[tilespmem:s5+$0x54F0] =	vst v46;
	v10 =	vor.u32 v60, v5;
	v5 =	vor.u32 v63, v59;
	v9 =	vor.u32 v61, v58  }
.LBB2_8:
0x1c5: {  	p0 =	sne.s32 s7, $0x6C00;
	v12 =	vld [tilespmem:s6+$0x1C70];
	v13 =	vadd.s32 v0, v11;
	v4 =	vor.u32 v6, v4;
	v3 =	vor.u32 v8, v3  }
0x1c6: {  	v8 =	vadd.s32 v1, v11;
	v11 =	vadd.s32 v0, v10;
	v10 =	vadd.s32 v1, v10;
	v6 =	vld [tilespmem:s6+$0x1C00];
	[tilespmem:s5+$0x5400] =	vst v13  }
0x1c7: {  	v14 =	vadd.s32 v0, v7;
	v13 =	vld [tilespmem:s6+$0x1CF0];
	[tilespmem:s5+$0x5480] =	vst v8;
	v8 =	vadd.s32 v0, v9;
	v9 =	vadd.s32 v1, v9  }
0x1c8: {  	v7 =	vadd.s32 v1, v7;
	v15 =	vld [tilespmem:s6+$0x1C10];
	[tilespmem:s5+$0x5410] =	vst v11;
	v11 =	vadd.s32 v0, v5;
	v5 =	vadd.s32 v1, v5  }
0x1c9: {  	v17 =	vadd.s32 v0, v3;
	v16 =	vld [tilespmem:s6+$0x1C20];
	[tilespmem:s5+$0x5490] =	vst v10;
	v10 =	vadd.s32 v0, v4;
	v4 =	vadd.s32 v1, v4  }
0x1ca: {  	v3 =	vadd.s32 v1, v3;
	v18 =	vld [tilespmem:s6+$0x1C30];
	v19 =	vshrl.u32 v12, $0x3;
	[tilespmem:s5+$0x5420] =	vst v8;
	v8 =	vadd.s32 v0, v2  }
0x1cb: {  	v2 =	vshrl.u32 v6, $0x3;
	v6 =	vshll.u32 v6, $0x7;
	v20 =	vld [tilespmem:s6+$0x1C40];
	v19 =	vmul.u32 $0x5, v19;
	[tilespmem:s5+$0x54A0] =	vst v9  }
0x1cc: {  	v9 =	vmul.u32 $0x5, v2;
	v6 =	vand.u32 $0x380, v6;
	v21 =	vld [tilespmem:s6+$0x1C50];
	v2 =	vshrl.u32 v13, $0x7;
	[tilespmem:s5+$0x5430] =	vst v14  }
0x1cd: {  	v12 =	vshll.u32 v12, $0x7;
	v14 =	vshrl.u32 v15, $0x3;
	v22 =	vld [tilespmem:s6+$0x1C60];
	v2 =	vadd.s32 v2, v19;
	[tilespmem:s5+$0x54B0] =	vst v7  }
0x1ce: {  	v12 =	vand.u32 $0x380, v12;
	v7 =	vld [tilespmem:s6+$0x1C80];
	v19 =	vshrl.u32 v16, $0x3;
	v2 =	vshll.u32 v2, $0xA;
	[tilespmem:s5+$0x5440] =	vst v11  }
0x1cf: {  	v11 =	vld [tilespmem:s6+$0x1C90];
	v23 =	vshrl.u32 v18, $0x3;
	v2 =	vor.u32 v12, v2;
	v12 =	vand.u32 $0x7F, v13;
	[tilespmem:s5+$0x54C0] =	vst v5  }
0x1d0: {  	v5 =	vmul.u32 $0x5, v14;
	v13 =	vld [tilespmem:s6+$0x1CA0];
	v14 =	vshrl.u32 v20, $0x3;
	v2 =	vor.u32 v12, v2;
	[tilespmem:s5+$0x5450] =	vst v10  }
0x1d1: {  	v10 =	vmul.u32 $0x5, v19;
	v12 =	vld [tilespmem:s6+$0x1CB0];
	v19 =	vshrl.u32 v21, $0x3;
	v24 =	vadd.s32 v1, v2;
	[tilespmem:s5+$0x54D0] =	vst v4  }
0x1d2: {  	v4 =	vmul.u32 $0x5, v23;
	v14 =	vmul.u32 $0x5, v14;
	v23 =	vld [tilespmem:s6+$0x1CC0];
	v25 =	vshrl.u32 v22, $0x3;
	[tilespmem:s6+$0x54F0] =	vst v24  }
0x1d3: {  	v19 =	vmul.u32 $0x5, v19;
	v24 =	vshrl.u32 v7, $0x7;
	v26 =	vld [tilespmem:s6+$0x1CD0];
	v25 =	vmul.u32 $0x5, v25;
	[tilespmem:s5+$0x5460] =	vst v17  }
0x1d4: {  	v15 =	vshll.u32 v15, $0x7;
	v9 =	vadd.s32 v24, v9;
	v17 =	vshrl.u32 v11, $0x7;
	v24 =	vld [tilespmem:s6+$0x1CE0];
	[tilespmem:s5+$0x54E0] =	vst v3  }
0x1d5: {  	v16 =	vshll.u32 v16, $0x7;
	v3 =	vadd.s32 v17, v5;
	v5 =	vshrl.u32 v13, $0x7;
	[tilespmem:s5+$0x5470] =	vst v8;
	s5 =	smov.u32 s6  }
0x1d6: {  	v5 =	vadd.s32 v5, v10;
	v8 =	vshrl.u32 v12, $0x7;
	v10 =	vshll.u32 v18, $0x7  }
0x1d7: {  	v17 =	vshll.u32 v20, $0x7;
	v4 =	vadd.s32 v8, v4;
	v8 =	vshrl.u32 v23, $0x7  }
0x1d8: {  	v18 =	vshll.u32 v21, $0x7;
	v8 =	vadd.s32 v8, v14;
	v14 =	vshrl.u32 v26, $0x7  }
0x1d9: {  	v20 =	vshll.u32 v22, $0x7;
	v14 =	vadd.s32 v14, v19;
	v19 =	vshrl.u32 v24, $0x7  }
0x1da: {  	v9 =	vshll.u32 v9, $0xA;
	v3 =	vshll.u32 v3, $0xA;
	v19 =	vadd.s32 v19, v25  }
0x1db: {  	v5 =	vshll.u32 v5, $0xA;
	v4 =	vshll.u32 v4, $0xA;
	v8 =	vshll.u32 v8, $0xA  }
0x1dc: {  	v15 =	vand.u32 $0x380, v15;
	v14 =	vshll.u32 v14, $0xA;
	v19 =	vshll.u32 v19, $0xA  }
0x1dd: {  	v16 =	vand.u32 $0x380, v16;
	v17 =	vand.u32 $0x380, v17;
	v10 =	vand.u32 $0x380, v10  }
0x1de: {  	v9 =	vor.u32 v6, v9;
	v6 =	vand.u32 $0x380, v18;
	v18 =	vand.u32 $0x380, v20  }
0x1df: {  	v15 =	vor.u32 v15, v3;
	v5 =	vor.u32 v16, v5;
	v16 =	vor.u32 v10, v4  }
.Ltmp3:
0x1e0: {  	v17 =	vor.u32 v17, v8;
	v4 =	vor.u32 v6, v14;
	v3 =	vor.u32 v18, v19;
	(pc) =	sbr.rel @p0 .LBB2_8-.Ltmp3, $4  }
0x1e1: {  	v7 =	vand.u32 $0x7F, v7;
	v13 =	vand.u32 $0x7F, v13;
	v8 =	vand.u32 $0x7F, v11  }
0x1e2: {  	v12 =	vand.u32 $0x7F, v12;
	v14 =	vand.u32 $0x7F, v23;
	v6 =	vand.u32 $0x7F, v26  }
0x1e3: {  	v11 =	vor.u32 v7, v9;
	v10 =	vor.u32 v8, v15;
	v8 =	vand.u32 $0x7F, v24  }
0x1e4: {  	s6 =	sshra.s32 s7, $0x2;
	s7 =	sadd.s32 $0x400, s7;
	v9 =	vor.u32 v13, v5;
	v7 =	vor.u32 v12, v16;
	v5 =	vor.u32 v14, v17  }
0x1e5: {  	v12 =	vld [tilespmem:s6+$0x1C70]  }
0x1e6: {  	v13 =	vadd.s32 v0, v11;
	v14 =	vld [tilespmem:s6+$0x1C00]  }
0x1e7: {  	v11 =	vadd.s32 v1, v11;
	v4 =	vor.u32 v6, v4;
	[tilespmem:s5+$0x5400] =	vst v13  }
0x1e8: {  	v3 =	vor.u32 v8, v3;
	v6 =	vadd.s32 v0, v5;
	v13 =	vld [tilespmem:s6+$0x1CF0];
	[tilespmem:s5+$0x5480] =	vst v11;
	v11 =	vadd.s32 v0, v10  }
0x1e9: {  	v5 =	vadd.s32 v1, v5;
	v2 =	vadd.s32 v0, v2;
	v10 =	vadd.s32 v1, v10;
	v15 =	vld [tilespmem:s6+$0x1C10];
	[tilespmem:s5+$0x5410] =	vst v11  }
0x1ea: {  	v8 =	vadd.s32 v0, v4;
	v4 =	vadd.s32 v1, v4;
	v11 =	vld [tilespmem:s6+$0x1C20];
	[tilespmem:s5+$0x5490] =	vst v10;
	v10 =	vadd.s32 v0, v9  }
0x1eb: {  	v9 =	vadd.s32 v1, v9;
	v16 =	vld [tilespmem:s6+$0x1C30];
	[tilespmem:s5+$0x5420] =	vst v10;
	v18 =	vshrl.u32 v12, $0x3;
	v20 =	vshrl.u32 v14, $0x3  }
0x1ec: {  	v12 =	vshll.u32 v12, $0x7;
	v10 =	vld [tilespmem:s6+$0x1C40];
	[tilespmem:s5+$0x54A0] =	vst v9;
	v9 =	vadd.s32 v0, v7;
	v18 =	vmul.u32 $0x5, v18  }
0x1ed: {  	v7 =	vadd.s32 v1, v7;
	v20 =	vmul.u32 $0x5, v20;
	v17 =	vld [tilespmem:s6+$0x1C50];
	[tilespmem:s5+$0x5430] =	vst v9;
	v21 =	vshrl.u32 v13, $0x7  }
0x1ee: {  	v12 =	vand.u32 $0x380, v12;
	v55 =	vand.u32 $0x7F, v13;
	v9 =	vld [tilespmem:s6+$0x1C60];
	[tilespmem:s5+$0x54B0] =	vst v7;
	v53 =	vadd.s32 v21, v18  }
0x1ef: {  	v57 =	vshrl.u32 v15, $0x3;
	v15 =	vshll.u32 v15, $0x7;
	v7 =	vld [tilespmem:s6+$0x1C80];
	[tilespmem:s5+$0x5440] =	vst v6;
	v6 =	vadd.s32 v0, v3  }
0x1f0: {  	v3 =	vadd.s32 v1, v3;
	v58 =	vshrl.u32 v11, $0x3;
	v59 =	vmul.u32 $0x5, v57  }
0x1f1: {  	v11 =	vshll.u32 v11, $0x7;
	v15 =	vand.u32 $0x380, v15;
	v19 =	vld [tilespmem:s6+$0x1C90];
	[tilespmem:s5+$0x54C0] =	vst v5;
	v5 =	vshll.u32 v14, $0x7  }
0x1f2: {  	v14 =	vshll.u32 v53, $0xA;
	v21 =	vmul.u32 $0x5, v58;
	v11 =	vand.u32 $0x380, v11  }
0x1f3: {  	v54 =	vld [tilespmem:s6+$0x1CA0];
	[tilespmem:s5+$0x5450] =	vst v8;
	v5 =	vand.u32 $0x380, v5;
	v8 =	vor.u32 v12, v14;
	v23 =	vshrl.u32 v10, $0x3  }
0x1f4: {  	v10 =	vshll.u32 v10, $0x7;
	v56 =	vld [tilespmem:s6+$0x1CB0];
	v8 =	vor.u32 v55, v8;
	[tilespmem:s5+$0x54D0] =	vst v4;
	v4 =	vshrl.u32 v16, $0x3  }
0x1f5: {  	v24 =	vshrl.u32 v17, $0x3;
	v61 =	vmul.u32 $0x5, v23;
	v16 =	vshll.u32 v16, $0x7  }
0x1f6: {  	v17 =	vshll.u32 v17, $0x7;
	v60 =	vadd.s32 v1, v8;
	v22 =	vld [tilespmem:s6+$0x1CC0];
	v4 =	vmul.u32 $0x5, v4  }
0x1f7: {  	v62 =	vshrl.u32 v9, $0x3;
	v25 =	vld [tilespmem:s6+$0x1CD0];
	v24 =	vmul.u32 $0x5, v24;
	v9 =	vshll.u32 v9, $0x7  }
0x1f8: {  	[tilespmem:s6+$0x54F0] =	vst v60;
	v26 =	vshrl.u32 v7, $0x7;
	v23 =	vmul.u32 $0x5, v62;
	v63 =	vshrl.u32 v19, $0x7  }
0x1f9: {  	[tilespmem:s5+$0x5460] =	vst v6;
	v6 =	vadd.s32 v26, v20;
	v12 =	vadd.s32 v63, v59;
	v29 =	vshrl.u32 v54, $0x7  }
0x1fa: {  	v6 =	vshll.u32 v6, $0xA;
	v20 =	vadd.s32 v29, v21;
	v30 =	vshrl.u32 v56, $0x7  }
0x1fb: {  	v12 =	vshll.u32 v12, $0xA;
	v5 =	vor.u32 v5, v6;
	v6 =	vand.u32 $0x7F, v7  }
0x1fc: {  	v4 =	vadd.s32 v30, v4;
	v31 =	vshrl.u32 v22, $0x7;
	v32 =	vshrl.u32 v25, $0x7  }
0x1fd: {  	v28 =	vld [tilespmem:s6+$0x1CE0];
	[tilespmem:s5+$0x5470] =	vst v2;
	v20 =	vshll.u32 v20, $0xA;
	v5 =	vor.u32 v6, v5;
	v2 =	vor.u32 v15, v12  }
0x1fe: {  	v6 =	vand.u32 $0x7F, v19;
	v14 =	vadd.s32 v31, v61;
	v21 =	vadd.s32 v32, v24  }
0x1ff: {  	v4 =	vshll.u32 v4, $0xA;
	v34 =	vadd.s32 v0, v5;
	v2 =	vor.u32 v6, v2  }
0x200: {  	[tilespmem:s5+$0x54E0] =	vst v3;
	v5 =	vadd.s32 v1, v5;
	v6 =	vor.u32 v11, v20;
	v11 =	vand.u32 $0x7F, v54  }
0x201: {  	v14 =	vshll.u32 v14, $0xA;
	v3 =	vshll.u32 v21, $0xA;
	[tilespmem:s6+$0x5400] =	vst v34;
	v35 =	vadd.s32 v0, v2  }
0x202: {  	[tilespmem:s6+$0x5480] =	vst v5;
	v5 =	vand.u32 $0x380, v16;
	v6 =	vor.u32 v11, v6;
	v2 =	vadd.s32 v1, v2  }
0x203: {  	v33 =	vshrl.u32 v28, $0x7;
	[tilespmem:s6+$0x5410] =	vst v35;
	v4 =	vor.u32 v5, v4;
	v5 =	vand.u32 $0x7F, v56  }
0x204: {  	v11 =	vadd.s32 v0, v6;
	[tilespmem:s6+$0x5490] =	vst v2;
	v2 =	vand.u32 $0x380, v10;
	v23 =	vadd.s32 v33, v23  }
0x205: {  	v4 =	vor.u32 v5, v4;
	v5 =	vadd.s32 v1, v6;
	[tilespmem:s6+$0x5420] =	vst v11;
	v2 =	vor.u32 v2, v14  }
0x206: {  	v6 =	vand.u32 $0x7F, v22;
	v7 =	vshll.u32 v23, $0xA;
	v10 =	vadd.s32 v0, v4;
	[tilespmem:s6+$0x54A0] =	vst v5  }
0x207: {  	v5 =	vand.u32 $0x380, v17;
	v2 =	vor.u32 v6, v2;
	v4 =	vadd.s32 v1, v4;
	[tilespmem:s6+$0x5430] =	vst v10  }
0x208: {  	v3 =	vor.u32 v5, v3;
	v5 =	vand.u32 $0x7F, v25;
	v6 =	vadd.s32 v0, v2;
	[tilespmem:s6+$0x54B0] =	vst v4  }
0x209: {  	v4 =	vand.u32 $0x380, v9;
	v2 =	vadd.s32 v1, v2;
	v3 =	vor.u32 v5, v3;
	[tilespmem:s6+$0x5440] =	vst v6  }
0x20a: {  	v4 =	vor.u32 v4, v7;
	v5 =	vand.u32 $0x7F, v28;
	[tilespmem:s6+$0x54C0] =	vst v2;
	v6 =	vadd.s32 v0, v3  }
0x20b: {  	v2 =	vor.u32 v5, v4;
	v3 =	vadd.s32 v1, v3;
	[tilespmem:s6+$0x5450] =	vst v6  }
0x20c: {  	v4 =	vadd.s32 v0, v2;
	[tilespmem:s6+$0x54D0] =	vst v3  }
0x20d: {  	v2 =	vadd.s32 v1, v2;
	[tilespmem:s6+$0x5460] =	vst v4  }
0x20e: {  	v3 =	vadd.s32 v0, v8;
	[tilespmem:s6+$0x54E0] =	vst v2  }
0x20f: {  	[tilespmem:s6+$0x5470] =	vst v3  }
0x210: {  	_ =	swait.ge [sflag:s2], $0x1C00  }
0x211: {  	[sflag:s2] =	ssyncset.done $0x0  }
0x212: {  	[sflag:s2] =	ssyncadd.s32 $0xFFFFE400  }
0x213: {  	[tilespmem:s28], [sflag:$0x4] =	stream.indirect.gather [hbm4b:s1+s22], $0x1, s26, s22, $0xb8;
	[tilespmem:$0xA800] =	vst v63  }
0x214: {  	_ =	swait.ge [sflag:s29], $0x1C00  }
0x215: {  	[sflag:s29] =	ssyncset.done $0x0  }
0x216: {  	s7 =	simm.s32 $0x0;
	[sflag:s29] =	ssyncadd.s32 $0xFFFFE400  }
0x217: {  	[hbm4b:s12+s7] =	stream.linear.scatter [tilespmem:s24], [sflag:$0x5], $0x1C00, $0x38;
	[tilespmem:$0xA800] =	vst v63  }
0x218: {  	_ = 	snop  }
0x219: {  	[tilespmem:s22], [sflag:$0x2] =	stream.strided.gather [hbm4b:s13+s20], $0x1C00, s21, s20, $0x38;
	[tilespmem:$0xA800] =	vst v63  }
0x21a: {  	_ =	swait.ge [sflag:s4], $0x1C00  }
0x21b: {  	[sflag:s4] =	ssyncset.done $0x0  }
0x21c: {  	s5 =	simm.s32 $0x0;
	[sflag:s4] =	ssyncadd.s32 $0xFFFFE400  }
0x21d: {  	v2 =	vld [tilespmem:s5+$0x70]  }
0x21e: {  	v3 =	vld [tilespmem:s5+$0x0]  }
0x21f: {  	v4 =	vld [tilespmem:s5+$0xF0]  }
0x220: {  	v5 =	vld [tilespmem:s5+$0x10]  }
0x221: {  	v6 =	vld [tilespmem:s5+$0x20]  }
0x222: {  	v7 =	vld [tilespmem:s5+$0x30]  }
0x223: {  	v9 =	vld [tilespmem:s5+$0x40]  }
0x224: {  	v11 =	vld [tilespmem:s5+$0x50]  }
0x225: {  	v37 =	vld [tilespmem:s5+$0x60]  }
0x226: {  	v39 =	vld [tilespmem:s5+$0x80]  }
0x227: {  	v41 =	vld [tilespmem:s5+$0x90]  }
0x228: {  	v44 =	vld [tilespmem:s5+$0xB0];
	v8 =	vshrl.u32 v2, $0x3  }
0x229: {  	v47 =	vld [tilespmem:s5+$0xC0];
	v10 =	vshrl.u32 v3, $0x3;
	v3 =	vshll.u32 v3, $0x7;
	v36 =	vshrl.u32 v4, $0x7  }
0x22a: {  	v50 =	vld [tilespmem:s5+$0xD0];
	v38 =	vshrl.u32 v5, $0x3;
	v2 =	vshll.u32 v2, $0x7;
	v40 =	vshrl.u32 v6, $0x3  }
0x22b: {  	v52 =	vld [tilespmem:s5+$0xE0];
	v42 =	vshrl.u32 v7, $0x3;
	v4 =	vand.u32 $0x7F, v4;
	v43 =	vshrl.u32 v9, $0x3  }
0x22c: {  	v45 =	vshrl.u32 v11, $0x3;
	v48 =	vshrl.u32 v37, $0x3;
	v49 =	vshrl.u32 v39, $0x7  }
0x22d: {  	v51 =	vshrl.u32 v41, $0x7;
	v5 =	vshll.u32 v5, $0x7;
	v6 =	vshll.u32 v6, $0x7  }
0x22e: {  	v54 =	vshrl.u32 v44, $0x7;
	v7 =	vshll.u32 v7, $0x7;
	v55 =	vshrl.u32 v47, $0x7  }
0x22f: {  	v9 =	vshll.u32 v9, $0x7;
	v56 =	vshrl.u32 v50, $0x7;
	v11 =	vshll.u32 v11, $0x7  }
0x230: {  	v57 =	vshrl.u32 v52, $0x7;
	v13 =	vshll.u32 v37, $0x7;
	v60 =	vand.u32 $0x7F, v41  }
0x231: {  	v62 =	vand.u32 $0x7F, v44;
	v63 =	vand.u32 $0x7F, v47;
	v8 =	vmul.u32 $0x5, v8  }
0x232: {  	v10 =	vmul.u32 $0x5, v10;
	v3 =	vand.u32 $0x380, v3;
	v2 =	vand.u32 $0x380, v2  }
0x233: {  	v14 =	vmul.u32 $0x5, v38;
	v17 =	vmul.u32 $0x5, v42;
	v18 =	vmul.u32 $0x5, v43  }
0x234: {  	v15 =	vmul.u32 $0x5, v45;
	v22 =	vmul.u32 $0x5, v48;
	v5 =	vand.u32 $0x380, v5  }
0x235: {  	v6 =	vand.u32 $0x380, v6;
	v7 =	vand.u32 $0x380, v7;
	v9 =	vand.u32 $0x380, v9  }
0x236: {  	v8 =	vadd.s32 v36, v8;
	v10 =	vadd.s32 v49, v10;
	v14 =	vadd.s32 v51, v14  }
0x237: {  	v17 =	vadd.s32 v54, v17;
	v18 =	vadd.s32 v55, v18;
	v8 =	vshll.u32 v8, $0xA  }
0x238: {  	v15 =	vadd.s32 v56, v15;
	v20 =	vadd.s32 v57, v22;
	v2 =	vor.u32 v2, v8;
	v8 =	vld [tilespmem:s5+$0xA0]  }
0x239: {  	v10 =	vshll.u32 v10, $0xA;
	v14 =	vshll.u32 v14, $0xA;
	v17 =	vshll.u32 v17, $0xA  }
0x23a: {  	v18 =	vshll.u32 v18, $0xA;
	v15 =	vshll.u32 v15, $0xA;
	v20 =	vshll.u32 v20, $0xA  }
0x23b: {  	v10 =	vor.u32 v3, v10;
	v3 =	vand.u32 $0x380, v11;
	v11 =	vand.u32 $0x380, v13  }
0x23c: {  	v5 =	vor.u32 v5, v14;
	v2 =	vor.u32 v4, v2;
	v4 =	vmul.u32 $0x5, v40  }
0x23d: {  	v7 =	vor.u32 v7, v17;
	v59 =	vor.u32 v9, v18;
	v53 =	vshrl.u32 v8, $0x7  }
0x23e: {  	v9 =	vand.u32 $0x7F, v39;
	v7 =	vor.u32 v62, v7;
	v4 =	vadd.s32 v53, v4  }
0x23f: {  	v46 =	vadd.s32 v1, v2;
	v61 =	vand.u32 $0x7F, v8;
	v4 =	vshll.u32 v4, $0xA  }
0x240: {  	v8 =	vand.u32 $0x7F, v52;
	v58 =	vor.u32 v6, v4;
	v4 =	vor.u32 v3, v15  }
0x241: {  	v3 =	vor.u32 v11, v20;
	v6 =	vand.u32 $0x7F, v50;
	v11 =	vor.u32 v9, v10  }
0x242: {  	s6 =	simm.s32 $0x100;
	s7 =	simm.s32 $0x800;
	[tilespmem:s5+$0x38F0] =	vst v46;
	v10 =	vor.u32 v60, v5;
	v5 =	vor.u32 v63, v59;
	v9 =	vor.u32 v61, v58  }
.LBB2_10:
0x243: {  	p0 =	sne.s32 s7, $0x6C00;
	v12 =	vld [tilespmem:s6+$0x70];
	v13 =	vadd.s32 v0, v11;
	v4 =	vor.u32 v6, v4;
	v3 =	vor.u32 v8, v3  }
0x244: {  	v8 =	vadd.s32 v1, v11;
	v11 =	vadd.s32 v0, v10;
	v10 =	vadd.s32 v1, v10;
	v6 =	vld [tilespmem:s6+$0x0];
	[tilespmem:s5+$0x3800] =	vst v13  }
0x245: {  	v14 =	vadd.s32 v0, v7;
	v13 =	vld [tilespmem:s6+$0xF0];
	[tilespmem:s5+$0x3880] =	vst v8;
	v8 =	vadd.s32 v0, v9;
	v9 =	vadd.s32 v1, v9  }
0x246: {  	v7 =	vadd.s32 v1, v7;
	v15 =	vld [tilespmem:s6+$0x10];
	[tilespmem:s5+$0x3810] =	vst v11;
	v11 =	vadd.s32 v0, v5;
	v5 =	vadd.s32 v1, v5  }
0x247: {  	v17 =	vadd.s32 v0, v3;
	v16 =	vld [tilespmem:s6+$0x20];
	[tilespmem:s5+$0x3890] =	vst v10;
	v10 =	vadd.s32 v0, v4;
	v4 =	vadd.s32 v1, v4  }
0x248: {  	v3 =	vadd.s32 v1, v3;
	v18 =	vld [tilespmem:s6+$0x30];
	v19 =	vshrl.u32 v12, $0x3;
	[tilespmem:s5+$0x3820] =	vst v8;
	v8 =	vadd.s32 v0, v2  }
0x249: {  	v2 =	vshrl.u32 v6, $0x3;
	v6 =	vshll.u32 v6, $0x7;
	v20 =	vld [tilespmem:s6+$0x40];
	v19 =	vmul.u32 $0x5, v19;
	[tilespmem:s5+$0x38A0] =	vst v9  }
0x24a: {  	v9 =	vmul.u32 $0x5, v2;
	v6 =	vand.u32 $0x380, v6;
	v21 =	vld [tilespmem:s6+$0x50];
	v2 =	vshrl.u32 v13, $0x7;
	[tilespmem:s5+$0x3830] =	vst v14  }
0x24b: {  	v12 =	vshll.u32 v12, $0x7;
	v14 =	vshrl.u32 v15, $0x3;
	v22 =	vld [tilespmem:s6+$0x60];
	v2 =	vadd.s32 v2, v19;
	[tilespmem:s5+$0x38B0] =	vst v7  }
0x24c: {  	v12 =	vand.u32 $0x380, v12;
	v7 =	vld [tilespmem:s6+$0x80];
	v19 =	vshrl.u32 v16, $0x3;
	v2 =	vshll.u32 v2, $0xA;
	[tilespmem:s5+$0x3840] =	vst v11  }
0x24d: {  	v11 =	vld [tilespmem:s6+$0x90];
	v23 =	vshrl.u32 v18, $0x3;
	v2 =	vor.u32 v12, v2;
	v12 =	vand.u32 $0x7F, v13;
	[tilespmem:s5+$0x38C0] =	vst v5  }
0x24e: {  	v5 =	vmul.u32 $0x5, v14;
	v13 =	vld [tilespmem:s6+$0xA0];
	v14 =	vshrl.u32 v20, $0x3;
	v2 =	vor.u32 v12, v2;
	[tilespmem:s5+$0x3850] =	vst v10  }
0x24f: {  	v10 =	vmul.u32 $0x5, v19;
	v12 =	vld [tilespmem:s6+$0xB0];
	v19 =	vshrl.u32 v21, $0x3;
	v24 =	vadd.s32 v1, v2;
	[tilespmem:s5+$0x38D0] =	vst v4  }
0x250: {  	v4 =	vmul.u32 $0x5, v23;
	v14 =	vmul.u32 $0x5, v14;
	v23 =	vld [tilespmem:s6+$0xC0];
	v25 =	vshrl.u32 v22, $0x3;
	[tilespmem:s6+$0x38F0] =	vst v24  }
0x251: {  	v19 =	vmul.u32 $0x5, v19;
	v24 =	vshrl.u32 v7, $0x7;
	v26 =	vld [tilespmem:s6+$0xD0];
	v25 =	vmul.u32 $0x5, v25;
	[tilespmem:s5+$0x3860] =	vst v17  }
0x252: {  	v15 =	vshll.u32 v15, $0x7;
	v9 =	vadd.s32 v24, v9;
	v17 =	vshrl.u32 v11, $0x7;
	v24 =	vld [tilespmem:s6+$0xE0];
	[tilespmem:s5+$0x38E0] =	vst v3  }
0x253: {  	v16 =	vshll.u32 v16, $0x7;
	v3 =	vadd.s32 v17, v5;
	v5 =	vshrl.u32 v13, $0x7;
	[tilespmem:s5+$0x3870] =	vst v8;
	s5 =	smov.u32 s6  }
0x254: {  	v5 =	vadd.s32 v5, v10;
	v8 =	vshrl.u32 v12, $0x7;
	v10 =	vshll.u32 v18, $0x7  }
0x255: {  	v17 =	vshll.u32 v20, $0x7;
	v4 =	vadd.s32 v8, v4;
	v8 =	vshrl.u32 v23, $0x7  }
0x256: {  	v18 =	vshll.u32 v21, $0x7;
	v8 =	vadd.s32 v8, v14;
	v14 =	vshrl.u32 v26, $0x7  }
0x257: {  	v20 =	vshll.u32 v22, $0x7;
	v14 =	vadd.s32 v14, v19;
	v19 =	vshrl.u32 v24, $0x7  }
0x258: {  	v9 =	vshll.u32 v9, $0xA;
	v3 =	vshll.u32 v3, $0xA;
	v19 =	vadd.s32 v19, v25  }
0x259: {  	v5 =	vshll.u32 v5, $0xA;
	v4 =	vshll.u32 v4, $0xA;
	v8 =	vshll.u32 v8, $0xA  }
0x25a: {  	v15 =	vand.u32 $0x380, v15;
	v14 =	vshll.u32 v14, $0xA;
	v19 =	vshll.u32 v19, $0xA  }
0x25b: {  	v16 =	vand.u32 $0x380, v16;
	v17 =	vand.u32 $0x380, v17;
	v10 =	vand.u32 $0x380, v10  }
0x25c: {  	v9 =	vor.u32 v6, v9;
	v6 =	vand.u32 $0x380, v18;
	v18 =	vand.u32 $0x380, v20  }
0x25d: {  	v15 =	vor.u32 v15, v3;
	v5 =	vor.u32 v16, v5;
	v16 =	vor.u32 v10, v4  }
.Ltmp4:
0x25e: {  	v17 =	vor.u32 v17, v8;
	v4 =	vor.u32 v6, v14;
	v3 =	vor.u32 v18, v19;
	(pc) =	sbr.rel @p0 .LBB2_10-.Ltmp4, $4  }
0x25f: {  	v7 =	vand.u32 $0x7F, v7;
	v13 =	vand.u32 $0x7F, v13;
	v8 =	vand.u32 $0x7F, v11  }
0x260: {  	v12 =	vand.u32 $0x7F, v12;
	v14 =	vand.u32 $0x7F, v23;
	v6 =	vand.u32 $0x7F, v26  }
0x261: {  	v11 =	vor.u32 v7, v9;
	v10 =	vor.u32 v8, v15;
	v8 =	vand.u32 $0x7F, v24  }
0x262: {  	s6 =	sshra.s32 s7, $0x2;
	s7 =	sadd.s32 $0x400, s7;
	v9 =	vor.u32 v13, v5;
	v7 =	vor.u32 v12, v16;
	v5 =	vor.u32 v14, v17  }
0x263: {  	v12 =	vld [tilespmem:s6+$0x70]  }
0x264: {  	v13 =	vadd.s32 v0, v11;
	v14 =	vld [tilespmem:s6+$0x0]  }
0x265: {  	v11 =	vadd.s32 v1, v11;
	v4 =	vor.u32 v6, v4;
	[tilespmem:s5+$0x3800] =	vst v13  }
0x266: {  	v3 =	vor.u32 v8, v3;
	v6 =	vadd.s32 v0, v5;
	v13 =	vld [tilespmem:s6+$0xF0];
	[tilespmem:s5+$0x3880] =	vst v11;
	v11 =	vadd.s32 v0, v10  }
0x267: {  	v5 =	vadd.s32 v1, v5;
	v2 =	vadd.s32 v0, v2;
	v10 =	vadd.s32 v1, v10;
	v15 =	vld [tilespmem:s6+$0x10];
	[tilespmem:s5+$0x3810] =	vst v11  }
0x268: {  	v8 =	vadd.s32 v0, v4;
	v4 =	vadd.s32 v1, v4;
	v11 =	vld [tilespmem:s6+$0x20];
	[tilespmem:s5+$0x3890] =	vst v10;
	v10 =	vadd.s32 v0, v9  }
0x269: {  	v9 =	vadd.s32 v1, v9;
	v16 =	vld [tilespmem:s6+$0x30];
	[tilespmem:s5+$0x3820] =	vst v10;
	v18 =	vshrl.u32 v12, $0x3;
	v20 =	vshrl.u32 v14, $0x3  }
0x26a: {  	v12 =	vshll.u32 v12, $0x7;
	v10 =	vld [tilespmem:s6+$0x40];
	[tilespmem:s5+$0x38A0] =	vst v9;
	v9 =	vadd.s32 v0, v7;
	v18 =	vmul.u32 $0x5, v18  }
0x26b: {  	v7 =	vadd.s32 v1, v7;
	v20 =	vmul.u32 $0x5, v20;
	v17 =	vld [tilespmem:s6+$0x50];
	[tilespmem:s5+$0x3830] =	vst v9;
	v21 =	vshrl.u32 v13, $0x7  }
0x26c: {  	v12 =	vand.u32 $0x380, v12;
	v55 =	vand.u32 $0x7F, v13;
	v9 =	vld [tilespmem:s6+$0x60];
	[tilespmem:s5+$0x38B0] =	vst v7;
	v53 =	vadd.s32 v21, v18  }
0x26d: {  	v57 =	vshrl.u32 v15, $0x3;
	v15 =	vshll.u32 v15, $0x7;
	v7 =	vld [tilespmem:s6+$0x80];
	[tilespmem:s5+$0x3840] =	vst v6;
	v6 =	vadd.s32 v0, v3  }
0x26e: {  	v3 =	vadd.s32 v1, v3;
	v58 =	vshrl.u32 v11, $0x3;
	v59 =	vmul.u32 $0x5, v57  }
0x26f: {  	v11 =	vshll.u32 v11, $0x7;
	v15 =	vand.u32 $0x380, v15;
	v19 =	vld [tilespmem:s6+$0x90];
	[tilespmem:s5+$0x38C0] =	vst v5;
	v5 =	vshll.u32 v14, $0x7  }
0x270: {  	v14 =	vshll.u32 v53, $0xA;
	v21 =	vmul.u32 $0x5, v58;
	v11 =	vand.u32 $0x380, v11  }
0x271: {  	v54 =	vld [tilespmem:s6+$0xA0];
	[tilespmem:s5+$0x3850] =	vst v8;
	v5 =	vand.u32 $0x380, v5;
	v8 =	vor.u32 v12, v14;
	v23 =	vshrl.u32 v10, $0x3  }
0x272: {  	v10 =	vshll.u32 v10, $0x7;
	v56 =	vld [tilespmem:s6+$0xB0];
	v8 =	vor.u32 v55, v8;
	[tilespmem:s5+$0x38D0] =	vst v4;
	v4 =	vshrl.u32 v16, $0x3  }
0x273: {  	v24 =	vshrl.u32 v17, $0x3;
	v61 =	vmul.u32 $0x5, v23;
	v16 =	vshll.u32 v16, $0x7  }
0x274: {  	v17 =	vshll.u32 v17, $0x7;
	v60 =	vadd.s32 v1, v8;
	v22 =	vld [tilespmem:s6+$0xC0];
	v4 =	vmul.u32 $0x5, v4  }
0x275: {  	v62 =	vshrl.u32 v9, $0x3;
	v25 =	vld [tilespmem:s6+$0xD0];
	v24 =	vmul.u32 $0x5, v24;
	v9 =	vshll.u32 v9, $0x7  }
0x276: {  	[tilespmem:s6+$0x38F0] =	vst v60;
	v26 =	vshrl.u32 v7, $0x7;
	v23 =	vmul.u32 $0x5, v62;
	v63 =	vshrl.u32 v19, $0x7  }
0x277: {  	[tilespmem:s5+$0x3860] =	vst v6;
	v6 =	vadd.s32 v26, v20;
	v12 =	vadd.s32 v63, v59;
	v29 =	vshrl.u32 v54, $0x7  }
0x278: {  	v6 =	vshll.u32 v6, $0xA;
	v20 =	vadd.s32 v29, v21;
	v30 =	vshrl.u32 v56, $0x7  }
0x279: {  	v12 =	vshll.u32 v12, $0xA;
	v5 =	vor.u32 v5, v6;
	v6 =	vand.u32 $0x7F, v7  }
0x27a: {  	v4 =	vadd.s32 v30, v4;
	v31 =	vshrl.u32 v22, $0x7;
	v32 =	vshrl.u32 v25, $0x7  }
0x27b: {  	v28 =	vld [tilespmem:s6+$0xE0];
	[tilespmem:s5+$0x3870] =	vst v2;
	v20 =	vshll.u32 v20, $0xA;
	v5 =	vor.u32 v6, v5;
	v2 =	vor.u32 v15, v12  }
0x27c: {  	v6 =	vand.u32 $0x7F, v19;
	v14 =	vadd.s32 v31, v61;
	v21 =	vadd.s32 v32, v24  }
0x27d: {  	v4 =	vshll.u32 v4, $0xA;
	v34 =	vadd.s32 v0, v5;
	v2 =	vor.u32 v6, v2  }
0x27e: {  	[tilespmem:s5+$0x38E0] =	vst v3;
	v5 =	vadd.s32 v1, v5;
	v6 =	vor.u32 v11, v20;
	v11 =	vand.u32 $0x7F, v54  }
0x27f: {  	v14 =	vshll.u32 v14, $0xA;
	v3 =	vshll.u32 v21, $0xA;
	[tilespmem:s6+$0x3800] =	vst v34;
	v35 =	vadd.s32 v0, v2  }
0x280: {  	[tilespmem:s6+$0x3880] =	vst v5;
	v5 =	vand.u32 $0x380, v16;
	v6 =	vor.u32 v11, v6;
	v2 =	vadd.s32 v1, v2  }
0x281: {  	v33 =	vshrl.u32 v28, $0x7;
	[tilespmem:s6+$0x3810] =	vst v35;
	v4 =	vor.u32 v5, v4;
	v5 =	vand.u32 $0x7F, v56  }
0x282: {  	v11 =	vadd.s32 v0, v6;
	[tilespmem:s6+$0x3890] =	vst v2;
	v2 =	vand.u32 $0x380, v10;
	v23 =	vadd.s32 v33, v23  }
0x283: {  	v4 =	vor.u32 v5, v4;
	v5 =	vadd.s32 v1, v6;
	[tilespmem:s6+$0x3820] =	vst v11;
	v2 =	vor.u32 v2, v14  }
0x284: {  	v6 =	vand.u32 $0x7F, v22;
	v7 =	vshll.u32 v23, $0xA;
	v10 =	vadd.s32 v0, v4;
	[tilespmem:s6+$0x38A0] =	vst v5  }
0x285: {  	v5 =	vand.u32 $0x380, v17;
	v2 =	vor.u32 v6, v2;
	v4 =	vadd.s32 v1, v4;
	[tilespmem:s6+$0x3830] =	vst v10  }
0x286: {  	v3 =	vor.u32 v5, v3;
	v5 =	vand.u32 $0x7F, v25;
	v6 =	vadd.s32 v0, v2;
	[tilespmem:s6+$0x38B0] =	vst v4  }
0x287: {  	v4 =	vand.u32 $0x380, v9;
	v2 =	vadd.s32 v1, v2;
	v3 =	vor.u32 v5, v3;
	[tilespmem:s6+$0x3840] =	vst v6  }
0x288: {  	v4 =	vor.u32 v4, v7;
	v5 =	vand.u32 $0x7F, v28;
	[tilespmem:s6+$0x38C0] =	vst v2;
	v6 =	vadd.s32 v0, v3  }
0x289: {  	v2 =	vor.u32 v5, v4;
	v3 =	vadd.s32 v1, v3;
	[tilespmem:s6+$0x3850] =	vst v6  }
0x28a: {  	v4 =	vadd.s32 v0, v2;
	[tilespmem:s6+$0x38D0] =	vst v3  }
0x28b: {  	v2 =	vadd.s32 v1, v2;
	[tilespmem:s6+$0x3860] =	vst v4  }
0x28c: {  	v3 =	vadd.s32 v0, v8;
	[tilespmem:s6+$0x38E0] =	vst v2  }
0x28d: {  	[tilespmem:s6+$0x3870] =	vst v3  }
0x28e: {  	_ =	swait.ge [sflag:s30], $0x1C00  }
0x28f: {  	[sflag:s30] =	ssyncset.done $0x0  }
0x290: {  	[sflag:s30] =	ssyncadd.s32 $0xFFFFE400  }
0x291: {  	[tilespmem:s24], [sflag:$0x3] =	stream.indirect.gather [hbm4b:s1+s22], $0x1, s23, s22, $0xb8;
	[tilespmem:$0xA800] =	vst v63  }
0x292: {  	_ =	swait.ge [sflag:s31], $0x1C00  }
0x293: {  	[sflag:s31] =	ssyncset.done $0x0  }
0x294: {  	s7 =	simm.s32 $0x0;
	[sflag:s31] =	ssyncadd.s32 $0xFFFFE400  }
0x295: {  	[hbm4b:s14+s7] =	stream.linear.scatter [tilespmem:s28], [sflag:$0x6], $0x1C00, $0x38;
	[tilespmem:$0xA800] =	vst v63  }
0x296: {  	_ = 	snop  }
0x297: {  	[tilespmem:s7], [sflag:$0x1] =	stream.strided.gather [hbm4b:s15+s20], $0x1C00, s21, s20, $0x38;
	[tilespmem:$0xA800] =	vst v63  }
0x298: {  	_ =	swait.ge [sflag:s25], $0x1C00  }
0x299: {  	[sflag:s25] =	ssyncset.done $0x0  }
0x29a: {  	s5 =	simm.s32 $0x0;
	[sflag:s25] =	ssyncadd.s32 $0xFFFFE400  }
0x29b: {  	v2 =	vld [tilespmem:s5+$0x1C70]  }
0x29c: {  	v3 =	vld [tilespmem:s5+$0x1C00]  }
0x29d: {  	v4 =	vld [tilespmem:s5+$0x1CF0]  }
0x29e: {  	v5 =	vld [tilespmem:s5+$0x1C10]  }
0x29f: {  	v6 =	vld [tilespmem:s5+$0x1C20]  }
0x2a0: {  	v7 =	vld [tilespmem:s5+$0x1C30]  }
0x2a1: {  	v9 =	vld [tilespmem:s5+$0x1C40]  }
0x2a2: {  	v11 =	vld [tilespmem:s5+$0x1C50]  }
0x2a3: {  	v37 =	vld [tilespmem:s5+$0x1C60]  }
0x2a4: {  	v39 =	vld [tilespmem:s5+$0x1C80]  }
0x2a5: {  	v41 =	vld [tilespmem:s5+$0x1C90]  }
0x2a6: {  	v44 =	vld [tilespmem:s5+$0x1CB0];
	v8 =	vshrl.u32 v2, $0x3  }
0x2a7: {  	v47 =	vld [tilespmem:s5+$0x1CC0];
	v10 =	vshrl.u32 v3, $0x3;
	v3 =	vshll.u32 v3, $0x7;
	v36 =	vshrl.u32 v4, $0x7  }
0x2a8: {  	v50 =	vld [tilespmem:s5+$0x1CD0];
	v38 =	vshrl.u32 v5, $0x3;
	v2 =	vshll.u32 v2, $0x7;
	v40 =	vshrl.u32 v6, $0x3  }
0x2a9: {  	v52 =	vld [tilespmem:s5+$0x1CE0];
	v42 =	vshrl.u32 v7, $0x3;
	v4 =	vand.u32 $0x7F, v4;
	v43 =	vshrl.u32 v9, $0x3  }
0x2aa: {  	v45 =	vshrl.u32 v11, $0x3;
	v48 =	vshrl.u32 v37, $0x3;
	v49 =	vshrl.u32 v39, $0x7  }
0x2ab: {  	v51 =	vshrl.u32 v41, $0x7;
	v5 =	vshll.u32 v5, $0x7;
	v6 =	vshll.u32 v6, $0x7  }
0x2ac: {  	v54 =	vshrl.u32 v44, $0x7;
	v7 =	vshll.u32 v7, $0x7;
	v55 =	vshrl.u32 v47, $0x7  }
0x2ad: {  	v9 =	vshll.u32 v9, $0x7;
	v56 =	vshrl.u32 v50, $0x7;
	v11 =	vshll.u32 v11, $0x7  }
0x2ae: {  	v57 =	vshrl.u32 v52, $0x7;
	v13 =	vshll.u32 v37, $0x7;
	v60 =	vand.u32 $0x7F, v41  }
0x2af: {  	v62 =	vand.u32 $0x7F, v44;
	v63 =	vand.u32 $0x7F, v47;
	v8 =	vmul.u32 $0x5, v8  }
0x2b0: {  	v10 =	vmul.u32 $0x5, v10;
	v3 =	vand.u32 $0x380, v3;
	v2 =	vand.u32 $0x380, v2  }
0x2b1: {  	v14 =	vmul.u32 $0x5, v38;
	v17 =	vmul.u32 $0x5, v42;
	v18 =	vmul.u32 $0x5, v43  }
0x2b2: {  	v15 =	vmul.u32 $0x5, v45;
	v22 =	vmul.u32 $0x5, v48;
	v5 =	vand.u32 $0x380, v5  }
0x2b3: {  	v6 =	vand.u32 $0x380, v6;
	v7 =	vand.u32 $0x380, v7;
	v9 =	vand.u32 $0x380, v9  }
0x2b4: {  	v8 =	vadd.s32 v36, v8;
	v10 =	vadd.s32 v49, v10;
	v14 =	vadd.s32 v51, v14  }
0x2b5: {  	v17 =	vadd.s32 v54, v17;
	v18 =	vadd.s32 v55, v18;
	v8 =	vshll.u32 v8, $0xA  }
0x2b6: {  	v15 =	vadd.s32 v56, v15;
	v20 =	vadd.s32 v57, v22;
	v2 =	vor.u32 v2, v8;
	v8 =	vld [tilespmem:s5+$0x1CA0]  }
0x2b7: {  	v10 =	vshll.u32 v10, $0xA;
	v14 =	vshll.u32 v14, $0xA;
	v17 =	vshll.u32 v17, $0xA  }
0x2b8: {  	v18 =	vshll.u32 v18, $0xA;
	v15 =	vshll.u32 v15, $0xA;
	v20 =	vshll.u32 v20, $0xA  }
0x2b9: {  	v10 =	vor.u32 v3, v10;
	v3 =	vand.u32 $0x380, v11;
	v11 =	vand.u32 $0x380, v13  }
0x2ba: {  	v5 =	vor.u32 v5, v14;
	v2 =	vor.u32 v4, v2;
	v4 =	vmul.u32 $0x5, v40  }
0x2bb: {  	v7 =	vor.u32 v7, v17;
	v59 =	vor.u32 v9, v18;
	v53 =	vshrl.u32 v8, $0x7  }
0x2bc: {  	v9 =	vand.u32 $0x7F, v39;
	v7 =	vor.u32 v62, v7;
	v4 =	vadd.s32 v53, v4  }
0x2bd: {  	v46 =	vadd.s32 v1, v2;
	v61 =	vand.u32 $0x7F, v8;
	v4 =	vshll.u32 v4, $0xA  }
0x2be: {  	v8 =	vand.u32 $0x7F, v52;
	v58 =	vor.u32 v6, v4;
	v4 =	vor.u32 v3, v15  }
0x2bf: {  	v3 =	vor.u32 v11, v20;
	v6 =	vand.u32 $0x7F, v50;
	v11 =	vor.u32 v9, v10  }
0x2c0: {  	s6 =	simm.s32 $0x100;
	s7 =	simm.s32 $0x800;
	[tilespmem:s5+$0x54F0] =	vst v46;
	v10 =	vor.u32 v60, v5;
	v5 =	vor.u32 v63, v59;
	v9 =	vor.u32 v61, v58  }
.LBB2_12:
0x2c1: {  	p0 =	sne.s32 s7, $0x6C00;
	v12 =	vld [tilespmem:s6+$0x1C70];
	v13 =	vadd.s32 v0, v11;
	v4 =	vor.u32 v6, v4;
	v3 =	vor.u32 v8, v3  }
0x2c2: {  	v8 =	vadd.s32 v1, v11;
	v11 =	vadd.s32 v0, v10;
	v10 =	vadd.s32 v1, v10;
	v6 =	vld [tilespmem:s6+$0x1C00];
	[tilespmem:s5+$0x5400] =	vst v13  }
0x2c3: {  	v14 =	vadd.s32 v0, v7;
	v13 =	vld [tilespmem:s6+$0x1CF0];
	[tilespmem:s5+$0x5480] =	vst v8;
	v8 =	vadd.s32 v0, v9;
	v9 =	vadd.s32 v1, v9  }
0x2c4: {  	v7 =	vadd.s32 v1, v7;
	v15 =	vld [tilespmem:s6+$0x1C10];
	[tilespmem:s5+$0x5410] =	vst v11;
	v11 =	vadd.s32 v0, v5;
	v5 =	vadd.s32 v1, v5  }
0x2c5: {  	v17 =	vadd.s32 v0, v3;
	v16 =	vld [tilespmem:s6+$0x1C20];
	[tilespmem:s5+$0x5490] =	vst v10;
	v10 =	vadd.s32 v0, v4;
	v4 =	vadd.s32 v1, v4  }
0x2c6: {  	v3 =	vadd.s32 v1, v3;
	v18 =	vld [tilespmem:s6+$0x1C30];
	v19 =	vshrl.u32 v12, $0x3;
	[tilespmem:s5+$0x5420] =	vst v8;
	v8 =	vadd.s32 v0, v2  }
0x2c7: {  	v2 =	vshrl.u32 v6, $0x3;
	v6 =	vshll.u32 v6, $0x7;
	v20 =	vld [tilespmem:s6+$0x1C40];
	v19 =	vmul.u32 $0x5, v19;
	[tilespmem:s5+$0x54A0] =	vst v9  }
0x2c8: {  	v9 =	vmul.u32 $0x5, v2;
	v6 =	vand.u32 $0x380, v6;
	v21 =	vld [tilespmem:s6+$0x1C50];
	v2 =	vshrl.u32 v13, $0x7;
	[tilespmem:s5+$0x5430] =	vst v14  }
0x2c9: {  	v12 =	vshll.u32 v12, $0x7;
	v14 =	vshrl.u32 v15, $0x3;
	v22 =	vld [tilespmem:s6+$0x1C60];
	v2 =	vadd.s32 v2, v19;
	[tilespmem:s5+$0x54B0] =	vst v7  }
0x2ca: {  	v12 =	vand.u32 $0x380, v12;
	v7 =	vld [tilespmem:s6+$0x1C80];
	v19 =	vshrl.u32 v16, $0x3;
	v2 =	vshll.u32 v2, $0xA;
	[tilespmem:s5+$0x5440] =	vst v11  }
0x2cb: {  	v11 =	vld [tilespmem:s6+$0x1C90];
	v23 =	vshrl.u32 v18, $0x3;
	v2 =	vor.u32 v12, v2;
	v12 =	vand.u32 $0x7F, v13;
	[tilespmem:s5+$0x54C0] =	vst v5  }
0x2cc: {  	v5 =	vmul.u32 $0x5, v14;
	v13 =	vld [tilespmem:s6+$0x1CA0];
	v14 =	vshrl.u32 v20, $0x3;
	v2 =	vor.u32 v12, v2;
	[tilespmem:s5+$0x5450] =	vst v10  }
0x2cd: {  	v10 =	vmul.u32 $0x5, v19;
	v12 =	vld [tilespmem:s6+$0x1CB0];
	v19 =	vshrl.u32 v21, $0x3;
	v24 =	vadd.s32 v1, v2;
	[tilespmem:s5+$0x54D0] =	vst v4  }
0x2ce: {  	v4 =	vmul.u32 $0x5, v23;
	v14 =	vmul.u32 $0x5, v14;
	v23 =	vld [tilespmem:s6+$0x1CC0];
	v25 =	vshrl.u32 v22, $0x3;
	[tilespmem:s6+$0x54F0] =	vst v24  }
0x2cf: {  	v19 =	vmul.u32 $0x5, v19;
	v24 =	vshrl.u32 v7, $0x7;
	v26 =	vld [tilespmem:s6+$0x1CD0];
	v25 =	vmul.u32 $0x5, v25;
	[tilespmem:s5+$0x5460] =	vst v17  }
0x2d0: {  	v15 =	vshll.u32 v15, $0x7;
	v9 =	vadd.s32 v24, v9;
	v17 =	vshrl.u32 v11, $0x7;
	v24 =	vld [tilespmem:s6+$0x1CE0];
	[tilespmem:s5+$0x54E0] =	vst v3  }
0x2d1: {  	v16 =	vshll.u32 v16, $0x7;
	v3 =	vadd.s32 v17, v5;
	v5 =	vshrl.u32 v13, $0x7;
	[tilespmem:s5+$0x5470] =	vst v8;
	s5 =	smov.u32 s6  }
0x2d2: {  	v5 =	vadd.s32 v5, v10;
	v8 =	vshrl.u32 v12, $0x7;
	v10 =	vshll.u32 v18, $0x7  }
0x2d3: {  	v17 =	vshll.u32 v20, $0x7;
	v4 =	vadd.s32 v8, v4;
	v8 =	vshrl.u32 v23, $0x7  }
0x2d4: {  	v18 =	vshll.u32 v21, $0x7;
	v8 =	vadd.s32 v8, v14;
	v14 =	vshrl.u32 v26, $0x7  }
0x2d5: {  	v20 =	vshll.u32 v22, $0x7;
	v14 =	vadd.s32 v14, v19;
	v19 =	vshrl.u32 v24, $0x7  }
0x2d6: {  	v9 =	vshll.u32 v9, $0xA;
	v3 =	vshll.u32 v3, $0xA;
	v19 =	vadd.s32 v19, v25  }
0x2d7: {  	v5 =	vshll.u32 v5, $0xA;
	v4 =	vshll.u32 v4, $0xA;
	v8 =	vshll.u32 v8, $0xA  }
0x2d8: {  	v15 =	vand.u32 $0x380, v15;
	v14 =	vshll.u32 v14, $0xA;
	v19 =	vshll.u32 v19, $0xA  }
0x2d9: {  	v16 =	vand.u32 $0x380, v16;
	v17 =	vand.u32 $0x380, v17;
	v10 =	vand.u32 $0x380, v10  }
0x2da: {  	v9 =	vor.u32 v6, v9;
	v6 =	vand.u32 $0x380, v18;
	v18 =	vand.u32 $0x380, v20  }
0x2db: {  	v15 =	vor.u32 v15, v3;
	v5 =	vor.u32 v16, v5;
	v16 =	vor.u32 v10, v4  }
.Ltmp5:
0x2dc: {  	v17 =	vor.u32 v17, v8;
	v4 =	vor.u32 v6, v14;
	v3 =	vor.u32 v18, v19;
	(pc) =	sbr.rel @p0 .LBB2_12-.Ltmp5, $4  }
0x2dd: {  	v7 =	vand.u32 $0x7F, v7;
	v13 =	vand.u32 $0x7F, v13;
	v8 =	vand.u32 $0x7F, v11  }
0x2de: {  	v12 =	vand.u32 $0x7F, v12;
	v14 =	vand.u32 $0x7F, v23;
	v6 =	vand.u32 $0x7F, v26  }
0x2df: {  	v11 =	vor.u32 v7, v9;
	v10 =	vor.u32 v8, v15;
	v8 =	vand.u32 $0x7F, v24  }
0x2e0: {  	s6 =	sshra.s32 s7, $0x2;
	s7 =	sadd.s32 $0x400, s7;
	v9 =	vor.u32 v13, v5;
	v7 =	vor.u32 v12, v16;
	v5 =	vor.u32 v14, v17  }
0x2e1: {  	v12 =	vld [tilespmem:s6+$0x1C70]  }
0x2e2: {  	v13 =	vadd.s32 v0, v11;
	v14 =	vld [tilespmem:s6+$0x1C00]  }
0x2e3: {  	v11 =	vadd.s32 v1, v11;
	v4 =	vor.u32 v6, v4;
	[tilespmem:s5+$0x5400] =	vst v13  }
0x2e4: {  	v3 =	vor.u32 v8, v3;
	v6 =	vadd.s32 v0, v5;
	v13 =	vld [tilespmem:s6+$0x1CF0];
	[tilespmem:s5+$0x5480] =	vst v11;
	v11 =	vadd.s32 v0, v10  }
0x2e5: {  	v5 =	vadd.s32 v1, v5;
	v2 =	vadd.s32 v0, v2;
	v10 =	vadd.s32 v1, v10;
	v15 =	vld [tilespmem:s6+$0x1C10];
	[tilespmem:s5+$0x5410] =	vst v11  }
0x2e6: {  	v8 =	vadd.s32 v0, v4;
	v4 =	vadd.s32 v1, v4;
	v11 =	vld [tilespmem:s6+$0x1C20];
	[tilespmem:s5+$0x5490] =	vst v10;
	v10 =	vadd.s32 v0, v9  }
0x2e7: {  	v9 =	vadd.s32 v1, v9;
	v16 =	vld [tilespmem:s6+$0x1C30];
	[tilespmem:s5+$0x5420] =	vst v10;
	v18 =	vshrl.u32 v12, $0x3;
	v20 =	vshrl.u32 v14, $0x3  }
0x2e8: {  	v12 =	vshll.u32 v12, $0x7;
	v10 =	vld [tilespmem:s6+$0x1C40];
	[tilespmem:s5+$0x54A0] =	vst v9;
	v9 =	vadd.s32 v0, v7;
	v18 =	vmul.u32 $0x5, v18  }
0x2e9: {  	v7 =	vadd.s32 v1, v7;
	v20 =	vmul.u32 $0x5, v20;
	v17 =	vld [tilespmem:s6+$0x1C50];
	[tilespmem:s5+$0x5430] =	vst v9;
	v21 =	vshrl.u32 v13, $0x7  }
0x2ea: {  	v12 =	vand.u32 $0x380, v12;
	v55 =	vand.u32 $0x7F, v13;
	v9 =	vld [tilespmem:s6+$0x1C60];
	[tilespmem:s5+$0x54B0] =	vst v7;
	v53 =	vadd.s32 v21, v18  }
0x2eb: {  	v57 =	vshrl.u32 v15, $0x3;
	v15 =	vshll.u32 v15, $0x7;
	v7 =	vld [tilespmem:s6+$0x1C80];
	[tilespmem:s5+$0x5440] =	vst v6;
	v6 =	vadd.s32 v0, v3  }
0x2ec: {  	v3 =	vadd.s32 v1, v3;
	v58 =	vshrl.u32 v11, $0x3;
	v59 =	vmul.u32 $0x5, v57  }
0x2ed: {  	v11 =	vshll.u32 v11, $0x7;
	v15 =	vand.u32 $0x380, v15;
	v19 =	vld [tilespmem:s6+$0x1C90];
	[tilespmem:s5+$0x54C0] =	vst v5;
	v5 =	vshll.u32 v14, $0x7  }
0x2ee: {  	v14 =	vshll.u32 v53, $0xA;
	v21 =	vmul.u32 $0x5, v58;
	v11 =	vand.u32 $0x380, v11  }
0x2ef: {  	v54 =	vld [tilespmem:s6+$0x1CA0];
	[tilespmem:s5+$0x5450] =	vst v8;
	v5 =	vand.u32 $0x380, v5;
	v8 =	vor.u32 v12, v14;
	v23 =	vshrl.u32 v10, $0x3  }
0x2f0: {  	v10 =	vshll.u32 v10, $0x7;
	v56 =	vld [tilespmem:s6+$0x1CB0];
	v8 =	vor.u32 v55, v8;
	[tilespmem:s5+$0x54D0] =	vst v4;
	v4 =	vshrl.u32 v16, $0x3  }
0x2f1: {  	v24 =	vshrl.u32 v17, $0x3;
	v61 =	vmul.u32 $0x5, v23;
	v16 =	vshll.u32 v16, $0x7  }
0x2f2: {  	v17 =	vshll.u32 v17, $0x7;
	v60 =	vadd.s32 v1, v8;
	v22 =	vld [tilespmem:s6+$0x1CC0];
	v4 =	vmul.u32 $0x5, v4  }
0x2f3: {  	v62 =	vshrl.u32 v9, $0x3;
	v25 =	vld [tilespmem:s6+$0x1CD0];
	v24 =	vmul.u32 $0x5, v24;
	v9 =	vshll.u32 v9, $0x7  }
0x2f4: {  	[tilespmem:s6+$0x54F0] =	vst v60;
	v26 =	vshrl.u32 v7, $0x7;
	v23 =	vmul.u32 $0x5, v62;
	v63 =	vshrl.u32 v19, $0x7  }
0x2f5: {  	[tilespmem:s5+$0x5460] =	vst v6;
	v6 =	vadd.s32 v26, v20;
	v12 =	vadd.s32 v63, v59;
	v29 =	vshrl.u32 v54, $0x7  }
0x2f6: {  	v6 =	vshll.u32 v6, $0xA;
	v20 =	vadd.s32 v29, v21;
	v30 =	vshrl.u32 v56, $0x7  }
0x2f7: {  	v12 =	vshll.u32 v12, $0xA;
	v5 =	vor.u32 v5, v6;
	v6 =	vand.u32 $0x7F, v7  }
0x2f8: {  	v4 =	vadd.s32 v30, v4;
	v31 =	vshrl.u32 v22, $0x7;
	v32 =	vshrl.u32 v25, $0x7  }
0x2f9: {  	v28 =	vld [tilespmem:s6+$0x1CE0];
	[tilespmem:s5+$0x5470] =	vst v2;
	v20 =	vshll.u32 v20, $0xA;
	v5 =	vor.u32 v6, v5;
	v2 =	vor.u32 v15, v12  }
0x2fa: {  	v6 =	vand.u32 $0x7F, v19;
	v14 =	vadd.s32 v31, v61;
	v21 =	vadd.s32 v32, v24  }
0x2fb: {  	v4 =	vshll.u32 v4, $0xA;
	v34 =	vadd.s32 v0, v5;
	v2 =	vor.u32 v6, v2  }
0x2fc: {  	[tilespmem:s5+$0x54E0] =	vst v3;
	v5 =	vadd.s32 v1, v5;
	v6 =	vor.u32 v11, v20;
	v11 =	vand.u32 $0x7F, v54  }
0x2fd: {  	v14 =	vshll.u32 v14, $0xA;
	v3 =	vshll.u32 v21, $0xA;
	[tilespmem:s6+$0x5400] =	vst v34;
	v35 =	vadd.s32 v0, v2  }
0x2fe: {  	[tilespmem:s6+$0x5480] =	vst v5;
	v5 =	vand.u32 $0x380, v16;
	v6 =	vor.u32 v11, v6;
	v2 =	vadd.s32 v1, v2  }
0x2ff: {  	v33 =	vshrl.u32 v28, $0x7;
	[tilespmem:s6+$0x5410] =	vst v35;
	v4 =	vor.u32 v5, v4;
	v5 =	vand.u32 $0x7F, v56  }
0x300: {  	v11 =	vadd.s32 v0, v6;
	[tilespmem:s6+$0x5490] =	vst v2;
	v2 =	vand.u32 $0x380, v10;
	v23 =	vadd.s32 v33, v23  }
0x301: {  	v4 =	vor.u32 v5, v4;
	v5 =	vadd.s32 v1, v6;
	[tilespmem:s6+$0x5420] =	vst v11;
	v2 =	vor.u32 v2, v14  }
0x302: {  	v6 =	vand.u32 $0x7F, v22;
	v7 =	vshll.u32 v23, $0xA;
	v10 =	vadd.s32 v0, v4;
	[tilespmem:s6+$0x54A0] =	vst v5  }
0x303: {  	v5 =	vand.u32 $0x380, v17;
	v2 =	vor.u32 v6, v2;
	v4 =	vadd.s32 v1, v4;
	[tilespmem:s6+$0x5430] =	vst v10  }
0x304: {  	v3 =	vor.u32 v5, v3;
	v5 =	vand.u32 $0x7F, v25;
	v6 =	vadd.s32 v0, v2;
	[tilespmem:s6+$0x54B0] =	vst v4  }
0x305: {  	v4 =	vand.u32 $0x380, v9;
	v2 =	vadd.s32 v1, v2;
	v3 =	vor.u32 v5, v3;
	[tilespmem:s6+$0x5440] =	vst v6  }
0x306: {  	v4 =	vor.u32 v4, v7;
	v5 =	vand.u32 $0x7F, v28;
	[tilespmem:s6+$0x54C0] =	vst v2;
	v6 =	vadd.s32 v0, v3  }
0x307: {  	v2 =	vor.u32 v5, v4;
	v3 =	vadd.s32 v1, v3;
	[tilespmem:s6+$0x5450] =	vst v6  }
0x308: {  	v4 =	vadd.s32 v0, v2;
	[tilespmem:s6+$0x54D0] =	vst v3  }
0x309: {  	v2 =	vadd.s32 v1, v2;
	[tilespmem:s6+$0x5460] =	vst v4  }
0x30a: {  	v3 =	vadd.s32 v0, v8;
	[tilespmem:s6+$0x54E0] =	vst v2  }
0x30b: {  	[tilespmem:s6+$0x5470] =	vst v3  }
0x30c: {  	_ =	swait.ge [sflag:s2], $0x1C00  }
0x30d: {  	[sflag:s2] =	ssyncset.done $0x0  }
0x30e: {  	[sflag:s2] =	ssyncadd.s32 $0xFFFFE400  }
0x30f: {  	[tilespmem:s28], [sflag:$0x4] =	stream.indirect.gather [hbm4b:s1+s22], $0x1, s26, s22, $0xb8;
	[tilespmem:$0xA800] =	vst v63  }
0x310: {  	_ =	swait.ge [sflag:s29], $0x1C00  }
0x311: {  	[sflag:s29] =	ssyncset.done $0x0  }
0x312: {  	s7 =	simm.s32 $0x0;
	[sflag:s29] =	ssyncadd.s32 $0xFFFFE400  }
0x313: {  	[hbm4b:s16+s7] =	stream.linear.scatter [tilespmem:s24], [sflag:$0x5], $0x1C00, $0x38;
	[tilespmem:$0xA800] =	vst v63  }
0x314: {  	_ =	swait.ge [sflag:s4], $0x1C00  }
0x315: {  	[sflag:s4] =	ssyncset.done $0x0  }
0x316: {  	s5 =	simm.s32 $0x0;
	[sflag:s4] =	ssyncadd.s32 $0xFFFFE400  }
0x317: {  	v2 =	vld [tilespmem:s5+$0x70]  }
0x318: {  	v3 =	vld [tilespmem:s5+$0x0]  }
0x319: {  	v4 =	vld [tilespmem:s5+$0xF0]  }
0x31a: {  	v5 =	vld [tilespmem:s5+$0x10]  }
0x31b: {  	v6 =	vld [tilespmem:s5+$0x20]  }
0x31c: {  	v7 =	vld [tilespmem:s5+$0x30]  }
0x31d: {  	v9 =	vld [tilespmem:s5+$0x40]  }
0x31e: {  	v11 =	vld [tilespmem:s5+$0x50]  }
0x31f: {  	v37 =	vld [tilespmem:s5+$0x60]  }
0x320: {  	v39 =	vld [tilespmem:s5+$0x80]  }
0x321: {  	v41 =	vld [tilespmem:s5+$0x90]  }
0x322: {  	v44 =	vld [tilespmem:s5+$0xB0];
	v8 =	vshrl.u32 v2, $0x3  }
0x323: {  	v47 =	vld [tilespmem:s5+$0xC0];
	v10 =	vshrl.u32 v3, $0x3;
	v3 =	vshll.u32 v3, $0x7;
	v36 =	vshrl.u32 v4, $0x7  }
0x324: {  	v50 =	vld [tilespmem:s5+$0xD0];
	v38 =	vshrl.u32 v5, $0x3;
	v2 =	vshll.u32 v2, $0x7;
	v40 =	vshrl.u32 v6, $0x3  }
0x325: {  	v52 =	vld [tilespmem:s5+$0xE0];
	v42 =	vshrl.u32 v7, $0x3;
	v4 =	vand.u32 $0x7F, v4;
	v43 =	vshrl.u32 v9, $0x3  }
0x326: {  	v45 =	vshrl.u32 v11, $0x3;
	v48 =	vshrl.u32 v37, $0x3;
	v49 =	vshrl.u32 v39, $0x7  }
0x327: {  	v51 =	vshrl.u32 v41, $0x7;
	v5 =	vshll.u32 v5, $0x7;
	v6 =	vshll.u32 v6, $0x7  }
0x328: {  	v54 =	vshrl.u32 v44, $0x7;
	v7 =	vshll.u32 v7, $0x7;
	v55 =	vshrl.u32 v47, $0x7  }
0x329: {  	v9 =	vshll.u32 v9, $0x7;
	v56 =	vshrl.u32 v50, $0x7;
	v11 =	vshll.u32 v11, $0x7  }
0x32a: {  	v57 =	vshrl.u32 v52, $0x7;
	v13 =	vshll.u32 v37, $0x7;
	v60 =	vand.u32 $0x7F, v41  }
0x32b: {  	v62 =	vand.u32 $0x7F, v44;
	v63 =	vand.u32 $0x7F, v47;
	v8 =	vmul.u32 $0x5, v8  }
0x32c: {  	v10 =	vmul.u32 $0x5, v10;
	v3 =	vand.u32 $0x380, v3;
	v2 =	vand.u32 $0x380, v2  }
0x32d: {  	v14 =	vmul.u32 $0x5, v38;
	v17 =	vmul.u32 $0x5, v42;
	v18 =	vmul.u32 $0x5, v43  }
0x32e: {  	v15 =	vmul.u32 $0x5, v45;
	v22 =	vmul.u32 $0x5, v48;
	v5 =	vand.u32 $0x380, v5  }
0x32f: {  	v6 =	vand.u32 $0x380, v6;
	v7 =	vand.u32 $0x380, v7;
	v9 =	vand.u32 $0x380, v9  }
0x330: {  	v8 =	vadd.s32 v36, v8;
	v10 =	vadd.s32 v49, v10;
	v14 =	vadd.s32 v51, v14  }
0x331: {  	v17 =	vadd.s32 v54, v17;
	v18 =	vadd.s32 v55, v18;
	v8 =	vshll.u32 v8, $0xA  }
0x332: {  	v15 =	vadd.s32 v56, v15;
	v20 =	vadd.s32 v57, v22;
	v2 =	vor.u32 v2, v8;
	v8 =	vld [tilespmem:s5+$0xA0]  }
0x333: {  	v10 =	vshll.u32 v10, $0xA;
	v14 =	vshll.u32 v14, $0xA;
	v17 =	vshll.u32 v17, $0xA  }
0x334: {  	v18 =	vshll.u32 v18, $0xA;
	v15 =	vshll.u32 v15, $0xA;
	v20 =	vshll.u32 v20, $0xA  }
0x335: {  	v10 =	vor.u32 v3, v10;
	v3 =	vand.u32 $0x380, v11;
	v11 =	vand.u32 $0x380, v13  }
0x336: {  	v5 =	vor.u32 v5, v14;
	v2 =	vor.u32 v4, v2;
	v4 =	vmul.u32 $0x5, v40  }
0x337: {  	v7 =	vor.u32 v7, v17;
	v59 =	vor.u32 v9, v18;
	v53 =	vshrl.u32 v8, $0x7  }
0x338: {  	v9 =	vand.u32 $0x7F, v39;
	v7 =	vor.u32 v62, v7;
	v4 =	vadd.s32 v53, v4  }
0x339: {  	v46 =	vadd.s32 v1, v2;
	v61 =	vand.u32 $0x7F, v8;
	v4 =	vshll.u32 v4, $0xA  }
0x33a: {  	v8 =	vand.u32 $0x7F, v52;
	v58 =	vor.u32 v6, v4;
	v4 =	vor.u32 v3, v15  }
0x33b: {  	v3 =	vor.u32 v11, v20;
	v6 =	vand.u32 $0x7F, v50;
	v11 =	vor.u32 v9, v10  }
0x33c: {  	s6 =	simm.s32 $0x100;
	s7 =	simm.s32 $0x800;
	[tilespmem:s5+$0x38F0] =	vst v46;
	v10 =	vor.u32 v60, v5;
	v5 =	vor.u32 v63, v59;
	v9 =	vor.u32 v61, v58  }
.LBB2_14:
0x33d: {  	p0 =	sne.s32 s7, $0x6C00;
	v12 =	vld [tilespmem:s6+$0x70];
	v13 =	vadd.s32 v0, v11;
	v4 =	vor.u32 v6, v4;
	v3 =	vor.u32 v8, v3  }
0x33e: {  	v8 =	vadd.s32 v1, v11;
	v11 =	vadd.s32 v0, v10;
	v10 =	vadd.s32 v1, v10;
	v6 =	vld [tilespmem:s6+$0x0];
	[tilespmem:s5+$0x3800] =	vst v13  }
0x33f: {  	v14 =	vadd.s32 v0, v7;
	v13 =	vld [tilespmem:s6+$0xF0];
	[tilespmem:s5+$0x3880] =	vst v8;
	v8 =	vadd.s32 v0, v9;
	v9 =	vadd.s32 v1, v9  }
0x340: {  	v7 =	vadd.s32 v1, v7;
	v15 =	vld [tilespmem:s6+$0x10];
	[tilespmem:s5+$0x3810] =	vst v11;
	v11 =	vadd.s32 v0, v5;
	v5 =	vadd.s32 v1, v5  }
0x341: {  	v17 =	vadd.s32 v0, v3;
	v16 =	vld [tilespmem:s6+$0x20];
	[tilespmem:s5+$0x3890] =	vst v10;
	v10 =	vadd.s32 v0, v4;
	v4 =	vadd.s32 v1, v4  }
0x342: {  	v3 =	vadd.s32 v1, v3;
	v18 =	vld [tilespmem:s6+$0x30];
	v19 =	vshrl.u32 v12, $0x3;
	[tilespmem:s5+$0x3820] =	vst v8;
	v8 =	vadd.s32 v0, v2  }
0x343: {  	v2 =	vshrl.u32 v6, $0x3;
	v6 =	vshll.u32 v6, $0x7;
	v20 =	vld [tilespmem:s6+$0x40];
	v19 =	vmul.u32 $0x5, v19;
	[tilespmem:s5+$0x38A0] =	vst v9  }
0x344: {  	v9 =	vmul.u32 $0x5, v2;
	v6 =	vand.u32 $0x380, v6;
	v21 =	vld [tilespmem:s6+$0x50];
	v2 =	vshrl.u32 v13, $0x7;
	[tilespmem:s5+$0x3830] =	vst v14  }
0x345: {  	v12 =	vshll.u32 v12, $0x7;
	v14 =	vshrl.u32 v15, $0x3;
	v22 =	vld [tilespmem:s6+$0x60];
	v2 =	vadd.s32 v2, v19;
	[tilespmem:s5+$0x38B0] =	vst v7  }
0x346: {  	v12 =	vand.u32 $0x380, v12;
	v7 =	vld [tilespmem:s6+$0x80];
	v19 =	vshrl.u32 v16, $0x3;
	v2 =	vshll.u32 v2, $0xA;
	[tilespmem:s5+$0x3840] =	vst v11  }
0x347: {  	v11 =	vld [tilespmem:s6+$0x90];
	v23 =	vshrl.u32 v18, $0x3;
	v2 =	vor.u32 v12, v2;
	v12 =	vand.u32 $0x7F, v13;
	[tilespmem:s5+$0x38C0] =	vst v5  }
0x348: {  	v5 =	vmul.u32 $0x5, v14;
	v13 =	vld [tilespmem:s6+$0xA0];
	v14 =	vshrl.u32 v20, $0x3;
	v2 =	vor.u32 v12, v2;
	[tilespmem:s5+$0x3850] =	vst v10  }
0x349: {  	v10 =	vmul.u32 $0x5, v19;
	v12 =	vld [tilespmem:s6+$0xB0];
	v19 =	vshrl.u32 v21, $0x3;
	v24 =	vadd.s32 v1, v2;
	[tilespmem:s5+$0x38D0] =	vst v4  }
0x34a: {  	v4 =	vmul.u32 $0x5, v23;
	v14 =	vmul.u32 $0x5, v14;
	v23 =	vld [tilespmem:s6+$0xC0];
	v25 =	vshrl.u32 v22, $0x3;
	[tilespmem:s6+$0x38F0] =	vst v24  }
0x34b: {  	v19 =	vmul.u32 $0x5, v19;
	v24 =	vshrl.u32 v7, $0x7;
	v26 =	vld [tilespmem:s6+$0xD0];
	v25 =	vmul.u32 $0x5, v25;
	[tilespmem:s5+$0x3860] =	vst v17  }
0x34c: {  	v15 =	vshll.u32 v15, $0x7;
	v9 =	vadd.s32 v24, v9;
	v17 =	vshrl.u32 v11, $0x7;
	v24 =	vld [tilespmem:s6+$0xE0];
	[tilespmem:s5+$0x38E0] =	vst v3  }
0x34d: {  	v16 =	vshll.u32 v16, $0x7;
	v3 =	vadd.s32 v17, v5;
	v5 =	vshrl.u32 v13, $0x7;
	[tilespmem:s5+$0x3870] =	vst v8;
	s5 =	smov.u32 s6  }
0x34e: {  	v5 =	vadd.s32 v5, v10;
	v8 =	vshrl.u32 v12, $0x7;
	v10 =	vshll.u32 v18, $0x7  }
0x34f: {  	v17 =	vshll.u32 v20, $0x7;
	v4 =	vadd.s32 v8, v4;
	v8 =	vshrl.u32 v23, $0x7  }
0x350: {  	v18 =	vshll.u32 v21, $0x7;
	v8 =	vadd.s32 v8, v14;
	v14 =	vshrl.u32 v26, $0x7  }
0x351: {  	v20 =	vshll.u32 v22, $0x7;
	v14 =	vadd.s32 v14, v19;
	v19 =	vshrl.u32 v24, $0x7  }
0x352: {  	v9 =	vshll.u32 v9, $0xA;
	v3 =	vshll.u32 v3, $0xA;
	v19 =	vadd.s32 v19, v25  }
0x353: {  	v5 =	vshll.u32 v5, $0xA;
	v4 =	vshll.u32 v4, $0xA;
	v8 =	vshll.u32 v8, $0xA  }
0x354: {  	v15 =	vand.u32 $0x380, v15;
	v14 =	vshll.u32 v14, $0xA;
	v19 =	vshll.u32 v19, $0xA  }
0x355: {  	v16 =	vand.u32 $0x380, v16;
	v17 =	vand.u32 $0x380, v17;
	v10 =	vand.u32 $0x380, v10  }
0x356: {  	v9 =	vor.u32 v6, v9;
	v6 =	vand.u32 $0x380, v18;
	v18 =	vand.u32 $0x380, v20  }
0x357: {  	v15 =	vor.u32 v15, v3;
	v5 =	vor.u32 v16, v5;
	v16 =	vor.u32 v10, v4  }
.Ltmp6:
0x358: {  	v17 =	vor.u32 v17, v8;
	v4 =	vor.u32 v6, v14;
	v3 =	vor.u32 v18, v19;
	(pc) =	sbr.rel @p0 .LBB2_14-.Ltmp6, $4  }
0x359: {  	v7 =	vand.u32 $0x7F, v7;
	v13 =	vand.u32 $0x7F, v13;
	v8 =	vand.u32 $0x7F, v11  }
0x35a: {  	v12 =	vand.u32 $0x7F, v12;
	v14 =	vand.u32 $0x7F, v23;
	v6 =	vand.u32 $0x7F, v26  }
0x35b: {  	v11 =	vor.u32 v7, v9;
	v10 =	vor.u32 v8, v15;
	v8 =	vand.u32 $0x7F, v24  }
0x35c: {  	s6 =	sshra.s32 s7, $0x2;
	s7 =	sadd.s32 $0x400, s7;
	v9 =	vor.u32 v13, v5;
	v7 =	vor.u32 v12, v16;
	v5 =	vor.u32 v14, v17  }
0x35d: {  	v12 =	vld [tilespmem:s6+$0x70];
	v13 =	vadd.s32 v0, v11  }
0x35e: {  	v14 =	vld [tilespmem:s6+$0x0];
	v53 =	vadd.s32 v1, v11;
	v54 =	vadd.s32 v0, v10;
	v55 =	vadd.s32 v1, v10  }
0x35f: {  	v56 =	vadd.s32 v0, v9;
	v57 =	vadd.s32 v1, v9;
	v58 =	vadd.s32 v0, v7;
	[tilespmem:s5+$0x3800] =	vst v13  }
0x360: {  	v59 =	vadd.s32 v1, v7;
	v4 =	vor.u32 v6, v4;
	v3 =	vor.u32 v8, v3;
	v13 =	vld [tilespmem:s6+$0xF0]  }
0x361: {  	v60 =	vadd.s32 v0, v5;
	v61 =	vadd.s32 v1, v5;
	v2 =	vadd.s32 v0, v2;
	[tilespmem:s5+$0x3880] =	vst v53  }
0x362: {  	v62 =	vadd.s32 v0, v4;
	v4 =	vadd.s32 v1, v4;
	v63 =	vadd.s32 v0, v3;
	v15 =	vld [tilespmem:s6+$0x10];
	[tilespmem:s5+$0x3810] =	vst v54  }
0x363: {  	v3 =	vadd.s32 v1, v3;
	v11 =	vld [tilespmem:s6+$0x20];
	[tilespmem:s5+$0x3890] =	vst v55;
	v18 =	vshrl.u32 v12, $0x3;
	v20 =	vshrl.u32 v14, $0x3  }
0x364: {  	v16 =	vld [tilespmem:s6+$0x30];
	v26 =	vshll.u32 v14, $0x7;
	v12 =	vshll.u32 v12, $0x7;
	v18 =	vmul.u32 $0x5, v18  }
0x365: {  	[tilespmem:s5+$0x3820] =	vst v56;
	v20 =	vmul.u32 $0x5, v20;
	v12 =	vand.u32 $0x380, v12;
	v21 =	vshrl.u32 v13, $0x7  }
0x366: {  	v10 =	vld [tilespmem:s6+$0x40];
	[tilespmem:s5+$0x38A0] =	vst v57;
	v5 =	vand.u32 $0x380, v26;
	v30 =	vand.u32 $0x7F, v13;
	v27 =	vadd.s32 v21, v18  }
0x367: {  	v17 =	vld [tilespmem:s6+$0x50];
	v32 =	vshrl.u32 v15, $0x3;
	v15 =	vshll.u32 v15, $0x7;
	v14 =	vshll.u32 v27, $0xA  }
0x368: {  	[tilespmem:s5+$0x3830] =	vst v58;
	v33 =	vshrl.u32 v11, $0x3;
	v35 =	vmul.u32 $0x5, v32;
	v11 =	vshll.u32 v11, $0x7  }
0x369: {  	v9 =	vld [tilespmem:s6+$0x60];
	[tilespmem:s5+$0x38B0] =	vst v59;
	v15 =	vand.u32 $0x380, v15;
	v29 =	vor.u32 v12, v14;
	v34 =	vshrl.u32 v16, $0x3  }
0x36a: {  	v7 =	vld [tilespmem:s6+$0x80];
	[tilespmem:s5+$0x3840] =	vst v60;
	v21 =	vmul.u32 $0x5, v33;
	v16 =	vshll.u32 v16, $0x7;
	v11 =	vand.u32 $0x380, v11  }
0x36b: {  	v19 =	vld [tilespmem:s6+$0x90];
	[tilespmem:s5+$0x38C0] =	vst v61;
	v8 =	vor.u32 v30, v29;
	v23 =	vshrl.u32 v10, $0x3;
	v10 =	vshll.u32 v10, $0x7  }
0x36c: {  	v28 =	vld [tilespmem:s6+$0xA0];
	[tilespmem:s5+$0x3850] =	vst v62;
	v54 =	vand.u32 $0x380, v16;
	v36 =	vadd.s32 v1, v8;
	v24 =	vshrl.u32 v17, $0x3  }
0x36d: {  	v31 =	vld [tilespmem:s6+$0xB0];
	[tilespmem:s5+$0x38D0] =	vst v4;
	v4 =	vmul.u32 $0x5, v34;
	v37 =	vmul.u32 $0x5, v23;
	v17 =	vshll.u32 v17, $0x7  }
0x36e: {  	v38 =	vshrl.u32 v9, $0x3;
	v24 =	vmul.u32 $0x5, v24;
	v9 =	vshll.u32 v9, $0x7  }
0x36f: {  	v22 =	vld [tilespmem:s6+$0xC0];
	v59 =	vand.u32 $0x380, v17;
	v26 =	vshrl.u32 v7, $0x7;
	v23 =	vmul.u32 $0x5, v38  }
0x370: {  	v25 =	vld [tilespmem:s6+$0xD0];
	v47 =	vand.u32 $0x7F, v7;
	v39 =	vadd.s32 v26, v20;
	v40 =	vshrl.u32 v19, $0x7  }
0x371: {  	v49 =	vand.u32 $0x7F, v19;
	v12 =	vadd.s32 v40, v35;
	v42 =	vshrl.u32 v28, $0x7  }
0x372: {  	v6 =	vshll.u32 v39, $0xA;
	v52 =	vand.u32 $0x7F, v28;
	v20 =	vadd.s32 v42, v21  }
0x373: {  	[tilespmem:s6+$0x38F0] =	vst v36;
	v43 =	vshrl.u32 v31, $0x7;
	v12 =	vshll.u32 v12, $0xA;
	v5 =	vor.u32 v5, v6  }
0x374: {  	[tilespmem:s5+$0x3860] =	vst v63;
	v55 =	vand.u32 $0x7F, v31;
	v4 =	vadd.s32 v43, v4;
	v44 =	vshrl.u32 v22, $0x7  }
0x375: {  	v41 =	vld [tilespmem:s6+$0xE0];
	[tilespmem:s5+$0x38E0] =	vst v3;
	v45 =	vshrl.u32 v25, $0x7;
	v20 =	vshll.u32 v20, $0xA;
	v5 =	vor.u32 v47, v5  }
0x376: {  	[tilespmem:s5+$0x3870] =	vst v2;
	v2 =	vor.u32 v15, v12;
	v57 =	vand.u32 $0x7F, v22;
	v50 =	vadd.s32 v0, v5  }
0x377: {  	v60 =	vand.u32 $0x7F, v25;
	v2 =	vor.u32 v49, v2;
	v5 =	vadd.s32 v1, v5;
	[tilespmem:s6+$0x3800] =	vst v50  }
0x378: {  	v14 =	vadd.s32 v44, v37;
	v51 =	vor.u32 v11, v20;
	v53 =	vadd.s32 v0, v2;
	[tilespmem:s6+$0x3880] =	vst v5  }
0x379: {  	v4 =	vshll.u32 v4, $0xA;
	v6 =	vor.u32 v52, v51;
	v2 =	vadd.s32 v1, v2;
	[tilespmem:s6+$0x3810] =	vst v53  }
0x37a: {  	v21 =	vadd.s32 v45, v24;
	v4 =	vor.u32 v54, v4;
	v11 =	vadd.s32 v0, v6;
	[tilespmem:s6+$0x3890] =	vst v2  }
0x37b: {  	v3 =	vshll.u32 v21, $0xA;
	v4 =	vor.u32 v55, v4;
	v56 =	vadd.s32 v1, v6;
	[tilespmem:s6+$0x3820] =	vst v11  }
0x37c: {  	v14 =	vshll.u32 v14, $0xA;
	v3 =	vor.u32 v59, v3;
	v58 =	vadd.s32 v0, v4;
	[tilespmem:s6+$0x38A0] =	vst v56  }
0x37d: {  	v2 =	vand.u32 $0x380, v10;
	v4 =	vadd.s32 v1, v4;
	v3 =	vor.u32 v60, v3;
	[tilespmem:s6+$0x3830] =	vst v58  }
0x37e: {  	v46 =	vshrl.u32 v41, $0x7;
	v2 =	vor.u32 v2, v14;
	[tilespmem:s6+$0x38B0] =	vst v4;
	v63 =	vadd.s32 v0, v3  }
0x37f: {  	v23 =	vadd.s32 v46, v23;
	v2 =	vor.u32 v57, v2;
	v3 =	vadd.s32 v1, v3;
	[tilespmem:s6+$0x3850] =	vst v63  }
0x380: {  	v61 =	vand.u32 $0x380, v9;
	v48 =	vshll.u32 v23, $0xA;
	v6 =	vadd.s32 v0, v2;
	[tilespmem:s6+$0x38D0] =	vst v3  }
0x381: {  	v62 =	vand.u32 $0x7F, v41;
	v4 =	vor.u32 v61, v48;
	v2 =	vadd.s32 v1, v2;
	[tilespmem:s6+$0x3840] =	vst v6  }
0x382: {  	v3 =	vadd.s32 v0, v8;
	[tilespmem:s6+$0x38C0] =	vst v2;
	v2 =	vor.u32 v62, v4  }
0x383: {  	[tilespmem:s6+$0x3870] =	vst v3;
	v4 =	vadd.s32 v0, v2  }
0x384: {  	v2 =	vadd.s32 v1, v2;
	[tilespmem:s6+$0x3860] =	vst v4  }
0x385: {  	[tilespmem:s6+$0x38E0] =	vst v2  }
0x386: {  	_ =	swait.ge [sflag:s30], $0x1C00  }
0x387: {  	[sflag:s30] =	ssyncset.done $0x0  }
0x388: {  	[sflag:s30] =	ssyncadd.s32 $0xFFFFE400  }
0x389: {  	[tilespmem:s24], [sflag:$0x3] =	stream.indirect.gather [hbm4b:s1+s22], $0x1, s23, s22, $0xb8;
	[tilespmem:$0xA800] =	vst v63  }
0x38a: {  	_ =	swait.ge [sflag:s31], $0x1C00  }
0x38b: {  	[sflag:s31] =	ssyncset.done $0x0  }
0x38c: {  	[sflag:s31] =	ssyncadd.s32 $0xFFFFE400  }
0x38d: {  	[hbm4b:s17+s3] =	stream.linear.scatter [tilespmem:s28], [sflag:$0x6], $0x1C00, $0x38;
	[tilespmem:$0xA800] =	vst v63  }
0x38e: {  	_ =	swait.ge [sflag:s29], $0x1C00  }
0x38f: {  	[sflag:s29] =	ssyncset.done $0x0  }
0x390: {  	s0 =	sadd.s32 $0x1, s0;
	[sflag:s29] =	ssyncadd.s32 $0xFFFFE400  }
0x391: {  	[hbm4b:s18+s3] =	stream.linear.scatter [tilespmem:s24], [sflag:$0x5], $0x1C00, $0x38;
	[tilespmem:$0xA800] =	vst v63  }
0x392: {  	p0 =	sne.s32 s0, s19;
	_ =	swait.ge [sflag:s2], $0x1C00  }
.Ltmp7:
0x393: {  	[sflag:s2] =	ssyncset.done $0x0;
	(pc) =	sbr.rel @p0 .LBB2_1-.Ltmp7, $4  }
0x394: {  	[sflag:s2] =	ssyncadd.s32 $0xFFFFE400  }
0x395: {  	_ =	swait.ge [sflag:s30], $0x1C00  }
0x396: {  	[sflag:s30] =	ssyncset.done $0x0  }
0x397: {  	[sflag:s30] =	ssyncadd.s32 $0xFFFFE400  }
0x398: {  	_ =	sfence.sel $0x180000  }
0x399: {  	[bflag:$0x0] =	sbarrier.arrive $0xFFFF  }
0x39a: {  	_ =	strace $0x90000047  }
0x39b: {  	s0 =	stileid.u32;
	[bflag:$0x2] =	sbarrier.arrive $0xFFFF  }
0x39c: {  	p0 =	sne.s32 s0, $0x0;
	s0 =	rddreg [dreg:$0x3]  }
0x39d: {  	s0 =	sadd.s32 @!p0 $0x100000, s0  }
0x39e: {  	[sflag:s0] =	ssyncadd.tile.s32 @!p0 $0x1;
	_ =	shalt  }
.Lfunc_end2:
_tile_overlayer_lowered:
.L_overlay_start_2:
0x39f: {  	(tag) =	ssettag $0x2  }
0x3a0: {  	s0 =	rddreg [dreg:$0x0];
	s2 =	stileid.u32  }
0x3a1: {  	s1 =	rddreg [dreg:$0x1];
	p0 =	sne.s32 s2, $0x0  }
0x3a2: {  	s3 =	rddreg [dreg:$0x2];
	[bflag:$0x3] =	sbarrier.arrive $0xFFFF;
	s2 =	simm.s32 @!p0 $0x1C07  }
0x3a3: {  	[timem:s3], [sflag:s2] =	dma.local @!p0 [hbm:s0], s1  }
0x3a4: {  	s0 =	simm.s32 @!p0 $0x7  }
0x3a5: {  	_ =	swait.ge @!p0 [sflag:s0], s1  }
0x3a6: {  	s1 =	ssub.s32 @!p0 $0x0, s1;
	[sflag:s0] =	ssyncset.done @!p0 $0x0  }
0x3a7: {  	[sflag:s0] =	ssyncadd.s32 @!p0 s1  }
0x3a8: {  	[bflag:$0x3] =	sbarrier.arrive $0xFFFF  }
0x3a9: {  	_ =	shalt  }

</sc_bundles>
